<compile_context>
chip_gen: v7x
topology: tpu7x:2x2x1
jax: 0.10.2.dev20260603
libtpu: 0.0.44.dev20260713+nightly
codegen_flags: <defaults>
</compile_context>

<pallas_src>
import functools

import jax
import jax.numpy as jnp
from jax import lax
from jax.experimental import pallas as pl
from jax.experimental.pallas import tpu as pltpu
from jax.experimental.pallas import tpu_sc as plsc

NC = 2
NS = 16
NW = NC * NS
C = 128
NB = 6
NCH = 78
XTRA = 4
NP = 10240
ND = 1000


def _sc_mesh():
    return plsc.VectorSubcoreMesh(
        core_axis_name="c", subcore_axis_name="s", num_cores=NC, num_subcores=NS
    )


def _chunk_range(wid):
    return NCH * wid + jnp.minimum(wid, XTRA)


@functools.cache
def _deg_pass(n, h):
    rpt = n // NS

    @functools.partial(
        pl.kernel,
        out_type=jax.ShapeDtypeStruct((NC, n, h), jnp.float32),
        mesh=_sc_mesh(),
        scratch_types=[
            pltpu.VMEM((NCH + 1, 2, C), jnp.int32),
            pltpu.VMEM((C, h), jnp.float32),
            pltpu.VMEM_SHARED((n, h), jnp.float32),
        ]
        + [pltpu.SemaphoreType.DMA] * NB,
        compiler_params=pltpu.CompilerParams(use_tc_tiling_on_sc=False),
    )
    def deg_pass(er_hbm, zeros_hbm, ones_hbm, out_hbm, idx_v, buf, acc, *ssem):
        cid = lax.axis_index("c")
        sid = lax.axis_index("s")
        wid = sid * NC + cid
        start = _chunk_range(wid)
        pltpu.sync_copy(er_hbm.at[pl.ds(start, NCH)], idx_v.at[pl.ds(0, NCH)])

        @pl.when(wid < XTRA)
        def _():
            pltpu.sync_copy(
                er_hbm.at[pl.ds(start + NCH, 1)], idx_v.at[pl.ds(NCH, 1)]
            )

        pltpu.sync_copy(ones_hbm, buf)
        pltpu.sync_copy(
            zeros_hbm.at[pl.ds(sid * rpt, rpt)], acc.at[pl.ds(sid * rpt, rpt)]
        )
        plsc.subcore_barrier()

        for b in range(NB):
            pltpu.async_copy(buf, acc.at[idx_v.at[b, 1]], ssem[b], add=True)

        def body(i, carry):
            for b in range(NB):
                j = (i + 1) * NB + b
                pltpu.make_async_copy(ones_hbm, buf, ssem[b]).wait()
                pltpu.async_copy(buf, acc.at[idx_v.at[j, 1]], ssem[b], add=True)
            return carry

        lax.fori_loop(0, NCH // NB - 1, body, 0)
        for b in range(NB):
            pltpu.make_async_copy(ones_hbm, buf, ssem[b]).wait()

        @pl.when(wid < XTRA)
        def _():
            pltpu.sync_copy(buf, acc.at[idx_v.at[NCH, 1]], add=True)

        plsc.subcore_barrier()
        pltpu.sync_copy(
            acc.at[pl.ds(sid * rpt, rpt)], out_hbm.at[cid, pl.ds(sid * rpt, rpt)]
        )

    return deg_pass


@functools.cache
def _edge_pass(n, h):
    rpt = n // NS

    @functools.partial(
        pl.kernel,
        out_type=jax.ShapeDtypeStruct((NC, n, h), jnp.float32),
        mesh=_sc_mesh(),
        scratch_types=[
            pltpu.VMEM((NCH + 1, 2, C), jnp.int32),
        ]
        + [pltpu.VMEM((C, h), jnp.float32)] * NB
        + [pltpu.VMEM_SHARED((n, h), jnp.float32)]
        + [pltpu.SemaphoreType.DMA] * NB,
        compiler_params=pltpu.CompilerParams(use_tc_tiling_on_sc=False),
    )
    def edge_pass(g_hbm, er_hbm, zeros_hbm, out_hbm, idx_v, *rest):
        bufs = rest[:NB]
        acc = rest[NB]
        gsem = rest[NB + 1:]
        cid = lax.axis_index("c")
        sid = lax.axis_index("s")
        wid = sid * NC + cid
        start = _chunk_range(wid)
        pltpu.sync_copy(er_hbm.at[pl.ds(start, NCH)], idx_v.at[pl.ds(0, NCH)])

        @pl.when(wid < XTRA)
        def _():
            pltpu.sync_copy(
                er_hbm.at[pl.ds(start + NCH, 1)], idx_v.at[pl.ds(NCH, 1)]
            )

        pltpu.sync_copy(
            zeros_hbm.at[pl.ds(sid * rpt, rpt)], acc.at[pl.ds(sid * rpt, rpt)]
        )
        plsc.subcore_barrier()

        for b in range(NB):
            pltpu.async_copy(g_hbm.at[idx_v.at[b, 0]], bufs[b], gsem[b])

        def body(i, carry):
            for b in range(NB):
                j = i * NB + b
                pltpu.make_async_copy(
                    zeros_hbm.at[pl.ds(0, C)], bufs[b], gsem[b]
                ).wait()
                pltpu.sync_copy(bufs[b], acc.at[idx_v.at[j, 1]], add=True)
                jn = jnp.where(j + NB < NCH, j + NB, 0)
                pltpu.async_copy(g_hbm.at[idx_v.at[jn, 0]], bufs[b], gsem[b])
            return carry

        lax.fori_loop(0, NCH // NB, body, 0)
        for b in range(NB):
            pltpu.make_async_copy(
                zeros_hbm.at[pl.ds(0, C)], bufs[b], gsem[b]
            ).wait()

        @pl.when(wid < XTRA)
        def _():
            pltpu.async_copy(g_hbm.at[idx_v.at[NCH, 0]], bufs[0], gsem[0]).wait()
            pltpu.sync_copy(bufs[0], acc.at[idx_v.at[NCH, 1]], add=True)

        plsc.subcore_barrier()
        pltpu.sync_copy(
            acc.at[pl.ds(sid * rpt, rpt)], out_hbm.at[cid, pl.ds(sid * rpt, rpt)]
        )

    return edge_pass


def _mm_body(x_ref, w_ref, y_ref):
    n = x_ref.shape[0]
    y_ref[pl.ds(0, n), :] = jnp.dot(
        x_ref[...], w_ref[...], preferred_element_type=jnp.float32
    )


def _combine1_body(dd_ref, y1_ref, g1_ref, dinv_ref):
    deg = dd_ref[0] + dd_ref[1] + 1.0
    dinv = lax.rsqrt(deg)
    g1_ref[...] = y1_ref[...] * dinv
    dinv_ref[...] = dinv


def _combine2_body(p_ref, g1_ref, dinv_ref, b1_ref, w2_ref, g2_ref):
    s = (p_ref[0] + p_ref[1] + g1_ref[...]) * dinv_ref[...]
    h1 = jnp.maximum(s + b1_ref[...], 0.0)
    g2_ref[...] = (
        jnp.dot(h1, w2_ref[...], preferred_element_type=jnp.float32)
        * dinv_ref[...]
    )


def _hd_body(qa_ref, qb_ref, g2_ref, dinv_ref, b2_ref, hd_ref):
    hd_ref[...] = (
        (qa_ref[...] + qb_ref[...] + g2_ref[...]) * dinv_ref[...] + b2_ref[...]
    )


def _score_body(hd_ref, p_ref, out_ref):
    hd = hd_ref[pl.ds(0, out_ref.shape[0]), :]
    hp = jnp.dot(hd, p_ref[...], preferred_element_type=jnp.float32)
    out_ref[...] = lax.dot_general(
        hp, hd, (((1,), (1,)), ((), ())), preferred_element_type=jnp.float32
    )


def kernel(x, edge_index, number_of_drugs, W1, b1, W2, b2, P):
    n, d = x.shape
    h = W1.shape[1]
    e = edge_index.shape[1]
    assert e == NW * NCH * C + XTRA * C and h == 16
    assert n <= NP and NP % NS == 0 and (NP * h // 128) % 8 == 0
    nr = NP * h // 128
    f32 = jnp.float32

    er = edge_index.reshape(2, e // C, C).transpose(1, 0, 2)
    zeros = jnp.zeros((NP, h), f32)
    ones_c = jnp.ones((C, h), f32)
    w2_bd = jnp.kron(jnp.eye(8, dtype=f32), W2)
    b1t = jnp.tile(b1, 8).reshape(1, 128)
    b2t = jnp.tile(b2, 8).reshape(1, 128)

    dd = _deg_pass(NP, h)(er, zeros, ones_c)
    dd_r = dd.reshape(NC, nr, 128)

    y1 = pl.pallas_call(
        _mm_body,
        out_shape=jax.ShapeDtypeStruct((NP, h), f32),
    )(x, W1)
    y1_r = y1.reshape(nr, 128)

    g1_r, dinv_r = pl.pallas_call(
        _combine1_body,
        out_shape=[
            jax.ShapeDtypeStruct((nr, 128), f32),
            jax.ShapeDtypeStruct((nr, 128), f32),
        ],
    )(dd_r, y1_r)

    p1 = _edge_pass(NP, h)(g1_r.reshape(NP, h), er, zeros)

    g2_r = pl.pallas_call(
        _combine2_body,
        out_shape=jax.ShapeDtypeStruct((nr, 128), f32),
    )(p1.reshape(NC, nr, 128), g1_r, dinv_r, b1t, w2_bd)

    p2 = _edge_pass(NP, h)(g2_r.reshape(NP, h), er, zeros)
    p2_r = p2.reshape(NC, nr, 128)

    ndr = 128
    roff = (number_of_drugs - ND) // 8
    qa_r = lax.dynamic_slice(p2_r, (0, roff, 0), (1, ndr, 128)).reshape(ndr, 128)
    qb_r = lax.dynamic_slice(p2_r, (1, roff, 0), (1, ndr, 128)).reshape(ndr, 128)
    g2d_r = lax.dynamic_slice(g2_r, (roff, 0), (ndr, 128))
    dinvd_r = lax.dynamic_slice(dinv_r, (roff, 0), (ndr, 128))

    hd_r = pl.pallas_call(
        _hd_body,
        out_shape=jax.ShapeDtypeStruct((ndr, 128), f32),
    )(qa_r, qb_r, g2d_r, dinvd_r, b2t)

    scores = pl.pallas_call(
        _score_body,
        out_shape=jax.ShapeDtypeStruct((ND, ND), f32),
    )(hd_r.reshape(ndr * 8, h), P)
    return scores

# --- scband reference (transcript-rebuilt; emitter-appended) ---
"""Pipeline reference for scband-gcn-9483287789709 (READ-ONLY COPY).

The authoritative reference and input builder live on the scoring server;
editing this copy changes nothing except your own understanding.
"""

import jax, jax.numpy as jnp
import numpy as np

N = 10000
E = 320000
D = 128
H = 16
ND = 1000


def setup_inputs(seed: int = 0) -> dict:
    key = jax.random.key(seed)
    ks = jax.random.split(key, 6)
    x = jax.random.normal(ks[0], (N, D), dtype=jnp.float32)
    edge_index = jax.random.randint(ks[1], (2, E), 0, N, dtype=jnp.int32)
    W1 = jax.random.normal(ks[2], (D, H), dtype=jnp.float32) * (1.0 / np.sqrt(D))
    b1 = jnp.zeros((H,), dtype=jnp.float32)
    W2 = jax.random.normal(ks[3], (H, H), dtype=jnp.float32) * (1.0 / np.sqrt(H))
    b2 = jnp.zeros((H,), dtype=jnp.float32)
    P = jax.random.normal(ks[4], (H, H), dtype=jnp.float32)
    return {"x": x, "edge_index": edge_index, "number_of_drugs": ND,
            "W1": W1, "b1": b1, "W2": W2, "b2": b2, "P": P}


def _gcn_conv(x, src, dst, W, b, n):
    # GCNConv: D^{-1/2} (A + I) D^{-1/2} X W + b (self-loops already appended to src/dst)
    deg = jnp.zeros((n,), x.dtype).at[dst].add(1.0)
    dinv = jnp.where(deg > 0, jax.lax.rsqrt(deg), 0.0)
    norm = dinv[src] * dinv[dst]
    h = x @ W
    msg = h[src] * norm[:, None]
    out = jnp.zeros((n, W.shape[1]), x.dtype).at[dst].add(msg)
    return out + b


def reference(x, edge_index, number_of_drugs, W1, b1, W2, b2, P):
    n = x.shape[0]
    loop = jnp.arange(n, dtype=edge_index.dtype)
    src = jnp.concatenate([edge_index[0], loop])
    dst = jnp.concatenate([edge_index[1], loop])
    h = _gcn_conv(x, src, dst, W1, b1, n)
    h = jax.nn.relu(h)
    # F.dropout(training=self.training): identity in eval mode
    h = _gcn_conv(h, src, dst, W2, b2, n)
    hd = jax.lax.dynamic_slice_in_dim(h, number_of_drugs - ND, ND, axis=0)
    scores = hd @ P @ hd.T
    return scores

if __name__ == "__main__":
    import jax
    _d = setup_inputs()
    print(jax.jit(kernel)(*tuple(_d.values())))

</pallas_src>

<mosaic_0001>
#map = affine_map<(d0, d1) -> (0, 0)>
#map1 = affine_map<(d0, d1) -> (0, 0, 0)>
module attributes {stable_mosaic.version = 14 : i64} {
  func.func @edge_pass(%arg0: i32, %arg1: i32, %arg2: memref<10240x16xf32, #tpu.memory_space<hbm>>, %arg3: memref<2500x2x128xi32, #tpu.memory_space<hbm>>, %arg4: memref<10240x16xf32, #tpu.memory_space<hbm>>, %arg5: memref<2x10240x16xf32, #tpu.memory_space<hbm>>, %arg6: memref<79x2x128xi32, #tpu.memory_space<vmem>>, %arg7: memref<128x16xf32, #tpu.memory_space<vmem>>, %arg8: memref<128x16xf32, #tpu.memory_space<vmem>>, %arg9: memref<128x16xf32, #tpu.memory_space<vmem>>, %arg10: memref<128x16xf32, #tpu.memory_space<vmem>>, %arg11: memref<128x16xf32, #tpu.memory_space<vmem>>, %arg12: memref<128x16xf32, #tpu.memory_space<vmem>>, %arg13: memref<10240x16xf32, #tpu.memory_space<vmem_shared>>, %arg14: memref<!tpu.dma_semaphore, #tpu.memory_space<semaphore_mem>>, %arg15: memref<!tpu.dma_semaphore, #tpu.memory_space<semaphore_mem>>, %arg16: memref<!tpu.dma_semaphore, #tpu.memory_space<semaphore_mem>>, %arg17: memref<!tpu.dma_semaphore, #tpu.memory_space<semaphore_mem>>, %arg18: memref<!tpu.dma_semaphore, #tpu.memory_space<semaphore_mem>>, %arg19: memref<!tpu.dma_semaphore, #tpu.memory_space<semaphore_mem>>) attributes {dimension_semantics = [#tpu.dimension_semantics<core_parallel>, #tpu.dimension_semantics<subcore_parallel>], iteration_bounds = array<i64: 2, 16>, scalar_prefetch = 0 : i64, scratch_operands = 14 : i64, tpu.core_type = #tpu.core_type<sc_vector_subcore>, window_params = [{transform_indices = #map}, {transform_indices = #map1}, {transform_indices = #map}, {transform_indices = #map1}]} {
    %mul3A = arith.constant 2 : i32
    %mul3A_0 = arith.muli %arg1, %mul3A : i32
    %add3A = arith.addi %mul3A_0, %arg0 : i32
    %mul3A_1 = arith.constant 78 : i32
    %mul3A_2 = arith.muli %mul3A_1, %add3A : i32
    %min3A = arith.constant 4 : i32
    %min3A_3 = arith.minsi %add3A, %min3A : i32
    %add3A_4 = arith.addi %mul3A_2, %min3A_3 : i32
    "tpu.region"() ({
      %run_scoped3A = tpu.sem_alloc : memref<!tpu.dma_semaphore, #tpu.memory_space<semaphore_mem>>
      %dma_start3A_108 = arith.constant 0 : i32
      %dma_start3A_109 = arith.constant 0 : i32
      %dma_start3A_110 = arith.constant 0 : i32
      %dma_start3A_111 = tpu.memref_slice %arg6[%dma_start3A_108, %dma_start3A_109, %dma_start3A_110] : memref<79x2x128xi32, #tpu.memory_space<vmem>> -> memref<78x2x128xi32, #tpu.memory_space<vmem>>
      %dma_start3A_112 = arith.constant 0 : i32
      %dma_start3A_113 = arith.constant 0 : i32
      %dma_start3A_114 = tpu.memref_slice %arg3[%add3A_4, %dma_start3A_112, %dma_start3A_113] : memref<2500x2x128xi32, #tpu.memory_space<hbm>> -> memref<78x2x128xi32, #tpu.memory_space<hbm>>
      %dma_start3A_115 = arith.constant 0 : i32
      %dma_start3A_116 = arith.constant 0 : i32
      %dma_start3A_117 = arith.constant 0 : i32
      %dma_start3A_118 = tpu.memref_slice %arg6[%dma_start3A_115, %dma_start3A_116, %dma_start3A_117] : memref<79x2x128xi32, #tpu.memory_space<vmem>> -> memref<78x2x128xi32, #tpu.memory_space<vmem>>
      %dma_start3A_119 = arith.constant 0 : i32
      %dma_start3A_120 = arith.constant 0 : i32
      %dma_start3A_121 = tpu.memref_slice %arg3[%add3A_4, %dma_start3A_119, %dma_start3A_120] : memref<2500x2x128xi32, #tpu.memory_space<hbm>> -> memref<78x2x128xi32, #tpu.memory_space<hbm>>
      tpu.enqueue_dma source(%dma_start3A_121 : memref<78x2x128xi32, #tpu.memory_space<hbm>>) target(%dma_start3A_118 : memref<78x2x128xi32, #tpu.memory_space<vmem>>) target_semaphore(%run_scoped3A : memref<!tpu.dma_semaphore, #tpu.memory_space<semaphore_mem>>)
      %dma_wait3A_122 = arith.constant 0 : i32
      %dma_wait3A_123 = arith.constant 0 : i32
      %dma_wait3A_124 = arith.constant 0 : i32
      %dma_wait3A_125 = tpu.memref_slice %arg6[%dma_wait3A_122, %dma_wait3A_123, %dma_wait3A_124] : memref<79x2x128xi32, #tpu.memory_space<vmem>> -> memref<78x2x128xi32, #tpu.memory_space<vmem>>
      %dma_wait3A_126 = arith.constant 0 : i32
      %dma_wait3A_127 = arith.constant 0 : i32
      %dma_wait3A_128 = tpu.memref_slice %arg3[%add3A_4, %dma_wait3A_126, %dma_wait3A_127] : memref<2500x2x128xi32, #tpu.memory_space<hbm>> -> memref<78x2x128xi32, #tpu.memory_space<hbm>>
      %dma_wait3A_129 = arith.constant 0 : i32
      %dma_wait3A_130 = arith.constant 0 : i32
      %dma_wait3A_131 = arith.constant 0 : i32
      %dma_wait3A_132 = tpu.memref_slice %arg6[%dma_wait3A_129, %dma_wait3A_130, %dma_wait3A_131] : memref<79x2x128xi32, #tpu.memory_space<vmem>> -> memref<78x2x128xi32, #tpu.memory_space<vmem>>
      %dma_wait3A_133 = arith.constant 0 : i32
      %dma_wait3A_134 = arith.constant 0 : i32
      %dma_wait3A_135 = tpu.memref_slice %arg3[%add3A_4, %dma_wait3A_133, %dma_wait3A_134] : memref<2500x2x128xi32, #tpu.memory_space<hbm>> -> memref<78x2x128xi32, #tpu.memory_space<hbm>>
      tpu.wait_dma2 semaphore(%run_scoped3A : memref<!tpu.dma_semaphore, #tpu.memory_space<semaphore_mem>>) src(%dma_wait3A_135 : memref<78x2x128xi32, #tpu.memory_space<hbm>>) dst(%dma_wait3A_132 : memref<78x2x128xi32, #tpu.memory_space<vmem>>)
      tpu.yield
    }) : () -> ()
    %lt3A = arith.constant 4 : i32
    %lt3A_5 = arith.cmpi slt, %add3A, %lt3A : i32
    %convert_element_type3A = arith.extui %lt3A_5 : i1 to i32
    %cond3A = arith.constant 0 : i32
    %cond3A_6 = arith.cmpi ne, %convert_element_type3A, %cond3A : i32
    scf.if %cond3A_6 {
      %add3A_108 = arith.constant 78 : i32
      %add3A_109 = arith.addi %add3A_4, %add3A_108 : i32
      "tpu.region"() ({
        %run_scoped3A = tpu.sem_alloc : memref<!tpu.dma_semaphore, #tpu.memory_space<semaphore_mem>>
        %dma_start3A_110 = arith.constant 78 : i32
        %dma_start3A_111 = arith.constant 0 : i32
        %dma_start3A_112 = arith.constant 0 : i32
        %dma_start3A_113 = tpu.memref_slice %arg6[%dma_start3A_110, %dma_start3A_111, %dma_start3A_112] : memref<79x2x128xi32, #tpu.memory_space<vmem>> -> memref<1x2x128xi32, #tpu.memory_space<vmem>>
        %dma_start3A_114 = arith.constant 0 : i32
        %dma_start3A_115 = arith.constant 0 : i32
        %dma_start3A_116 = tpu.memref_slice %arg3[%add3A_109, %dma_start3A_114, %dma_start3A_115] : memref<2500x2x128xi32, #tpu.memory_space<hbm>> -> memref<1x2x128xi32, #tpu.memory_space<hbm>>
        %dma_start3A_117 = arith.constant 78 : i32
        %dma_start3A_118 = arith.constant 0 : i32
        %dma_start3A_119 = arith.constant 0 : i32
        %dma_start3A_120 = tpu.memref_slice %arg6[%dma_start3A_117, %dma_start3A_118, %dma_start3A_119] : memref<79x2x128xi32, #tpu.memory_space<vmem>> -> memref<1x2x128xi32, #tpu.memory_space<vmem>>
        %dma_start3A_121 = arith.constant 0 : i32
        %dma_start3A_122 = arith.constant 0 : i32
        %dma_start3A_123 = tpu.memref_slice %arg3[%add3A_109, %dma_start3A_121, %dma_start3A_122] : memref<2500x2x128xi32, #tpu.memory_space<hbm>> -> memref<1x2x128xi32, #tpu.memory_space<hbm>>
        tpu.enqueue_dma source(%dma_start3A_123 : memref<1x2x128xi32, #tpu.memory_space<hbm>>) target(%dma_start3A_120 : memref<1x2x128xi32, #tpu.memory_space<vmem>>) target_semaphore(%run_scoped3A : memref<!tpu.dma_semaphore, #tpu.memory_space<semaphore_mem>>)
        %dma_wait3A_124 = arith.constant 78 : i32
        %dma_wait3A_125 = arith.constant 0 : i32
        %dma_wait3A_126 = arith.constant 0 : i32
        %dma_wait3A_127 = tpu.memref_slice %arg6[%dma_wait3A_124, %dma_wait3A_125, %dma_wait3A_126] : memref<79x2x128xi32, #tpu.memory_space<vmem>> -> memref<1x2x128xi32, #tpu.memory_space<vmem>>
        %dma_wait3A_128 = arith.constant 0 : i32
        %dma_wait3A_129 = arith.constant 0 : i32
        %dma_wait3A_130 = tpu.memref_slice %arg3[%add3A_109, %dma_wait3A_128, %dma_wait3A_129] : memref<2500x2x128xi32, #tpu.memory_space<hbm>> -> memref<1x2x128xi32, #tpu.memory_space<hbm>>
        %dma_wait3A_131 = arith.constant 78 : i32
        %dma_wait3A_132 = arith.constant 0 : i32
        %dma_wait3A_133 = arith.constant 0 : i32
        %dma_wait3A_134 = tpu.memref_slice %arg6[%dma_wait3A_131, %dma_wait3A_132, %dma_wait3A_133] : memref<79x2x128xi32, #tpu.memory_space<vmem>> -> memref<1x2x128xi32, #tpu.memory_space<vmem>>
        %dma_wait3A_135 = arith.constant 0 : i32
        %dma_wait3A_136 = arith.constant 0 : i32
        %dma_wait3A_137 = tpu.memref_slice %arg3[%add3A_109, %dma_wait3A_135, %dma_wait3A_136] : memref<2500x2x128xi32, #tpu.memory_space<hbm>> -> memref<1x2x128xi32, #tpu.memory_space<hbm>>
        tpu.wait_dma2 semaphore(%run_scoped3A : memref<!tpu.dma_semaphore, #tpu.memory_space<semaphore_mem>>) src(%dma_wait3A_137 : memref<1x2x128xi32, #tpu.memory_space<hbm>>) dst(%dma_wait3A_134 : memref<1x2x128xi32, #tpu.memory_space<vmem>>)
        tpu.yield
      }) : () -> ()
    } else {
    }
    %mul3A_7 = arith.constant 640 : i32
    %mul3A_8 = arith.muli %arg1, %mul3A_7 : i32
    %mul3A_9 = arith.constant 640 : i32
    %mul3A_10 = arith.muli %arg1, %mul3A_9 : i32
    "tpu.region"() ({
      %run_scoped3A = tpu.sem_alloc : memref<!tpu.dma_semaphore, #tpu.memory_space<semaphore_mem>>
      %dma_start3A_108 = arith.constant 0 : i32
      %dma_start3A_109 = tpu.memref_slice %arg13[%mul3A_10, %dma_start3A_108] : memref<10240x16xf32, #tpu.memory_space<vmem_shared>> -> memref<640x16xf32, #tpu.memory_space<vmem_shared>>
      %dma_start3A_110 = arith.constant 0 : i32
      %dma_start3A_111 = tpu.memref_slice %arg4[%mul3A_8, %dma_start3A_110] : memref<10240x16xf32, #tpu.memory_space<hbm>> -> memref<640x16xf32, #tpu.memory_space<hbm>>
      tpu.enqueue_dma source(%dma_start3A_111 : memref<640x16xf32, #tpu.memory_space<hbm>>) target(%dma_start3A_109 : memref<640x16xf32, #tpu.memory_space<vmem_shared>>) target_semaphore(%run_scoped3A : memref<!tpu.dma_semaphore, #tpu.memory_space<semaphore_mem>>)
      %dma_wait3A_112 = arith.constant 0 : i32
      %dma_wait3A_113 = tpu.memref_slice %arg13[%mul3A_10, %dma_wait3A_112] : memref<10240x16xf32, #tpu.memory_space<vmem_shared>> -> memref<640x16xf32, #tpu.memory_space<vmem_shared>>
      %dma_wait3A_114 = arith.constant 0 : i32
      %dma_wait3A_115 = tpu.memref_slice %arg4[%mul3A_8, %dma_wait3A_114] : memref<10240x16xf32, #tpu.memory_space<hbm>> -> memref<640x16xf32, #tpu.memory_space<hbm>>
      tpu.wait_dma2 semaphore(%run_scoped3A : memref<!tpu.dma_semaphore, #tpu.memory_space<semaphore_mem>>) src(%dma_wait3A_115 : memref<640x16xf32, #tpu.memory_space<hbm>>) dst(%dma_wait3A_113 : memref<640x16xf32, #tpu.memory_space<vmem_shared>>)
      tpu.yield
    }) : () -> ()
    %barrier3A = arith.constant 0 : index
    tpu.barrier barrier_id(%barrier3A)
    %dma_start3A = arith.constant 0 : i32
    %dma_start3A_11 = arith.constant 0 : i32
    %dma_start3A_12 = arith.constant 0 : i32
    %dma_start3A_13 = tpu.memref_slice %arg6[%dma_start3A, %dma_start3A_11, %dma_start3A_12] : memref<79x2x128xi32, #tpu.memory_space<vmem>> -> memref<1x1x128xi32, #tpu.memory_space<vmem>>
    %dma_start3A_14 = tpu.memref_squeeze %dma_start3A_13 : memref<1x1x128xi32, #tpu.memory_space<vmem>> -> memref<128xi32, #tpu.memory_space<vmem>>
    %dma_start3A_15 = arith.constant 0 : i32
    %dma_start3A_16 = arith.constant 0 : i32
    %dma_start3A_17 = tpu.memref_slice %arg2[%dma_start3A_15, %dma_start3A_16] : memref<10240x16xf32, #tpu.memory_space<hbm>> -> memref<10240x16xf32, #tpu.memory_space<hbm>>
    tpu.enqueue_indirect_dma source(%dma_start3A_17 : memref<10240x16xf32, #tpu.memory_space<hbm>>) target(%arg7 : memref<128x16xf32, #tpu.memory_space<vmem>>) offsets(%dma_start3A_14 : memref<128xi32, #tpu.memory_space<vmem>>) semaphore(%arg14 : memref<!tpu.dma_semaphore, #tpu.memory_space<semaphore_mem>>)
    %dma_start3A_18 = arith.constant 1 : i32
    %dma_start3A_19 = arith.constant 0 : i32
    %dma_start3A_20 = arith.constant 0 : i32
    %dma_start3A_21 = tpu.memref_slice %arg6[%dma_start3A_18, %dma_start3A_19, %dma_start3A_20] : memref<79x2x128xi32, #tpu.memory_space<vmem>> -> memref<1x1x128xi32, #tpu.memory_space<vmem>>
    %dma_start3A_22 = tpu.memref_squeeze %dma_start3A_21 : memref<1x1x128xi32, #tpu.memory_space<vmem>> -> memref<128xi32, #tpu.memory_space<vmem>>
    %dma_start3A_23 = arith.constant 0 : i32
    %dma_start3A_24 = arith.constant 0 : i32
    %dma_start3A_25 = tpu.memref_slice %arg2[%dma_start3A_23, %dma_start3A_24] : memref<10240x16xf32, #tpu.memory_space<hbm>> -> memref<10240x16xf32, #tpu.memory_space<hbm>>
    tpu.enqueue_indirect_dma source(%dma_start3A_25 : memref<10240x16xf32, #tpu.memory_space<hbm>>) target(%arg8 : memref<128x16xf32, #tpu.memory_space<vmem>>) offsets(%dma_start3A_22 : memref<128xi32, #tpu.memory_space<vmem>>) semaphore(%arg15 : memref<!tpu.dma_semaphore, #tpu.memory_space<semaphore_mem>>)
    %dma_start3A_26 = arith.constant 2 : i32
    %dma_start3A_27 = arith.constant 0 : i32
    %dma_start3A_28 = arith.constant 0 : i32
    %dma_start3A_29 = tpu.memref_slice %arg6[%dma_start3A_26, %dma_start3A_27, %dma_start3A_28] : memref<79x2x128xi32, #tpu.memory_space<vmem>> -> memref<1x1x128xi32, #tpu.memory_space<vmem>>
    %dma_start3A_30 = tpu.memref_squeeze %dma_start3A_29 : memref<1x1x128xi32, #tpu.memory_space<vmem>> -> memref<128xi32, #tpu.memory_space<vmem>>
    %dma_start3A_31 = arith.constant 0 : i32
    %dma_start3A_32 = arith.constant 0 : i32
    %dma_start3A_33 = tpu.memref_slice %arg2[%dma_start3A_31, %dma_start3A_32] : memref<10240x16xf32, #tpu.memory_space<hbm>> -> memref<10240x16xf32, #tpu.memory_space<hbm>>
    tpu.enqueue_indirect_dma source(%dma_start3A_33 : memref<10240x16xf32, #tpu.memory_space<hbm>>) target(%arg9 : memref<128x16xf32, #tpu.memory_space<vmem>>) offsets(%dma_start3A_30 : memref<128xi32, #tpu.memory_space<vmem>>) semaphore(%arg16 : memref<!tpu.dma_semaphore, #tpu.memory_space<semaphore_mem>>)
    %dma_start3A_34 = arith.constant 3 : i32
    %dma_start3A_35 = arith.constant 0 : i32
    %dma_start3A_36 = arith.constant 0 : i32
    %dma_start3A_37 = tpu.memref_slice %arg6[%dma_start3A_34, %dma_start3A_35, %dma_start3A_36] : memref<79x2x128xi32, #tpu.memory_space<vmem>> -> memref<1x1x128xi32, #tpu.memory_space<vmem>>
    %dma_start3A_38 = tpu.memref_squeeze %dma_start3A_37 : memref<1x1x128xi32, #tpu.memory_space<vmem>> -> memref<128xi32, #tpu.memory_space<vmem>>
    %dma_start3A_39 = arith.constant 0 : i32
    %dma_start3A_40 = arith.constant 0 : i32
    %dma_start3A_41 = tpu.memref_slice %arg2[%dma_start3A_39, %dma_start3A_40] : memref<10240x16xf32, #tpu.memory_space<hbm>> -> memref<10240x16xf32, #tpu.memory_space<hbm>>
    tpu.enqueue_indirect_dma source(%dma_start3A_41 : memref<10240x16xf32, #tpu.memory_space<hbm>>) target(%arg10 : memref<128x16xf32, #tpu.memory_space<vmem>>) offsets(%dma_start3A_38 : memref<128xi32, #tpu.memory_space<vmem>>) semaphore(%arg17 : memref<!tpu.dma_semaphore, #tpu.memory_space<semaphore_mem>>)
    %dma_start3A_42 = arith.constant 4 : i32
    %dma_start3A_43 = arith.constant 0 : i32
    %dma_start3A_44 = arith.constant 0 : i32
    %dma_start3A_45 = tpu.memref_slice %arg6[%dma_start3A_42, %dma_start3A_43, %dma_start3A_44] : memref<79x2x128xi32, #tpu.memory_space<vmem>> -> memref<1x1x128xi32, #tpu.memory_space<vmem>>
    %dma_start3A_46 = tpu.memref_squeeze %dma_start3A_45 : memref<1x1x128xi32, #tpu.memory_space<vmem>> -> memref<128xi32, #tpu.memory_space<vmem>>
    %dma_start3A_47 = arith.constant 0 : i32
    %dma_start3A_48 = arith.constant 0 : i32
    %dma_start3A_49 = tpu.memref_slice %arg2[%dma_start3A_47, %dma_start3A_48] : memref<10240x16xf32, #tpu.memory_space<hbm>> -> memref<10240x16xf32, #tpu.memory_space<hbm>>
    tpu.enqueue_indirect_dma source(%dma_start3A_49 : memref<10240x16xf32, #tpu.memory_space<hbm>>) target(%arg11 : memref<128x16xf32, #tpu.memory_space<vmem>>) offsets(%dma_start3A_46 : memref<128xi32, #tpu.memory_space<vmem>>) semaphore(%arg18 : memref<!tpu.dma_semaphore, #tpu.memory_space<semaphore_mem>>)
    %dma_start3A_50 = arith.constant 5 : i32
    %dma_start3A_51 = arith.constant 0 : i32
    %dma_start3A_52 = arith.constant 0 : i32
    %dma_start3A_53 = tpu.memref_slice %arg6[%dma_start3A_50, %dma_start3A_51, %dma_start3A_52] : memref<79x2x128xi32, #tpu.memory_space<vmem>> -> memref<1x1x128xi32, #tpu.memory_space<vmem>>
    %dma_start3A_54 = tpu.memref_squeeze %dma_start3A_53 : memref<1x1x128xi32, #tpu.memory_space<vmem>> -> memref<128xi32, #tpu.memory_space<vmem>>
    %dma_start3A_55 = arith.constant 0 : i32
    %dma_start3A_56 = arith.constant 0 : i32
    %dma_start3A_57 = tpu.memref_slice %arg2[%dma_start3A_55, %dma_start3A_56] : memref<10240x16xf32, #tpu.memory_space<hbm>> -> memref<10240x16xf32, #tpu.memory_space<hbm>>
    tpu.enqueue_indirect_dma source(%dma_start3A_57 : memref<10240x16xf32, #tpu.memory_space<hbm>>) target(%arg12 : memref<128x16xf32, #tpu.memory_space<vmem>>) offsets(%dma_start3A_54 : memref<128xi32, #tpu.memory_space<vmem>>) semaphore(%arg19 : memref<!tpu.dma_semaphore, #tpu.memory_space<semaphore_mem>>)
    %scan3A = arith.constant 0 : i32
    %scan3A_58 = arith.constant 0 : i32
    %scan3A_59 = arith.constant 13 : i32
    %scan3A_60 = arith.addi %scan3A_58, %scan3A_59 : i32
    %scan3A_61 = arith.constant 1 : i32
    scf.for %scan3A_108 = %scan3A_58 to %scan3A_60 step %scan3A_61  : i32 {
      %mul3A_109 = arith.constant 6 : i32
      %mul3A_110 = arith.muli %scan3A_108, %mul3A_109 : i32
      %add3A_111 = arith.constant 0 : i32
      %add3A_112 = arith.addi %mul3A_110, %add3A_111 : i32
      %dma_wait3A_113 = arith.constant 0 : i32
      %dma_wait3A_114 = arith.constant 0 : i32
      %dma_wait3A_115 = tpu.memref_slice %arg4[%dma_wait3A_113, %dma_wait3A_114] : memref<10240x16xf32, #tpu.memory_space<hbm>> -> memref<128x16xf32, #tpu.memory_space<hbm>>
      %dma_wait3A_116 = arith.constant 0 : i32
      %dma_wait3A_117 = arith.constant 0 : i32
      %dma_wait3A_118 = tpu.memref_slice %arg4[%dma_wait3A_116, %dma_wait3A_117] : memref<10240x16xf32, #tpu.memory_space<hbm>> -> memref<128x16xf32, #tpu.memory_space<hbm>>
      tpu.wait_dma2 semaphore(%arg14 : memref<!tpu.dma_semaphore, #tpu.memory_space<semaphore_mem>>) src(%dma_wait3A_118 : memref<128x16xf32, #tpu.memory_space<hbm>>) dst(%arg7 : memref<128x16xf32, #tpu.memory_space<vmem>>)
      %run_scoped3A = arith.constant 1 : i32
      "tpu.region"() ({
        %run_scoped3A_262 = tpu.sem_alloc : memref<!tpu.dma_semaphore, #tpu.memory_space<semaphore_mem>>
        %dma_start3A_263 = arith.constant 0 : i32
        %dma_start3A_264 = tpu.memref_slice %arg6[%add3A_112, %run_scoped3A, %dma_start3A_263] : memref<79x2x128xi32, #tpu.memory_space<vmem>> -> memref<1x1x128xi32, #tpu.memory_space<vmem>>
        %dma_start3A_265 = tpu.memref_squeeze %dma_start3A_264 : memref<1x1x128xi32, #tpu.memory_space<vmem>> -> memref<128xi32, #tpu.memory_space<vmem>>
        %dma_start3A_266 = arith.constant 0 : i32
        %dma_start3A_267 = arith.constant 0 : i32
        %dma_start3A_268 = tpu.memref_slice %arg13[%dma_start3A_266, %dma_start3A_267] : memref<10240x16xf32, #tpu.memory_space<vmem_shared>> -> memref<10240x16xf32, #tpu.memory_space<vmem_shared>>
        tpu.enqueue_indirect_dma source(%arg7 : memref<128x16xf32, #tpu.memory_space<vmem>>) target(%dma_start3A_268 : memref<10240x16xf32, #tpu.memory_space<vmem_shared>>) offsets(%dma_start3A_265 : memref<128xi32, #tpu.memory_space<vmem>>) semaphore(%run_scoped3A_262 : memref<!tpu.dma_semaphore, #tpu.memory_space<semaphore_mem>>) {add = true}
        %dma_wait3A_269 = arith.constant 0 : i32
        %dma_wait3A_270 = tpu.memref_slice %arg6[%add3A_112, %run_scoped3A, %dma_wait3A_269] : memref<79x2x128xi32, #tpu.memory_space<vmem>> -> memref<1x1x128xi32, #tpu.memory_space<vmem>>
        %dma_wait3A_271 = tpu.memref_squeeze %dma_wait3A_270 : memref<1x1x128xi32, #tpu.memory_space<vmem>> -> memref<128xi32, #tpu.memory_space<vmem>>
        %dma_wait3A_272 = arith.constant 0 : i32
        %dma_wait3A_273 = arith.constant 0 : i32
        %dma_wait3A_274 = tpu.memref_slice %arg13[%dma_wait3A_272, %dma_wait3A_273] : memref<10240x16xf32, #tpu.memory_space<vmem_shared>> -> memref<10240x16xf32, #tpu.memory_space<vmem_shared>>
        tpu.wait_indirect_dma semaphore(%run_scoped3A_262 : memref<!tpu.dma_semaphore, #tpu.memory_space<semaphore_mem>>) src(%arg7 : memref<128x16xf32, #tpu.memory_space<vmem>>) dst(%dma_wait3A_274 : memref<10240x16xf32, #tpu.memory_space<vmem_shared>>)
        tpu.yield
      }) : () -> ()
      %add3A_119 = arith.constant 6 : i32
      %add3A_120 = arith.addi %add3A_112, %add3A_119 : i32
      %lt3A_121 = arith.constant 78 : i32
      %lt3A_122 = arith.cmpi slt, %add3A_120, %lt3A_121 : i32
      %add3A_123 = arith.constant 6 : i32
      %add3A_124 = arith.addi %add3A_112, %add3A_123 : i32
      %jit3A = arith.constant 0 : i32
      %select_n3A = arith.select %lt3A_122, %add3A_124, %jit3A : i32
      %dma_start3A_125 = arith.constant 0 : i32
      %dma_start3A_126 = arith.constant 0 : i32
      %dma_start3A_127 = tpu.memref_slice %arg6[%select_n3A, %dma_start3A_125, %dma_start3A_126] : memref<79x2x128xi32, #tpu.memory_space<vmem>> -> memref<1x1x128xi32, #tpu.memory_space<vmem>>
      %dma_start3A_128 = tpu.memref_squeeze %dma_start3A_127 : memref<1x1x128xi32, #tpu.memory_space<vmem>> -> memref<128xi32, #tpu.memory_space<vmem>>
      %dma_start3A_129 = arith.constant 0 : i32
      %dma_start3A_130 = arith.constant 0 : i32
      %dma_start3A_131 = tpu.memref_slice %arg2[%dma_start3A_129, %dma_start3A_130] : memref<10240x16xf32, #tpu.memory_space<hbm>> -> memref<10240x16xf32, #tpu.memory_space<hbm>>
      tpu.enqueue_indirect_dma source(%dma_start3A_131 : memref<10240x16xf32, #tpu.memory_space<hbm>>) target(%arg7 : memref<128x16xf32, #tpu.memory_space<vmem>>) offsets(%dma_start3A_128 : memref<128xi32, #tpu.memory_space<vmem>>) semaphore(%arg14 : memref<!tpu.dma_semaphore, #tpu.memory_space<semaphore_mem>>)
      %mul3A_132 = arith.constant 6 : i32
      %mul3A_133 = arith.muli %scan3A_108, %mul3A_132 : i32
      %add3A_134 = arith.constant 1 : i32
      %add3A_135 = arith.addi %mul3A_133, %add3A_134 : i32
      %dma_wait3A_136 = arith.constant 0 : i32
      %dma_wait3A_137 = arith.constant 0 : i32
      %dma_wait3A_138 = tpu.memref_slice %arg4[%dma_wait3A_136, %dma_wait3A_137] : memref<10240x16xf32, #tpu.memory_space<hbm>> -> memref<128x16xf32, #tpu.memory_space<hbm>>
      %dma_wait3A_139 = arith.constant 0 : i32
      %dma_wait3A_140 = arith.constant 0 : i32
      %dma_wait3A_141 = tpu.memref_slice %arg4[%dma_wait3A_139, %dma_wait3A_140] : memref<10240x16xf32, #tpu.memory_space<hbm>> -> memref<128x16xf32, #tpu.memory_space<hbm>>
      tpu.wait_dma2 semaphore(%arg15 : memref<!tpu.dma_semaphore, #tpu.memory_space<semaphore_mem>>) src(%dma_wait3A_141 : memref<128x16xf32, #tpu.memory_space<hbm>>) dst(%arg8 : memref<128x16xf32, #tpu.memory_space<vmem>>)
      %run_scoped3A_142 = arith.constant 1 : i32
      "tpu.region"() ({
        %run_scoped3A_262 = tpu.sem_alloc : memref<!tpu.dma_semaphore, #tpu.memory_space<semaphore_mem>>
        %dma_start3A_263 = arith.constant 0 : i32
        %dma_start3A_264 = tpu.memref_slice %arg6[%add3A_135, %run_scoped3A_142, %dma_start3A_263] : memref<79x2x128xi32, #tpu.memory_space<vmem>> -> memref<1x1x128xi32, #tpu.memory_space<vmem>>
        %dma_start3A_265 = tpu.memref_squeeze %dma_start3A_264 : memref<1x1x128xi32, #tpu.memory_space<vmem>> -> memref<128xi32, #tpu.memory_space<vmem>>
        %dma_start3A_266 = arith.constant 0 : i32
        %dma_start3A_267 = arith.constant 0 : i32
        %dma_start3A_268 = tpu.memref_slice %arg13[%dma_start3A_266, %dma_start3A_267] : memref<10240x16xf32, #tpu.memory_space<vmem_shared>> -> memref<10240x16xf32, #tpu.memory_space<vmem_shared>>
        tpu.enqueue_indirect_dma source(%arg8 : memref<128x16xf32, #tpu.memory_space<vmem>>) target(%dma_start3A_268 : memref<10240x16xf32, #tpu.memory_space<vmem_shared>>) offsets(%dma_start3A_265 : memref<128xi32, #tpu.memory_space<vmem>>) semaphore(%run_scoped3A_262 : memref<!tpu.dma_semaphore, #tpu.memory_space<semaphore_mem>>) {add = true}
        %dma_wait3A_269 = arith.constant 0 : i32
        %dma_wait3A_270 = tpu.memref_slice %arg6[%add3A_135, %run_scoped3A_142, %dma_wait3A_269] : memref<79x2x128xi32, #tpu.memory_space<vmem>> -> memref<1x1x128xi32, #tpu.memory_space<vmem>>
        %dma_wait3A_271 = tpu.memref_squeeze %dma_wait3A_270 : memref<1x1x128xi32, #tpu.memory_space<vmem>> -> memref<128xi32, #tpu.memory_space<vmem>>
        %dma_wait3A_272 = arith.constant 0 : i32
        %dma_wait3A_273 = arith.constant 0 : i32
        %dma_wait3A_274 = tpu.memref_slice %arg13[%dma_wait3A_272, %dma_wait3A_273] : memref<10240x16xf32, #tpu.memory_space<vmem_shared>> -> memref<10240x16xf32, #tpu.memory_space<vmem_shared>>
        tpu.wait_indirect_dma semaphore(%run_scoped3A_262 : memref<!tpu.dma_semaphore, #tpu.memory_space<semaphore_mem>>) src(%arg8 : memref<128x16xf32, #tpu.memory_space<vmem>>) dst(%dma_wait3A_274 : memref<10240x16xf32, #tpu.memory_space<vmem_shared>>)
        tpu.yield
      }) : () -> ()
      %add3A_143 = arith.constant 6 : i32
      %add3A_144 = arith.addi %add3A_135, %add3A_143 : i32
      %lt3A_145 = arith.constant 78 : i32
      %lt3A_146 = arith.cmpi slt, %add3A_144, %lt3A_145 : i32
      %add3A_147 = arith.constant 6 : i32
      %add3A_148 = arith.addi %add3A_135, %add3A_147 : i32
      %jit3A_149 = arith.constant 0 : i32
      %select_n3A_150 = arith.select %lt3A_146, %add3A_148, %jit3A_149 : i32
      %dma_start3A_151 = arith.constant 0 : i32
      %dma_start3A_152 = arith.constant 0 : i32
      %dma_start3A_153 = tpu.memref_slice %arg6[%select_n3A_150, %dma_start3A_151, %dma_start3A_152] : memref<79x2x128xi32, #tpu.memory_space<vmem>> -> memref<1x1x128xi32, #tpu.memory_space<vmem>>
      %dma_start3A_154 = tpu.memref_squeeze %dma_start3A_153 : memref<1x1x128xi32, #tpu.memory_space<vmem>> -> memref<128xi32, #tpu.memory_space<vmem>>
      %dma_start3A_155 = arith.constant 0 : i32
      %dma_start3A_156 = arith.constant 0 : i32
      %dma_start3A_157 = tpu.memref_slice %arg2[%dma_start3A_155, %dma_start3A_156] : memref<10240x16xf32, #tpu.memory_space<hbm>> -> memref<10240x16xf32, #tpu.memory_space<hbm>>
      tpu.enqueue_indirect_dma source(%dma_start3A_157 : memref<10240x16xf32, #tpu.memory_space<hbm>>) target(%arg8 : memref<128x16xf32, #tpu.memory_space<vmem>>) offsets(%dma_start3A_154 : memref<128xi32, #tpu.memory_space<vmem>>) semaphore(%arg15 : memref<!tpu.dma_semaphore, #tpu.memory_space<semaphore_mem>>)
      %mul3A_158 = arith.constant 6 : i32
      %mul3A_159 = arith.muli %scan3A_108, %mul3A_158 : i32
      %add3A_160 = arith.constant 2 : i32
      %add3A_161 = arith.addi %mul3A_159, %add3A_160 : i32
      %dma_wait3A_162 = arith.constant 0 : i32
      %dma_wait3A_163 = arith.constant 0 : i32
      %dma_wait3A_164 = tpu.memref_slice %arg4[%dma_wait3A_162, %dma_wait3A_163] : memref<10240x16xf32, #tpu.memory_space<hbm>> -> memref<128x16xf32, #tpu.memory_space<hbm>>
      %dma_wait3A_165 = arith.constant 0 : i32
      %dma_wait3A_166 = arith.constant 0 : i32
      %dma_wait3A_167 = tpu.memref_slice %arg4[%dma_wait3A_165, %dma_wait3A_166] : memref<10240x16xf32, #tpu.memory_space<hbm>> -> memref<128x16xf32, #tpu.memory_space<hbm>>
      tpu.wait_dma2 semaphore(%arg16 : memref<!tpu.dma_semaphore, #tpu.memory_space<semaphore_mem>>) src(%dma_wait3A_167 : memref<128x16xf32, #tpu.memory_space<hbm>>) dst(%arg9 : memref<128x16xf32, #tpu.memory_space<vmem>>)
      %run_scoped3A_168 = arith.constant 1 : i32
      "tpu.region"() ({
        %run_scoped3A_262 = tpu.sem_alloc : memref<!tpu.dma_semaphore, #tpu.memory_space<semaphore_mem>>
        %dma_start3A_263 = arith.constant 0 : i32
        %dma_start3A_264 = tpu.memref_slice %arg6[%add3A_161, %run_scoped3A_168, %dma_start3A_263] : memref<79x2x128xi32, #tpu.memory_space<vmem>> -> memref<1x1x128xi32, #tpu.memory_space<vmem>>
        %dma_start3A_265 = tpu.memref_squeeze %dma_start3A_264 : memref<1x1x128xi32, #tpu.memory_space<vmem>> -> memref<128xi32, #tpu.memory_space<vmem>>
        %dma_start3A_266 = arith.constant 0 : i32
        %dma_start3A_267 = arith.constant 0 : i32
        %dma_start3A_268 = tpu.memref_slice %arg13[%dma_start3A_266, %dma_start3A_267] : memref<10240x16xf32, #tpu.memory_space<vmem_shared>> -> memref<10240x16xf32, #tpu.memory_space<vmem_shared>>
        tpu.enqueue_indirect_dma source(%arg9 : memref<128x16xf32, #tpu.memory_space<vmem>>) target(%dma_start3A_268 : memref<10240x16xf32, #tpu.memory_space<vmem_shared>>) offsets(%dma_start3A_265 : memref<128xi32, #tpu.memory_space<vmem>>) semaphore(%run_scoped3A_262 : memref<!tpu.dma_semaphore, #tpu.memory_space<semaphore_mem>>) {add = true}
        %dma_wait3A_269 = arith.constant 0 : i32
        %dma_wait3A_270 = tpu.memref_slice %arg6[%add3A_161, %run_scoped3A_168, %dma_wait3A_269] : memref<79x2x128xi32, #tpu.memory_space<vmem>> -> memref<1x1x128xi32, #tpu.memory_space<vmem>>
        %dma_wait3A_271 = tpu.memref_squeeze %dma_wait3A_270 : memref<1x1x128xi32, #tpu.memory_space<vmem>> -> memref<128xi32, #tpu.memory_space<vmem>>
        %dma_wait3A_272 = arith.constant 0 : i32
        %dma_wait3A_273 = arith.constant 0 : i32
        %dma_wait3A_274 = tpu.memref_slice %arg13[%dma_wait3A_272, %dma_wait3A_273] : memref<10240x16xf32, #tpu.memory_space<vmem_shared>> -> memref<10240x16xf32, #tpu.memory_space<vmem_shared>>
        tpu.wait_indirect_dma semaphore(%run_scoped3A_262 : memref<!tpu.dma_semaphore, #tpu.memory_space<semaphore_mem>>) src(%arg9 : memref<128x16xf32, #tpu.memory_space<vmem>>) dst(%dma_wait3A_274 : memref<10240x16xf32, #tpu.memory_space<vmem_shared>>)
        tpu.yield
      }) : () -> ()
      %add3A_169 = arith.constant 6 : i32
      %add3A_170 = arith.addi %add3A_161, %add3A_169 : i32
      %lt3A_171 = arith.constant 78 : i32
      %lt3A_172 = arith.cmpi slt, %add3A_170, %lt3A_171 : i32
      %add3A_173 = arith.constant 6 : i32
      %add3A_174 = arith.addi %add3A_161, %add3A_173 : i32
      %jit3A_175 = arith.constant 0 : i32
      %select_n3A_176 = arith.select %lt3A_172, %add3A_174, %jit3A_175 : i32
      %dma_start3A_177 = arith.constant 0 : i32
      %dma_start3A_178 = arith.constant 0 : i32
      %dma_start3A_179 = tpu.memref_slice %arg6[%select_n3A_176, %dma_start3A_177, %dma_start3A_178] : memref<79x2x128xi32, #tpu.memory_space<vmem>> -> memref<1x1x128xi32, #tpu.memory_space<vmem>>
      %dma_start3A_180 = tpu.memref_squeeze %dma_start3A_179 : memref<1x1x128xi32, #tpu.memory_space<vmem>> -> memref<128xi32, #tpu.memory_space<vmem>>
      %dma_start3A_181 = arith.constant 0 : i32
      %dma_start3A_182 = arith.constant 0 : i32
      %dma_start3A_183 = tpu.memref_slice %arg2[%dma_start3A_181, %dma_start3A_182] : memref<10240x16xf32, #tpu.memory_space<hbm>> -> memref<10240x16xf32, #tpu.memory_space<hbm>>
      tpu.enqueue_indirect_dma source(%dma_start3A_183 : memref<10240x16xf32, #tpu.memory_space<hbm>>) target(%arg9 : memref<128x16xf32, #tpu.memory_space<vmem>>) offsets(%dma_start3A_180 : memref<128xi32, #tpu.memory_space<vmem>>) semaphore(%arg16 : memref<!tpu.dma_semaphore, #tpu.memory_space<semaphore_mem>>)
      %mul3A_184 = arith.constant 6 : i32
      %mul3A_185 = arith.muli %scan3A_108, %mul3A_184 : i32
      %add3A_186 = arith.constant 3 : i32
      %add3A_187 = arith.addi %mul3A_185, %add3A_186 : i32
      %dma_wait3A_188 = arith.constant 0 : i32
      %dma_wait3A_189 = arith.constant 0 : i32
      %dma_wait3A_190 = tpu.memref_slice %arg4[%dma_wait3A_188, %dma_wait3A_189] : memref<10240x16xf32, #tpu.memory_space<hbm>> -> memref<128x16xf32, #tpu.memory_space<hbm>>
      %dma_wait3A_191 = arith.constant 0 : i32
      %dma_wait3A_192 = arith.constant 0 : i32
      %dma_wait3A_193 = tpu.memref_slice %arg4[%dma_wait3A_191, %dma_wait3A_192] : memref<10240x16xf32, #tpu.memory_space<hbm>> -> memref<128x16xf32, #tpu.memory_space<hbm>>
      tpu.wait_dma2 semaphore(%arg17 : memref<!tpu.dma_semaphore, #tpu.memory_space<semaphore_mem>>) src(%dma_wait3A_193 : memref<128x16xf32, #tpu.memory_space<hbm>>) dst(%arg10 : memref<128x16xf32, #tpu.memory_space<vmem>>)
      %run_scoped3A_194 = arith.constant 1 : i32
      "tpu.region"() ({
        %run_scoped3A_262 = tpu.sem_alloc : memref<!tpu.dma_semaphore, #tpu.memory_space<semaphore_mem>>
        %dma_start3A_263 = arith.constant 0 : i32
        %dma_start3A_264 = tpu.memref_slice %arg6[%add3A_187, %run_scoped3A_194, %dma_start3A_263] : memref<79x2x128xi32, #tpu.memory_space<vmem>> -> memref<1x1x128xi32, #tpu.memory_space<vmem>>
        %dma_start3A_265 = tpu.memref_squeeze %dma_start3A_264 : memref<1x1x128xi32, #tpu.memory_space<vmem>> -> memref<128xi32, #tpu.memory_space<vmem>>
        %dma_start3A_266 = arith.constant 0 : i32
        %dma_start3A_267 = arith.constant 0 : i32
        %dma_start3A_268 = tpu.memref_slice %arg13[%dma_start3A_266, %dma_start3A_267] : memref<10240x16xf32, #tpu.memory_space<vmem_shared>> -> memref<10240x16xf32, #tpu.memory_space<vmem_shared>>
        tpu.enqueue_indirect_dma source(%arg10 : memref<128x16xf32, #tpu.memory_space<vmem>>) target(%dma_start3A_268 : memref<10240x16xf32, #tpu.memory_space<vmem_shared>>) offsets(%dma_start3A_265 : memref<128xi32, #tpu.memory_space<vmem>>) semaphore(%run_scoped3A_262 : memref<!tpu.dma_semaphore, #tpu.memory_space<semaphore_mem>>) {add = true}
        %dma_wait3A_269 = arith.constant 0 : i32
        %dma_wait3A_270 = tpu.memref_slice %arg6[%add3A_187, %run_scoped3A_194, %dma_wait3A_269] : memref<79x2x128xi32, #tpu.memory_space<vmem>> -> memref<1x1x128xi32, #tpu.memory_space<vmem>>
        %dma_wait3A_271 = tpu.memref_squeeze %dma_wait3A_270 : memref<1x1x128xi32, #tpu.memory_space<vmem>> -> memref<128xi32, #tpu.memory_space<vmem>>
        %dma_wait3A_272 = arith.constant 0 : i32
        %dma_wait3A_273 = arith.constant 0 : i32
        %dma_wait3A_274 = tpu.memref_slice %arg13[%dma_wait3A_272, %dma_wait3A_273] : memref<10240x16xf32, #tpu.memory_space<vmem_shared>> -> memref<10240x16xf32, #tpu.memory_space<vmem_shared>>
        tpu.wait_indirect_dma semaphore(%run_scoped3A_262 : memref<!tpu.dma_semaphore, #tpu.memory_space<semaphore_mem>>) src(%arg10 : memref<128x16xf32, #tpu.memory_space<vmem>>) dst(%dma_wait3A_274 : memref<10240x16xf32, #tpu.memory_space<vmem_shared>>)
        tpu.yield
      }) : () -> ()
      %add3A_195 = arith.constant 6 : i32
      %add3A_196 = arith.addi %add3A_187, %add3A_195 : i32
      %lt3A_197 = arith.constant 78 : i32
      %lt3A_198 = arith.cmpi slt, %add3A_196, %lt3A_197 : i32
      %add3A_199 = arith.constant 6 : i32
      %add3A_200 = arith.addi %add3A_187, %add3A_199 : i32
      %jit3A_201 = arith.constant 0 : i32
      %select_n3A_202 = arith.select %lt3A_198, %add3A_200, %jit3A_201 : i32
      %dma_start3A_203 = arith.constant 0 : i32
      %dma_start3A_204 = arith.constant 0 : i32
      %dma_start3A_205 = tpu.memref_slice %arg6[%select_n3A_202, %dma_start3A_203, %dma_start3A_204] : memref<79x2x128xi32, #tpu.memory_space<vmem>> -> memref<1x1x128xi32, #tpu.memory_space<vmem>>
      %dma_start3A_206 = tpu.memref_squeeze %dma_start3A_205 : memref<1x1x128xi32, #tpu.memory_space<vmem>> -> memref<128xi32, #tpu.memory_space<vmem>>
      %dma_start3A_207 = arith.constant 0 : i32
      %dma_start3A_208 = arith.constant 0 : i32
      %dma_start3A_209 = tpu.memref_slice %arg2[%dma_start3A_207, %dma_start3A_208] : memref<10240x16xf32, #tpu.memory_space<hbm>> -> memref<10240x16xf32, #tpu.memory_space<hbm>>
      tpu.enqueue_indirect_dma source(%dma_start3A_209 : memref<10240x16xf32, #tpu.memory_space<hbm>>) target(%arg10 : memref<128x16xf32, #tpu.memory_space<vmem>>) offsets(%dma_start3A_206 : memref<128xi32, #tpu.memory_space<vmem>>) semaphore(%arg17 : memref<!tpu.dma_semaphore, #tpu.memory_space<semaphore_mem>>)
      %mul3A_210 = arith.constant 6 : i32
      %mul3A_211 = arith.muli %scan3A_108, %mul3A_210 : i32
      %add3A_212 = arith.constant 4 : i32
      %add3A_213 = arith.addi %mul3A_211, %add3A_212 : i32
      %dma_wait3A_214 = arith.constant 0 : i32
      %dma_wait3A_215 = arith.constant 0 : i32
      %dma_wait3A_216 = tpu.memref_slice %arg4[%dma_wait3A_214, %dma_wait3A_215] : memref<10240x16xf32, #tpu.memory_space<hbm>> -> memref<128x16xf32, #tpu.memory_space<hbm>>
      %dma_wait3A_217 = arith.constant 0 : i32
      %dma_wait3A_218 = arith.constant 0 : i32
      %dma_wait3A_219 = tpu.memref_slice %arg4[%dma_wait3A_217, %dma_wait3A_218] : memref<10240x16xf32, #tpu.memory_space<hbm>> -> memref<128x16xf32, #tpu.memory_space<hbm>>
      tpu.wait_dma2 semaphore(%arg18 : memref<!tpu.dma_semaphore, #tpu.memory_space<semaphore_mem>>) src(%dma_wait3A_219 : memref<128x16xf32, #tpu.memory_space<hbm>>) dst(%arg11 : memref<128x16xf32, #tpu.memory_space<vmem>>)
      %run_scoped3A_220 = arith.constant 1 : i32
      "tpu.region"() ({
        %run_scoped3A_262 = tpu.sem_alloc : memref<!tpu.dma_semaphore, #tpu.memory_space<semaphore_mem>>
        %dma_start3A_263 = arith.constant 0 : i32
        %dma_start3A_264 = tpu.memref_slice %arg6[%add3A_213, %run_scoped3A_220, %dma_start3A_263] : memref<79x2x128xi32, #tpu.memory_space<vmem>> -> memref<1x1x128xi32, #tpu.memory_space<vmem>>
        %dma_start3A_265 = tpu.memref_squeeze %dma_start3A_264 : memref<1x1x128xi32, #tpu.memory_space<vmem>> -> memref<128xi32, #tpu.memory_space<vmem>>
        %dma_start3A_266 = arith.constant 0 : i32
        %dma_start3A_267 = arith.constant 0 : i32
        %dma_start3A_268 = tpu.memref_slice %arg13[%dma_start3A_266, %dma_start3A_267] : memref<10240x16xf32, #tpu.memory_space<vmem_shared>> -> memref<10240x16xf32, #tpu.memory_space<vmem_shared>>
        tpu.enqueue_indirect_dma source(%arg11 : memref<128x16xf32, #tpu.memory_space<vmem>>) target(%dma_start3A_268 : memref<10240x16xf32, #tpu.memory_space<vmem_shared>>) offsets(%dma_start3A_265 : memref<128xi32, #tpu.memory_space<vmem>>) semaphore(%run_scoped3A_262 : memref<!tpu.dma_semaphore, #tpu.memory_space<semaphore_mem>>) {add = true}
        %dma_wait3A_269 = arith.constant 0 : i32
        %dma_wait3A_270 = tpu.memref_slice %arg6[%add3A_213, %run_scoped3A_220, %dma_wait3A_269] : memref<79x2x128xi32, #tpu.memory_space<vmem>> -> memref<1x1x128xi32, #tpu.memory_space<vmem>>
        %dma_wait3A_271 = tpu.memref_squeeze %dma_wait3A_270 : memref<1x1x128xi32, #tpu.memory_space<vmem>> -> memref<128xi32, #tpu.memory_space<vmem>>
        %dma_wait3A_272 = arith.constant 0 : i32
        %dma_wait3A_273 = arith.constant 0 : i32
        %dma_wait3A_274 = tpu.memref_slice %arg13[%dma_wait3A_272, %dma_wait3A_273] : memref<10240x16xf32, #tpu.memory_space<vmem_shared>> -> memref<10240x16xf32, #tpu.memory_space<vmem_shared>>
        tpu.wait_indirect_dma semaphore(%run_scoped3A_262 : memref<!tpu.dma_semaphore, #tpu.memory_space<semaphore_mem>>) src(%arg11 : memref<128x16xf32, #tpu.memory_space<vmem>>) dst(%dma_wait3A_274 : memref<10240x16xf32, #tpu.memory_space<vmem_shared>>)
        tpu.yield
      }) : () -> ()
      %add3A_221 = arith.constant 6 : i32
      %add3A_222 = arith.addi %add3A_213, %add3A_221 : i32
      %lt3A_223 = arith.constant 78 : i32
      %lt3A_224 = arith.cmpi slt, %add3A_222, %lt3A_223 : i32
      %add3A_225 = arith.constant 6 : i32
      %add3A_226 = arith.addi %add3A_213, %add3A_225 : i32
      %jit3A_227 = arith.constant 0 : i32
      %select_n3A_228 = arith.select %lt3A_224, %add3A_226, %jit3A_227 : i32
      %dma_start3A_229 = arith.constant 0 : i32
      %dma_start3A_230 = arith.constant 0 : i32
      %dma_start3A_231 = tpu.memref_slice %arg6[%select_n3A_228, %dma_start3A_229, %dma_start3A_230] : memref<79x2x128xi32, #tpu.memory_space<vmem>> -> memref<1x1x128xi32, #tpu.memory_space<vmem>>
      %dma_start3A_232 = tpu.memref_squeeze %dma_start3A_231 : memref<1x1x128xi32, #tpu.memory_space<vmem>> -> memref<128xi32, #tpu.memory_space<vmem>>
      %dma_start3A_233 = arith.constant 0 : i32
      %dma_start3A_234 = arith.constant 0 : i32
      %dma_start3A_235 = tpu.memref_slice %arg2[%dma_start3A_233, %dma_start3A_234] : memref<10240x16xf32, #tpu.memory_space<hbm>> -> memref<10240x16xf32, #tpu.memory_space<hbm>>
      tpu.enqueue_indirect_dma source(%dma_start3A_235 : memref<10240x16xf32, #tpu.memory_space<hbm>>) target(%arg11 : memref<128x16xf32, #tpu.memory_space<vmem>>) offsets(%dma_start3A_232 : memref<128xi32, #tpu.memory_space<vmem>>) semaphore(%arg18 : memref<!tpu.dma_semaphore, #tpu.memory_space<semaphore_mem>>)
      %mul3A_236 = arith.constant 6 : i32
      %mul3A_237 = arith.muli %scan3A_108, %mul3A_236 : i32
      %add3A_238 = arith.constant 5 : i32
      %add3A_239 = arith.addi %mul3A_237, %add3A_238 : i32
      %dma_wait3A_240 = arith.constant 0 : i32
      %dma_wait3A_241 = arith.constant 0 : i32
      %dma_wait3A_242 = tpu.memref_slice %arg4[%dma_wait3A_240, %dma_wait3A_241] : memref<10240x16xf32, #tpu.memory_space<hbm>> -> memref<128x16xf32, #tpu.memory_space<hbm>>
      %dma_wait3A_243 = arith.constant 0 : i32
      %dma_wait3A_244 = arith.constant 0 : i32
      %dma_wait3A_245 = tpu.memref_slice %arg4[%dma_wait3A_243, %dma_wait3A_244] : memref<10240x16xf32, #tpu.memory_space<hbm>> -> memref<128x16xf32, #tpu.memory_space<hbm>>
      tpu.wait_dma2 semaphore(%arg19 : memref<!tpu.dma_semaphore, #tpu.memory_space<semaphore_mem>>) src(%dma_wait3A_245 : memref<128x16xf32, #tpu.memory_space<hbm>>) dst(%arg12 : memref<128x16xf32, #tpu.memory_space<vmem>>)
      %run_scoped3A_246 = arith.constant 1 : i32
      "tpu.region"() ({
        %run_scoped3A_262 = tpu.sem_alloc : memref<!tpu.dma_semaphore, #tpu.memory_space<semaphore_mem>>
        %dma_start3A_263 = arith.constant 0 : i32
        %dma_start3A_264 = tpu.memref_slice %arg6[%add3A_239, %run_scoped3A_246, %dma_start3A_263] : memref<79x2x128xi32, #tpu.memory_space<vmem>> -> memref<1x1x128xi32, #tpu.memory_space<vmem>>
        %dma_start3A_265 = tpu.memref_squeeze %dma_start3A_264 : memref<1x1x128xi32, #tpu.memory_space<vmem>> -> memref<128xi32, #tpu.memory_space<vmem>>
        %dma_start3A_266 = arith.constant 0 : i32
        %dma_start3A_267 = arith.constant 0 : i32
        %dma_start3A_268 = tpu.memref_slice %arg13[%dma_start3A_266, %dma_start3A_267] : memref<10240x16xf32, #tpu.memory_space<vmem_shared>> -> memref<10240x16xf32, #tpu.memory_space<vmem_shared>>
        tpu.enqueue_indirect_dma source(%arg12 : memref<128x16xf32, #tpu.memory_space<vmem>>) target(%dma_start3A_268 : memref<10240x16xf32, #tpu.memory_space<vmem_shared>>) offsets(%dma_start3A_265 : memref<128xi32, #tpu.memory_space<vmem>>) semaphore(%run_scoped3A_262 : memref<!tpu.dma_semaphore, #tpu.memory_space<semaphore_mem>>) {add = true}
        %dma_wait3A_269 = arith.constant 0 : i32
        %dma_wait3A_270 = tpu.memref_slice %arg6[%add3A_239, %run_scoped3A_246, %dma_wait3A_269] : memref<79x2x128xi32, #tpu.memory_space<vmem>> -> memref<1x1x128xi32, #tpu.memory_space<vmem>>
        %dma_wait3A_271 = tpu.memref_squeeze %dma_wait3A_270 : memref<1x1x128xi32, #tpu.memory_space<vmem>> -> memref<128xi32, #tpu.memory_space<vmem>>
        %dma_wait3A_272 = arith.constant 0 : i32
        %dma_wait3A_273 = arith.constant 0 : i32
        %dma_wait3A_274 = tpu.memref_slice %arg13[%dma_wait3A_272, %dma_wait3A_273] : memref<10240x16xf32, #tpu.memory_space<vmem_shared>> -> memref<10240x16xf32, #tpu.memory_space<vmem_shared>>
        tpu.wait_indirect_dma semaphore(%run_scoped3A_262 : memref<!tpu.dma_semaphore, #tpu.memory_space<semaphore_mem>>) src(%arg12 : memref<128x16xf32, #tpu.memory_space<vmem>>) dst(%dma_wait3A_274 : memref<10240x16xf32, #tpu.memory_space<vmem_shared>>)
        tpu.yield
      }) : () -> ()
      %add3A_247 = arith.constant 6 : i32
      %add3A_248 = arith.addi %add3A_239, %add3A_247 : i32
      %lt3A_249 = arith.constant 78 : i32
      %lt3A_250 = arith.cmpi slt, %add3A_248, %lt3A_249 : i32
      %add3A_251 = arith.constant 6 : i32
      %add3A_252 = arith.addi %add3A_239, %add3A_251 : i32
      %jit3A_253 = arith.constant 0 : i32
      %select_n3A_254 = arith.select %lt3A_250, %add3A_252, %jit3A_253 : i32
      %dma_start3A_255 = arith.constant 0 : i32
      %dma_start3A_256 = arith.constant 0 : i32
      %dma_start3A_257 = tpu.memref_slice %arg6[%select_n3A_254, %dma_start3A_255, %dma_start3A_256] : memref<79x2x128xi32, #tpu.memory_space<vmem>> -> memref<1x1x128xi32, #tpu.memory_space<vmem>>
      %dma_start3A_258 = tpu.memref_squeeze %dma_start3A_257 : memref<1x1x128xi32, #tpu.memory_space<vmem>> -> memref<128xi32, #tpu.memory_space<vmem>>
      %dma_start3A_259 = arith.constant 0 : i32
      %dma_start3A_260 = arith.constant 0 : i32
      %dma_start3A_261 = tpu.memref_slice %arg2[%dma_start3A_259, %dma_start3A_260] : memref<10240x16xf32, #tpu.memory_space<hbm>> -> memref<10240x16xf32, #tpu.memory_space<hbm>>
      tpu.enqueue_indirect_dma source(%dma_start3A_261 : memref<10240x16xf32, #tpu.memory_space<hbm>>) target(%arg12 : memref<128x16xf32, #tpu.memory_space<vmem>>) offsets(%dma_start3A_258 : memref<128xi32, #tpu.memory_space<vmem>>) semaphore(%arg19 : memref<!tpu.dma_semaphore, #tpu.memory_space<semaphore_mem>>)
    }
    %scan3A_62 = arith.constant 13 : i32
    %dma_wait3A = arith.constant 0 : i32
    %dma_wait3A_63 = arith.constant 0 : i32
    %dma_wait3A_64 = tpu.memref_slice %arg4[%dma_wait3A, %dma_wait3A_63] : memref<10240x16xf32, #tpu.memory_space<hbm>> -> memref<128x16xf32, #tpu.memory_space<hbm>>
    %dma_wait3A_65 = arith.constant 0 : i32
    %dma_wait3A_66 = arith.constant 0 : i32
    %dma_wait3A_67 = tpu.memref_slice %arg4[%dma_wait3A_65, %dma_wait3A_66] : memref<10240x16xf32, #tpu.memory_space<hbm>> -> memref<128x16xf32, #tpu.memory_space<hbm>>
    tpu.wait_dma2 semaphore(%arg14 : memref<!tpu.dma_semaphore, #tpu.memory_space<semaphore_mem>>) src(%dma_wait3A_67 : memref<128x16xf32, #tpu.memory_space<hbm>>) dst(%arg7 : memref<128x16xf32, #tpu.memory_space<vmem>>)
    %dma_wait3A_68 = arith.constant 0 : i32
    %dma_wait3A_69 = arith.constant 0 : i32
    %dma_wait3A_70 = tpu.memref_slice %arg4[%dma_wait3A_68, %dma_wait3A_69] : memref<10240x16xf32, #tpu.memory_space<hbm>> -> memref<128x16xf32, #tpu.memory_space<hbm>>
    %dma_wait3A_71 = arith.constant 0 : i32
    %dma_wait3A_72 = arith.constant 0 : i32
    %dma_wait3A_73 = tpu.memref_slice %arg4[%dma_wait3A_71, %dma_wait3A_72] : memref<10240x16xf32, #tpu.memory_space<hbm>> -> memref<128x16xf32, #tpu.memory_space<hbm>>
    tpu.wait_dma2 semaphore(%arg15 : memref<!tpu.dma_semaphore, #tpu.memory_space<semaphore_mem>>) src(%dma_wait3A_73 : memref<128x16xf32, #tpu.memory_space<hbm>>) dst(%arg8 : memref<128x16xf32, #tpu.memory_space<vmem>>)
    %dma_wait3A_74 = arith.constant 0 : i32
    %dma_wait3A_75 = arith.constant 0 : i32
    %dma_wait3A_76 = tpu.memref_slice %arg4[%dma_wait3A_74, %dma_wait3A_75] : memref<10240x16xf32, #tpu.memory_space<hbm>> -> memref<128x16xf32, #tpu.memory_space<hbm>>
    %dma_wait3A_77 = arith.constant 0 : i32
    %dma_wait3A_78 = arith.constant 0 : i32
    %dma_wait3A_79 = tpu.memref_slice %arg4[%dma_wait3A_77, %dma_wait3A_78] : memref<10240x16xf32, #tpu.memory_space<hbm>> -> memref<128x16xf32, #tpu.memory_space<hbm>>
    tpu.wait_dma2 semaphore(%arg16 : memref<!tpu.dma_semaphore, #tpu.memory_space<semaphore_mem>>) src(%dma_wait3A_79 : memref<128x16xf32, #tpu.memory_space<hbm>>) dst(%arg9 : memref<128x16xf32, #tpu.memory_space<vmem>>)
    %dma_wait3A_80 = arith.constant 0 : i32
    %dma_wait3A_81 = arith.constant 0 : i32
    %dma_wait3A_82 = tpu.memref_slice %arg4[%dma_wait3A_80, %dma_wait3A_81] : memref<10240x16xf32, #tpu.memory_space<hbm>> -> memref<128x16xf32, #tpu.memory_space<hbm>>
    %dma_wait3A_83 = arith.constant 0 : i32
    %dma_wait3A_84 = arith.constant 0 : i32
    %dma_wait3A_85 = tpu.memref_slice %arg4[%dma_wait3A_83, %dma_wait3A_84] : memref<10240x16xf32, #tpu.memory_space<hbm>> -> memref<128x16xf32, #tpu.memory_space<hbm>>
    tpu.wait_dma2 semaphore(%arg17 : memref<!tpu.dma_semaphore, #tpu.memory_space<semaphore_mem>>) src(%dma_wait3A_85 : memref<128x16xf32, #tpu.memory_space<hbm>>) dst(%arg10 : memref<128x16xf32, #tpu.memory_space<vmem>>)
    %dma_wait3A_86 = arith.constant 0 : i32
    %dma_wait3A_87 = arith.constant 0 : i32
    %dma_wait3A_88 = tpu.memref_slice %arg4[%dma_wait3A_86, %dma_wait3A_87] : memref<10240x16xf32, #tpu.memory_space<hbm>> -> memref<128x16xf32, #tpu.memory_space<hbm>>
    %dma_wait3A_89 = arith.constant 0 : i32
    %dma_wait3A_90 = arith.constant 0 : i32
    %dma_wait3A_91 = tpu.memref_slice %arg4[%dma_wait3A_89, %dma_wait3A_90] : memref<10240x16xf32, #tpu.memory_space<hbm>> -> memref<128x16xf32, #tpu.memory_space<hbm>>
    tpu.wait_dma2 semaphore(%arg18 : memref<!tpu.dma_semaphore, #tpu.memory_space<semaphore_mem>>) src(%dma_wait3A_91 : memref<128x16xf32, #tpu.memory_space<hbm>>) dst(%arg11 : memref<128x16xf32, #tpu.memory_space<vmem>>)
    %dma_wait3A_92 = arith.constant 0 : i32
    %dma_wait3A_93 = arith.constant 0 : i32
    %dma_wait3A_94 = tpu.memref_slice %arg4[%dma_wait3A_92, %dma_wait3A_93] : memref<10240x16xf32, #tpu.memory_space<hbm>> -> memref<128x16xf32, #tpu.memory_space<hbm>>
    %dma_wait3A_95 = arith.constant 0 : i32
    %dma_wait3A_96 = arith.constant 0 : i32
    %dma_wait3A_97 = tpu.memref_slice %arg4[%dma_wait3A_95, %dma_wait3A_96] : memref<10240x16xf32, #tpu.memory_space<hbm>> -> memref<128x16xf32, #tpu.memory_space<hbm>>
    tpu.wait_dma2 semaphore(%arg19 : memref<!tpu.dma_semaphore, #tpu.memory_space<semaphore_mem>>) src(%dma_wait3A_97 : memref<128x16xf32, #tpu.memory_space<hbm>>) dst(%arg12 : memref<128x16xf32, #tpu.memory_space<vmem>>)
    %lt3A_98 = arith.constant 4 : i32
    %lt3A_99 = arith.cmpi slt, %add3A, %lt3A_98 : i32
    %convert_element_type3A_100 = arith.extui %lt3A_99 : i1 to i32
    %cond3A_101 = arith.constant 0 : i32
    %cond3A_102 = arith.cmpi ne, %convert_element_type3A_100, %cond3A_101 : i32
    scf.if %cond3A_102 {
      %dma_start3A_108 = arith.constant 78 : i32
      %dma_start3A_109 = arith.constant 0 : i32
      %dma_start3A_110 = arith.constant 0 : i32
      %dma_start3A_111 = tpu.memref_slice %arg6[%dma_start3A_108, %dma_start3A_109, %dma_start3A_110] : memref<79x2x128xi32, #tpu.memory_space<vmem>> -> memref<1x1x128xi32, #tpu.memory_space<vmem>>
      %dma_start3A_112 = tpu.memref_squeeze %dma_start3A_111 : memref<1x1x128xi32, #tpu.memory_space<vmem>> -> memref<128xi32, #tpu.memory_space<vmem>>
      %dma_start3A_113 = arith.constant 0 : i32
      %dma_start3A_114 = arith.constant 0 : i32
      %dma_start3A_115 = tpu.memref_slice %arg2[%dma_start3A_113, %dma_start3A_114] : memref<10240x16xf32, #tpu.memory_space<hbm>> -> memref<10240x16xf32, #tpu.memory_space<hbm>>
      tpu.enqueue_indirect_dma source(%dma_start3A_115 : memref<10240x16xf32, #tpu.memory_space<hbm>>) target(%arg7 : memref<128x16xf32, #tpu.memory_space<vmem>>) offsets(%dma_start3A_112 : memref<128xi32, #tpu.memory_space<vmem>>) semaphore(%arg14 : memref<!tpu.dma_semaphore, #tpu.memory_space<semaphore_mem>>)
      %dma_wait3A_116 = arith.constant 78 : i32
      %dma_wait3A_117 = arith.constant 0 : i32
      %dma_wait3A_118 = arith.constant 0 : i32
      %dma_wait3A_119 = tpu.memref_slice %arg6[%dma_wait3A_116, %dma_wait3A_117, %dma_wait3A_118] : memref<79x2x128xi32, #tpu.memory_space<vmem>> -> memref<1x1x128xi32, #tpu.memory_space<vmem>>
      %dma_wait3A_120 = tpu.memref_squeeze %dma_wait3A_119 : memref<1x1x128xi32, #tpu.memory_space<vmem>> -> memref<128xi32, #tpu.memory_space<vmem>>
      %dma_wait3A_121 = arith.constant 0 : i32
      %dma_wait3A_122 = arith.constant 0 : i32
      %dma_wait3A_123 = tpu.memref_slice %arg2[%dma_wait3A_121, %dma_wait3A_122] : memref<10240x16xf32, #tpu.memory_space<hbm>> -> memref<10240x16xf32, #tpu.memory_space<hbm>>
      tpu.wait_indirect_dma semaphore(%arg14 : memref<!tpu.dma_semaphore, #tpu.memory_space<semaphore_mem>>) src(%dma_wait3A_123 : memref<10240x16xf32, #tpu.memory_space<hbm>>) dst(%arg7 : memref<128x16xf32, #tpu.memory_space<vmem>>)
      %run_scoped3A = arith.constant 78 : i32
      %run_scoped3A_124 = arith.constant 1 : i32
      "tpu.region"() ({
        %run_scoped3A_125 = tpu.sem_alloc : memref<!tpu.dma_semaphore, #tpu.memory_space<semaphore_mem>>
        %dma_start3A_126 = arith.constant 0 : i32
        %dma_start3A_127 = tpu.memref_slice %arg6[%run_scoped3A, %run_scoped3A_124, %dma_start3A_126] : memref<79x2x128xi32, #tpu.memory_space<vmem>> -> memref<1x1x128xi32, #tpu.memory_space<vmem>>
        %dma_start3A_128 = tpu.memref_squeeze %dma_start3A_127 : memref<1x1x128xi32, #tpu.memory_space<vmem>> -> memref<128xi32, #tpu.memory_space<vmem>>
        %dma_start3A_129 = arith.constant 0 : i32
        %dma_start3A_130 = arith.constant 0 : i32
        %dma_start3A_131 = tpu.memref_slice %arg13[%dma_start3A_129, %dma_start3A_130] : memref<10240x16xf32, #tpu.memory_space<vmem_shared>> -> memref<10240x16xf32, #tpu.memory_space<vmem_shared>>
        tpu.enqueue_indirect_dma source(%arg7 : memref<128x16xf32, #tpu.memory_space<vmem>>) target(%dma_start3A_131 : memref<10240x16xf32, #tpu.memory_space<vmem_shared>>) offsets(%dma_start3A_128 : memref<128xi32, #tpu.memory_space<vmem>>) semaphore(%run_scoped3A_125 : memref<!tpu.dma_semaphore, #tpu.memory_space<semaphore_mem>>) {add = true}
        %dma_wait3A_132 = arith.constant 0 : i32
        %dma_wait3A_133 = tpu.memref_slice %arg6[%run_scoped3A, %run_scoped3A_124, %dma_wait3A_132] : memref<79x2x128xi32, #tpu.memory_space<vmem>> -> memref<1x1x128xi32, #tpu.memory_space<vmem>>
        %dma_wait3A_134 = tpu.memref_squeeze %dma_wait3A_133 : memref<1x1x128xi32, #tpu.memory_space<vmem>> -> memref<128xi32, #tpu.memory_space<vmem>>
        %dma_wait3A_135 = arith.constant 0 : i32
        %dma_wait3A_136 = arith.constant 0 : i32
        %dma_wait3A_137 = tpu.memref_slice %arg13[%dma_wait3A_135, %dma_wait3A_136] : memref<10240x16xf32, #tpu.memory_space<vmem_shared>> -> memref<10240x16xf32, #tpu.memory_space<vmem_shared>>
        tpu.wait_indirect_dma semaphore(%run_scoped3A_125 : memref<!tpu.dma_semaphore, #tpu.memory_space<semaphore_mem>>) src(%arg7 : memref<128x16xf32, #tpu.memory_space<vmem>>) dst(%dma_wait3A_137 : memref<10240x16xf32, #tpu.memory_space<vmem_shared>>)
        tpu.yield
      }) : () -> ()
    } else {
    }
    %barrier3A_103 = arith.constant 0 : index
    tpu.barrier barrier_id(%barrier3A_103)
    %mul3A_104 = arith.constant 640 : i32
    %mul3A_105 = arith.muli %arg1, %mul3A_104 : i32
    %mul3A_106 = arith.constant 640 : i32
    %mul3A_107 = arith.muli %arg1, %mul3A_106 : i32
    "tpu.region"() ({
      %run_scoped3A = tpu.sem_alloc : memref<!tpu.dma_semaphore, #tpu.memory_space<semaphore_mem>>
      %dma_start3A_108 = arith.constant 0 : i32
      %dma_start3A_109 = tpu.memref_slice %arg5[%arg0, %mul3A_107, %dma_start3A_108] : memref<2x10240x16xf32, #tpu.memory_space<hbm>> -> memref<1x640x16xf32, #tpu.memory_space<hbm>>
      %dma_start3A_110 = tpu.memref_squeeze %dma_start3A_109 : memref<1x640x16xf32, #tpu.memory_space<hbm>> -> memref<640x16xf32, #tpu.memory_space<hbm>>
      %dma_start3A_111 = arith.constant 0 : i32
      %dma_start3A_112 = tpu.memref_slice %arg13[%mul3A_105, %dma_start3A_111] : memref<10240x16xf32, #tpu.memory_space<vmem_shared>> -> memref<640x16xf32, #tpu.memory_space<vmem_shared>>
      tpu.enqueue_dma source(%dma_start3A_112 : memref<640x16xf32, #tpu.memory_space<vmem_shared>>) target(%dma_start3A_110 : memref<640x16xf32, #tpu.memory_space<hbm>>) target_semaphore(%run_scoped3A : memref<!tpu.dma_semaphore, #tpu.memory_space<semaphore_mem>>)
      %dma_wait3A_113 = arith.constant 0 : i32
      %dma_wait3A_114 = tpu.memref_slice %arg5[%arg0, %mul3A_107, %dma_wait3A_113] : memref<2x10240x16xf32, #tpu.memory_space<hbm>> -> memref<1x640x16xf32, #tpu.memory_space<hbm>>
      %dma_wait3A_115 = tpu.memref_squeeze %dma_wait3A_114 : memref<1x640x16xf32, #tpu.memory_space<hbm>> -> memref<640x16xf32, #tpu.memory_space<hbm>>
      %dma_wait3A_116 = arith.constant 0 : i32
      %dma_wait3A_117 = tpu.memref_slice %arg13[%mul3A_105, %dma_wait3A_116] : memref<10240x16xf32, #tpu.memory_space<vmem_shared>> -> memref<640x16xf32, #tpu.memory_space<vmem_shared>>
      tpu.wait_dma2 semaphore(%run_scoped3A : memref<!tpu.dma_semaphore, #tpu.memory_space<semaphore_mem>>) src(%dma_wait3A_117 : memref<640x16xf32, #tpu.memory_space<vmem_shared>>) dst(%dma_wait3A_115 : memref<640x16xf32, #tpu.memory_space<hbm>>)
      tpu.yield
    }) : () -> ()
    return
  }
}

#map = affine_map<(d0, d1) -> (0, 0, 0)>
#map1 = affine_map<(d0, d1) -> (0, 0)>
module attributes {stable_mosaic.version = 14 : i64} {
  func.func @deg_pass(%arg0: i32, %arg1: i32, %arg2: memref<2500x2x128xi32, #tpu.memory_space<hbm>>, %arg3: memref<10240x16xf32, #tpu.memory_space<hbm>>, %arg4: memref<128x16xf32, #tpu.memory_space<hbm>>, %arg5: memref<2x10240x16xf32, #tpu.memory_space<hbm>>, %arg6: memref<79x2x128xi32, #tpu.memory_space<vmem>>, %arg7: memref<128x16xf32, #tpu.memory_space<vmem>>, %arg8: memref<10240x16xf32, #tpu.memory_space<vmem_shared>>, %arg9: memref<!tpu.dma_semaphore, #tpu.memory_space<semaphore_mem>>, %arg10: memref<!tpu.dma_semaphore, #tpu.memory_space<semaphore_mem>>, %arg11: memref<!tpu.dma_semaphore, #tpu.memory_space<semaphore_mem>>, %arg12: memref<!tpu.dma_semaphore, #tpu.memory_space<semaphore_mem>>, %arg13: memref<!tpu.dma_semaphore, #tpu.memory_space<semaphore_mem>>, %arg14: memref<!tpu.dma_semaphore, #tpu.memory_space<semaphore_mem>>) attributes {dimension_semantics = [#tpu.dimension_semantics<core_parallel>, #tpu.dimension_semantics<subcore_parallel>], iteration_bounds = array<i64: 2, 16>, scalar_prefetch = 0 : i64, scratch_operands = 9 : i64, tpu.core_type = #tpu.core_type<sc_vector_subcore>, window_params = [{transform_indices = #map}, {transform_indices = #map1}, {transform_indices = #map1}, {transform_indices = #map}]} {
    %mul3A = arith.constant 2 : i32
    %mul3A_0 = arith.muli %arg1, %mul3A : i32
    %add3A = arith.addi %mul3A_0, %arg0 : i32
    %mul3A_1 = arith.constant 78 : i32
    %mul3A_2 = arith.muli %mul3A_1, %add3A : i32
    %min3A = arith.constant 4 : i32
    %min3A_3 = arith.minsi %add3A, %min3A : i32
    %add3A_4 = arith.addi %mul3A_2, %min3A_3 : i32
    "tpu.region"() ({
      %run_scoped3A = tpu.sem_alloc : memref<!tpu.dma_semaphore, #tpu.memory_space<semaphore_mem>>
      %dma_start3A_73 = arith.constant 0 : i32
      %dma_start3A_74 = arith.constant 0 : i32
      %dma_start3A_75 = arith.constant 0 : i32
      %dma_start3A_76 = tpu.memref_slice %arg6[%dma_start3A_73, %dma_start3A_74, %dma_start3A_75] : memref<79x2x128xi32, #tpu.memory_space<vmem>> -> memref<78x2x128xi32, #tpu.memory_space<vmem>>
      %dma_start3A_77 = arith.constant 0 : i32
      %dma_start3A_78 = arith.constant 0 : i32
      %dma_start3A_79 = tpu.memref_slice %arg2[%add3A_4, %dma_start3A_77, %dma_start3A_78] : memref<2500x2x128xi32, #tpu.memory_space<hbm>> -> memref<78x2x128xi32, #tpu.memory_space<hbm>>
      %dma_start3A_80 = arith.constant 0 : i32
      %dma_start3A_81 = arith.constant 0 : i32
      %dma_start3A_82 = arith.constant 0 : i32
      %dma_start3A_83 = tpu.memref_slice %arg6[%dma_start3A_80, %dma_start3A_81, %dma_start3A_82] : memref<79x2x128xi32, #tpu.memory_space<vmem>> -> memref<78x2x128xi32, #tpu.memory_space<vmem>>
      %dma_start3A_84 = arith.constant 0 : i32
      %dma_start3A_85 = arith.constant 0 : i32
      %dma_start3A_86 = tpu.memref_slice %arg2[%add3A_4, %dma_start3A_84, %dma_start3A_85] : memref<2500x2x128xi32, #tpu.memory_space<hbm>> -> memref<78x2x128xi32, #tpu.memory_space<hbm>>
      tpu.enqueue_dma source(%dma_start3A_86 : memref<78x2x128xi32, #tpu.memory_space<hbm>>) target(%dma_start3A_83 : memref<78x2x128xi32, #tpu.memory_space<vmem>>) target_semaphore(%run_scoped3A : memref<!tpu.dma_semaphore, #tpu.memory_space<semaphore_mem>>)
      %dma_wait3A = arith.constant 0 : i32
      %dma_wait3A_87 = arith.constant 0 : i32
      %dma_wait3A_88 = arith.constant 0 : i32
      %dma_wait3A_89 = tpu.memref_slice %arg6[%dma_wait3A, %dma_wait3A_87, %dma_wait3A_88] : memref<79x2x128xi32, #tpu.memory_space<vmem>> -> memref<78x2x128xi32, #tpu.memory_space<vmem>>
      %dma_wait3A_90 = arith.constant 0 : i32
      %dma_wait3A_91 = arith.constant 0 : i32
      %dma_wait3A_92 = tpu.memref_slice %arg2[%add3A_4, %dma_wait3A_90, %dma_wait3A_91] : memref<2500x2x128xi32, #tpu.memory_space<hbm>> -> memref<78x2x128xi32, #tpu.memory_space<hbm>>
      %dma_wait3A_93 = arith.constant 0 : i32
      %dma_wait3A_94 = arith.constant 0 : i32
      %dma_wait3A_95 = arith.constant 0 : i32
      %dma_wait3A_96 = tpu.memref_slice %arg6[%dma_wait3A_93, %dma_wait3A_94, %dma_wait3A_95] : memref<79x2x128xi32, #tpu.memory_space<vmem>> -> memref<78x2x128xi32, #tpu.memory_space<vmem>>
      %dma_wait3A_97 = arith.constant 0 : i32
      %dma_wait3A_98 = arith.constant 0 : i32
      %dma_wait3A_99 = tpu.memref_slice %arg2[%add3A_4, %dma_wait3A_97, %dma_wait3A_98] : memref<2500x2x128xi32, #tpu.memory_space<hbm>> -> memref<78x2x128xi32, #tpu.memory_space<hbm>>
      tpu.wait_dma2 semaphore(%run_scoped3A : memref<!tpu.dma_semaphore, #tpu.memory_space<semaphore_mem>>) src(%dma_wait3A_99 : memref<78x2x128xi32, #tpu.memory_space<hbm>>) dst(%dma_wait3A_96 : memref<78x2x128xi32, #tpu.memory_space<vmem>>)
      tpu.yield
    }) : () -> ()
    %lt3A = arith.constant 4 : i32
    %lt3A_5 = arith.cmpi slt, %add3A, %lt3A : i32
    %convert_element_type3A = arith.extui %lt3A_5 : i1 to i32
    %cond3A = arith.constant 0 : i32
    %cond3A_6 = arith.cmpi ne, %convert_element_type3A, %cond3A : i32
    scf.if %cond3A_6 {
      %add3A_73 = arith.constant 78 : i32
      %add3A_74 = arith.addi %add3A_4, %add3A_73 : i32
      "tpu.region"() ({
        %run_scoped3A = tpu.sem_alloc : memref<!tpu.dma_semaphore, #tpu.memory_space<semaphore_mem>>
        %dma_start3A_75 = arith.constant 78 : i32
        %dma_start3A_76 = arith.constant 0 : i32
        %dma_start3A_77 = arith.constant 0 : i32
        %dma_start3A_78 = tpu.memref_slice %arg6[%dma_start3A_75, %dma_start3A_76, %dma_start3A_77] : memref<79x2x128xi32, #tpu.memory_space<vmem>> -> memref<1x2x128xi32, #tpu.memory_space<vmem>>
        %dma_start3A_79 = arith.constant 0 : i32
        %dma_start3A_80 = arith.constant 0 : i32
        %dma_start3A_81 = tpu.memref_slice %arg2[%add3A_74, %dma_start3A_79, %dma_start3A_80] : memref<2500x2x128xi32, #tpu.memory_space<hbm>> -> memref<1x2x128xi32, #tpu.memory_space<hbm>>
        %dma_start3A_82 = arith.constant 78 : i32
        %dma_start3A_83 = arith.constant 0 : i32
        %dma_start3A_84 = arith.constant 0 : i32
        %dma_start3A_85 = tpu.memref_slice %arg6[%dma_start3A_82, %dma_start3A_83, %dma_start3A_84] : memref<79x2x128xi32, #tpu.memory_space<vmem>> -> memref<1x2x128xi32, #tpu.memory_space<vmem>>
        %dma_start3A_86 = arith.constant 0 : i32
        %dma_start3A_87 = arith.constant 0 : i32
        %dma_start3A_88 = tpu.memref_slice %arg2[%add3A_74, %dma_start3A_86, %dma_start3A_87] : memref<2500x2x128xi32, #tpu.memory_space<hbm>> -> memref<1x2x128xi32, #tpu.memory_space<hbm>>
        tpu.enqueue_dma source(%dma_start3A_88 : memref<1x2x128xi32, #tpu.memory_space<hbm>>) target(%dma_start3A_85 : memref<1x2x128xi32, #tpu.memory_space<vmem>>) target_semaphore(%run_scoped3A : memref<!tpu.dma_semaphore, #tpu.memory_space<semaphore_mem>>)
        %dma_wait3A = arith.constant 78 : i32
        %dma_wait3A_89 = arith.constant 0 : i32
        %dma_wait3A_90 = arith.constant 0 : i32
        %dma_wait3A_91 = tpu.memref_slice %arg6[%dma_wait3A, %dma_wait3A_89, %dma_wait3A_90] : memref<79x2x128xi32, #tpu.memory_space<vmem>> -> memref<1x2x128xi32, #tpu.memory_space<vmem>>
        %dma_wait3A_92 = arith.constant 0 : i32
        %dma_wait3A_93 = arith.constant 0 : i32
        %dma_wait3A_94 = tpu.memref_slice %arg2[%add3A_74, %dma_wait3A_92, %dma_wait3A_93] : memref<2500x2x128xi32, #tpu.memory_space<hbm>> -> memref<1x2x128xi32, #tpu.memory_space<hbm>>
        %dma_wait3A_95 = arith.constant 78 : i32
        %dma_wait3A_96 = arith.constant 0 : i32
        %dma_wait3A_97 = arith.constant 0 : i32
        %dma_wait3A_98 = tpu.memref_slice %arg6[%dma_wait3A_95, %dma_wait3A_96, %dma_wait3A_97] : memref<79x2x128xi32, #tpu.memory_space<vmem>> -> memref<1x2x128xi32, #tpu.memory_space<vmem>>
        %dma_wait3A_99 = arith.constant 0 : i32
        %dma_wait3A_100 = arith.constant 0 : i32
        %dma_wait3A_101 = tpu.memref_slice %arg2[%add3A_74, %dma_wait3A_99, %dma_wait3A_100] : memref<2500x2x128xi32, #tpu.memory_space<hbm>> -> memref<1x2x128xi32, #tpu.memory_space<hbm>>
        tpu.wait_dma2 semaphore(%run_scoped3A : memref<!tpu.dma_semaphore, #tpu.memory_space<semaphore_mem>>) src(%dma_wait3A_101 : memref<1x2x128xi32, #tpu.memory_space<hbm>>) dst(%dma_wait3A_98 : memref<1x2x128xi32, #tpu.memory_space<vmem>>)
        tpu.yield
      }) : () -> ()
    } else {
    }
    "tpu.region"() ({
      %run_scoped3A = tpu.sem_alloc : memref<!tpu.dma_semaphore, #tpu.memory_space<semaphore_mem>>
      tpu.enqueue_dma source(%arg4 : memref<128x16xf32, #tpu.memory_space<hbm>>) target(%arg7 : memref<128x16xf32, #tpu.memory_space<vmem>>) target_semaphore(%run_scoped3A : memref<!tpu.dma_semaphore, #tpu.memory_space<semaphore_mem>>)
      tpu.wait_dma2 semaphore(%run_scoped3A : memref<!tpu.dma_semaphore, #tpu.memory_space<semaphore_mem>>) src(%arg4 : memref<128x16xf32, #tpu.memory_space<hbm>>) dst(%arg7 : memref<128x16xf32, #tpu.memory_space<vmem>>)
      tpu.yield
    }) : () -> ()
    %mul3A_7 = arith.constant 640 : i32
    %mul3A_8 = arith.muli %arg1, %mul3A_7 : i32
    %mul3A_9 = arith.constant 640 : i32
    %mul3A_10 = arith.muli %arg1, %mul3A_9 : i32
    "tpu.region"() ({
      %run_scoped3A = tpu.sem_alloc : memref<!tpu.dma_semaphore, #tpu.memory_space<semaphore_mem>>
      %dma_start3A_73 = arith.constant 0 : i32
      %dma_start3A_74 = tpu.memref_slice %arg8[%mul3A_10, %dma_start3A_73] : memref<10240x16xf32, #tpu.memory_space<vmem_shared>> -> memref<640x16xf32, #tpu.memory_space<vmem_shared>>
      %dma_start3A_75 = arith.constant 0 : i32
      %dma_start3A_76 = tpu.memref_slice %arg3[%mul3A_8, %dma_start3A_75] : memref<10240x16xf32, #tpu.memory_space<hbm>> -> memref<640x16xf32, #tpu.memory_space<hbm>>
      tpu.enqueue_dma source(%dma_start3A_76 : memref<640x16xf32, #tpu.memory_space<hbm>>) target(%dma_start3A_74 : memref<640x16xf32, #tpu.memory_space<vmem_shared>>) target_semaphore(%run_scoped3A : memref<!tpu.dma_semaphore, #tpu.memory_space<semaphore_mem>>)
      %dma_wait3A = arith.constant 0 : i32
      %dma_wait3A_77 = tpu.memref_slice %arg8[%mul3A_10, %dma_wait3A] : memref<10240x16xf32, #tpu.memory_space<vmem_shared>> -> memref<640x16xf32, #tpu.memory_space<vmem_shared>>
      %dma_wait3A_78 = arith.constant 0 : i32
      %dma_wait3A_79 = tpu.memref_slice %arg3[%mul3A_8, %dma_wait3A_78] : memref<10240x16xf32, #tpu.memory_space<hbm>> -> memref<640x16xf32, #tpu.memory_space<hbm>>
      tpu.wait_dma2 semaphore(%run_scoped3A : memref<!tpu.dma_semaphore, #tpu.memory_space<semaphore_mem>>) src(%dma_wait3A_79 : memref<640x16xf32, #tpu.memory_space<hbm>>) dst(%dma_wait3A_77 : memref<640x16xf32, #tpu.memory_space<vmem_shared>>)
      tpu.yield
    }) : () -> ()
    %barrier3A = arith.constant 0 : index
    tpu.barrier barrier_id(%barrier3A)
    %dma_start3A = arith.constant 0 : i32
    %dma_start3A_11 = arith.constant 1 : i32
    %dma_start3A_12 = arith.constant 0 : i32
    %dma_start3A_13 = tpu.memref_slice %arg6[%dma_start3A, %dma_start3A_11, %dma_start3A_12] : memref<79x2x128xi32, #tpu.memory_space<vmem>> -> memref<1x1x128xi32, #tpu.memory_space<vmem>>
    %dma_start3A_14 = tpu.memref_squeeze %dma_start3A_13 : memref<1x1x128xi32, #tpu.memory_space<vmem>> -> memref<128xi32, #tpu.memory_space<vmem>>
    %dma_start3A_15 = arith.constant 0 : i32
    %dma_start3A_16 = arith.constant 0 : i32
    %dma_start3A_17 = tpu.memref_slice %arg8[%dma_start3A_15, %dma_start3A_16] : memref<10240x16xf32, #tpu.memory_space<vmem_shared>> -> memref<10240x16xf32, #tpu.memory_space<vmem_shared>>
    tpu.enqueue_indirect_dma source(%arg7 : memref<128x16xf32, #tpu.memory_space<vmem>>) target(%dma_start3A_17 : memref<10240x16xf32, #tpu.memory_space<vmem_shared>>) offsets(%dma_start3A_14 : memref<128xi32, #tpu.memory_space<vmem>>) semaphore(%arg9 : memref<!tpu.dma_semaphore, #tpu.memory_space<semaphore_mem>>) {add = true}
    %dma_start3A_18 = arith.constant 1 : i32
    %dma_start3A_19 = arith.constant 1 : i32
    %dma_start3A_20 = arith.constant 0 : i32
    %dma_start3A_21 = tpu.memref_slice %arg6[%dma_start3A_18, %dma_start3A_19, %dma_start3A_20] : memref<79x2x128xi32, #tpu.memory_space<vmem>> -> memref<1x1x128xi32, #tpu.memory_space<vmem>>
    %dma_start3A_22 = tpu.memref_squeeze %dma_start3A_21 : memref<1x1x128xi32, #tpu.memory_space<vmem>> -> memref<128xi32, #tpu.memory_space<vmem>>
    %dma_start3A_23 = arith.constant 0 : i32
    %dma_start3A_24 = arith.constant 0 : i32
    %dma_start3A_25 = tpu.memref_slice %arg8[%dma_start3A_23, %dma_start3A_24] : memref<10240x16xf32, #tpu.memory_space<vmem_shared>> -> memref<10240x16xf32, #tpu.memory_space<vmem_shared>>
    tpu.enqueue_indirect_dma source(%arg7 : memref<128x16xf32, #tpu.memory_space<vmem>>) target(%dma_start3A_25 : memref<10240x16xf32, #tpu.memory_space<vmem_shared>>) offsets(%dma_start3A_22 : memref<128xi32, #tpu.memory_space<vmem>>) semaphore(%arg10 : memref<!tpu.dma_semaphore, #tpu.memory_space<semaphore_mem>>) {add = true}
    %dma_start3A_26 = arith.constant 2 : i32
    %dma_start3A_27 = arith.constant 1 : i32
    %dma_start3A_28 = arith.constant 0 : i32
    %dma_start3A_29 = tpu.memref_slice %arg6[%dma_start3A_26, %dma_start3A_27, %dma_start3A_28] : memref<79x2x128xi32, #tpu.memory_space<vmem>> -> memref<1x1x128xi32, #tpu.memory_space<vmem>>
    %dma_start3A_30 = tpu.memref_squeeze %dma_start3A_29 : memref<1x1x128xi32, #tpu.memory_space<vmem>> -> memref<128xi32, #tpu.memory_space<vmem>>
    %dma_start3A_31 = arith.constant 0 : i32
    %dma_start3A_32 = arith.constant 0 : i32
    %dma_start3A_33 = tpu.memref_slice %arg8[%dma_start3A_31, %dma_start3A_32] : memref<10240x16xf32, #tpu.memory_space<vmem_shared>> -> memref<10240x16xf32, #tpu.memory_space<vmem_shared>>
    tpu.enqueue_indirect_dma source(%arg7 : memref<128x16xf32, #tpu.memory_space<vmem>>) target(%dma_start3A_33 : memref<10240x16xf32, #tpu.memory_space<vmem_shared>>) offsets(%dma_start3A_30 : memref<128xi32, #tpu.memory_space<vmem>>) semaphore(%arg11 : memref<!tpu.dma_semaphore, #tpu.memory_space<semaphore_mem>>) {add = true}
    %dma_start3A_34 = arith.constant 3 : i32
    %dma_start3A_35 = arith.constant 1 : i32
    %dma_start3A_36 = arith.constant 0 : i32
    %dma_start3A_37 = tpu.memref_slice %arg6[%dma_start3A_34, %dma_start3A_35, %dma_start3A_36] : memref<79x2x128xi32, #tpu.memory_space<vmem>> -> memref<1x1x128xi32, #tpu.memory_space<vmem>>
    %dma_start3A_38 = tpu.memref_squeeze %dma_start3A_37 : memref<1x1x128xi32, #tpu.memory_space<vmem>> -> memref<128xi32, #tpu.memory_space<vmem>>
    %dma_start3A_39 = arith.constant 0 : i32
    %dma_start3A_40 = arith.constant 0 : i32
    %dma_start3A_41 = tpu.memref_slice %arg8[%dma_start3A_39, %dma_start3A_40] : memref<10240x16xf32, #tpu.memory_space<vmem_shared>> -> memref<10240x16xf32, #tpu.memory_space<vmem_shared>>
    tpu.enqueue_indirect_dma source(%arg7 : memref<128x16xf32, #tpu.memory_space<vmem>>) target(%dma_start3A_41 : memref<10240x16xf32, #tpu.memory_space<vmem_shared>>) offsets(%dma_start3A_38 : memref<128xi32, #tpu.memory_space<vmem>>) semaphore(%arg12 : memref<!tpu.dma_semaphore, #tpu.memory_space<semaphore_mem>>) {add = true}
    %dma_start3A_42 = arith.constant 4 : i32
    %dma_start3A_43 = arith.constant 1 : i32
    %dma_start3A_44 = arith.constant 0 : i32
    %dma_start3A_45 = tpu.memref_slice %arg6[%dma_start3A_42, %dma_start3A_43, %dma_start3A_44] : memref<79x2x128xi32, #tpu.memory_space<vmem>> -> memref<1x1x128xi32, #tpu.memory_space<vmem>>
    %dma_start3A_46 = tpu.memref_squeeze %dma_start3A_45 : memref<1x1x128xi32, #tpu.memory_space<vmem>> -> memref<128xi32, #tpu.memory_space<vmem>>
    %dma_start3A_47 = arith.constant 0 : i32
    %dma_start3A_48 = arith.constant 0 : i32
    %dma_start3A_49 = tpu.memref_slice %arg8[%dma_start3A_47, %dma_start3A_48] : memref<10240x16xf32, #tpu.memory_space<vmem_shared>> -> memref<10240x16xf32, #tpu.memory_space<vmem_shared>>
    tpu.enqueue_indirect_dma source(%arg7 : memref<128x16xf32, #tpu.memory_space<vmem>>) target(%dma_start3A_49 : memref<10240x16xf32, #tpu.memory_space<vmem_shared>>) offsets(%dma_start3A_46 : memref<128xi32, #tpu.memory_space<vmem>>) semaphore(%arg13 : memref<!tpu.dma_semaphore, #tpu.memory_space<semaphore_mem>>) {add = true}
    %dma_start3A_50 = arith.constant 5 : i32
    %dma_start3A_51 = arith.constant 1 : i32
    %dma_start3A_52 = arith.constant 0 : i32
    %dma_start3A_53 = tpu.memref_slice %arg6[%dma_start3A_50, %dma_start3A_51, %dma_start3A_52] : memref<79x2x128xi32, #tpu.memory_space<vmem>> -> memref<1x1x128xi32, #tpu.memory_space<vmem>>
    %dma_start3A_54 = tpu.memref_squeeze %dma_start3A_53 : memref<1x1x128xi32, #tpu.memory_space<vmem>> -> memref<128xi32, #tpu.memory_space<vmem>>
    %dma_start3A_55 = arith.constant 0 : i32
    %dma_start3A_56 = arith.constant 0 : i32
    %dma_start3A_57 = tpu.memref_slice %arg8[%dma_start3A_55, %dma_start3A_56] : memref<10240x16xf32, #tpu.memory_space<vmem_shared>> -> memref<10240x16xf32, #tpu.memory_space<vmem_shared>>
    tpu.enqueue_indirect_dma source(%arg7 : memref<128x16xf32, #tpu.memory_space<vmem>>) target(%dma_start3A_57 : memref<10240x16xf32, #tpu.memory_space<vmem_shared>>) offsets(%dma_start3A_54 : memref<128xi32, #tpu.memory_space<vmem>>) semaphore(%arg14 : memref<!tpu.dma_semaphore, #tpu.memory_space<semaphore_mem>>) {add = true}
    %scan3A = arith.constant 0 : i32
    %scan3A_58 = arith.constant 0 : i32
    %scan3A_59 = arith.constant 12 : i32
    %scan3A_60 = arith.addi %scan3A_58, %scan3A_59 : i32
    %scan3A_61 = arith.constant 1 : i32
    scf.for %scan3A_73 = %scan3A_58 to %scan3A_60 step %scan3A_61  : i32 {
      %add3A_74 = arith.constant 1 : i32
      %add3A_75 = arith.addi %scan3A_73, %add3A_74 : i32
      %mul3A_76 = arith.constant 6 : i32
      %mul3A_77 = arith.muli %add3A_75, %mul3A_76 : i32
      %add3A_78 = arith.constant 0 : i32
      %add3A_79 = arith.addi %mul3A_77, %add3A_78 : i32
      tpu.wait_dma2 semaphore(%arg9 : memref<!tpu.dma_semaphore, #tpu.memory_space<semaphore_mem>>) src(%arg4 : memref<128x16xf32, #tpu.memory_space<hbm>>) dst(%arg7 : memref<128x16xf32, #tpu.memory_space<vmem>>)
      %dma_start3A_80 = arith.constant 1 : i32
      %dma_start3A_81 = arith.constant 0 : i32
      %dma_start3A_82 = tpu.memref_slice %arg6[%add3A_79, %dma_start3A_80, %dma_start3A_81] : memref<79x2x128xi32, #tpu.memory_space<vmem>> -> memref<1x1x128xi32, #tpu.memory_space<vmem>>
      %dma_start3A_83 = tpu.memref_squeeze %dma_start3A_82 : memref<1x1x128xi32, #tpu.memory_space<vmem>> -> memref<128xi32, #tpu.memory_space<vmem>>
      %dma_start3A_84 = arith.constant 0 : i32
      %dma_start3A_85 = arith.constant 0 : i32
      %dma_start3A_86 = tpu.memref_slice %arg8[%dma_start3A_84, %dma_start3A_85] : memref<10240x16xf32, #tpu.memory_space<vmem_shared>> -> memref<10240x16xf32, #tpu.memory_space<vmem_shared>>
      tpu.enqueue_indirect_dma source(%arg7 : memref<128x16xf32, #tpu.memory_space<vmem>>) target(%dma_start3A_86 : memref<10240x16xf32, #tpu.memory_space<vmem_shared>>) offsets(%dma_start3A_83 : memref<128xi32, #tpu.memory_space<vmem>>) semaphore(%arg9 : memref<!tpu.dma_semaphore, #tpu.memory_space<semaphore_mem>>) {add = true}
      %add3A_87 = arith.constant 1 : i32
      %add3A_88 = arith.addi %scan3A_73, %add3A_87 : i32
      %mul3A_89 = arith.constant 6 : i32
      %mul3A_90 = arith.muli %add3A_88, %mul3A_89 : i32
      %add3A_91 = arith.constant 1 : i32
      %add3A_92 = arith.addi %mul3A_90, %add3A_91 : i32
      tpu.wait_dma2 semaphore(%arg10 : memref<!tpu.dma_semaphore, #tpu.memory_space<semaphore_mem>>) src(%arg4 : memref<128x16xf32, #tpu.memory_space<hbm>>) dst(%arg7 : memref<128x16xf32, #tpu.memory_space<vmem>>)
      %dma_start3A_93 = arith.constant 1 : i32
      %dma_start3A_94 = arith.constant 0 : i32
      %dma_start3A_95 = tpu.memref_slice %arg6[%add3A_92, %dma_start3A_93, %dma_start3A_94] : memref<79x2x128xi32, #tpu.memory_space<vmem>> -> memref<1x1x128xi32, #tpu.memory_space<vmem>>
      %dma_start3A_96 = tpu.memref_squeeze %dma_start3A_95 : memref<1x1x128xi32, #tpu.memory_space<vmem>> -> memref<128xi32, #tpu.memory_space<vmem>>
      %dma_start3A_97 = arith.constant 0 : i32
      %dma_start3A_98 = arith.constant 0 : i32
      %dma_start3A_99 = tpu.memref_slice %arg8[%dma_start3A_97, %dma_start3A_98] : memref<10240x16xf32, #tpu.memory_space<vmem_shared>> -> memref<10240x16xf32, #tpu.memory_space<vmem_shared>>
      tpu.enqueue_indirect_dma source(%arg7 : memref<128x16xf32, #tpu.memory_space<vmem>>) target(%dma_start3A_99 : memref<10240x16xf32, #tpu.memory_space<vmem_shared>>) offsets(%dma_start3A_96 : memref<128xi32, #tpu.memory_space<vmem>>) semaphore(%arg10 : memref<!tpu.dma_semaphore, #tpu.memory_space<semaphore_mem>>) {add = true}
      %add3A_100 = arith.constant 1 : i32
      %add3A_101 = arith.addi %scan3A_73, %add3A_100 : i32
      %mul3A_102 = arith.constant 6 : i32
      %mul3A_103 = arith.muli %add3A_101, %mul3A_102 : i32
      %add3A_104 = arith.constant 2 : i32
      %add3A_105 = arith.addi %mul3A_103, %add3A_104 : i32
      tpu.wait_dma2 semaphore(%arg11 : memref<!tpu.dma_semaphore, #tpu.memory_space<semaphore_mem>>) src(%arg4 : memref<128x16xf32, #tpu.memory_space<hbm>>) dst(%arg7 : memref<128x16xf32, #tpu.memory_space<vmem>>)
      %dma_start3A_106 = arith.constant 1 : i32
      %dma_start3A_107 = arith.constant 0 : i32
      %dma_start3A_108 = tpu.memref_slice %arg6[%add3A_105, %dma_start3A_106, %dma_start3A_107] : memref<79x2x128xi32, #tpu.memory_space<vmem>> -> memref<1x1x128xi32, #tpu.memory_space<vmem>>
      %dma_start3A_109 = tpu.memref_squeeze %dma_start3A_108 : memref<1x1x128xi32, #tpu.memory_space<vmem>> -> memref<128xi32, #tpu.memory_space<vmem>>
      %dma_start3A_110 = arith.constant 0 : i32
      %dma_start3A_111 = arith.constant 0 : i32
      %dma_start3A_112 = tpu.memref_slice %arg8[%dma_start3A_110, %dma_start3A_111] : memref<10240x16xf32, #tpu.memory_space<vmem_shared>> -> memref<10240x16xf32, #tpu.memory_space<vmem_shared>>
      tpu.enqueue_indirect_dma source(%arg7 : memref<128x16xf32, #tpu.memory_space<vmem>>) target(%dma_start3A_112 : memref<10240x16xf32, #tpu.memory_space<vmem_shared>>) offsets(%dma_start3A_109 : memref<128xi32, #tpu.memory_space<vmem>>) semaphore(%arg11 : memref<!tpu.dma_semaphore, #tpu.memory_space<semaphore_mem>>) {add = true}
      %add3A_113 = arith.constant 1 : i32
      %add3A_114 = arith.addi %scan3A_73, %add3A_113 : i32
      %mul3A_115 = arith.constant 6 : i32
      %mul3A_116 = arith.muli %add3A_114, %mul3A_115 : i32
      %add3A_117 = arith.constant 3 : i32
      %add3A_118 = arith.addi %mul3A_116, %add3A_117 : i32
      tpu.wait_dma2 semaphore(%arg12 : memref<!tpu.dma_semaphore, #tpu.memory_space<semaphore_mem>>) src(%arg4 : memref<128x16xf32, #tpu.memory_space<hbm>>) dst(%arg7 : memref<128x16xf32, #tpu.memory_space<vmem>>)
      %dma_start3A_119 = arith.constant 1 : i32
      %dma_start3A_120 = arith.constant 0 : i32
      %dma_start3A_121 = tpu.memref_slice %arg6[%add3A_118, %dma_start3A_119, %dma_start3A_120] : memref<79x2x128xi32, #tpu.memory_space<vmem>> -> memref<1x1x128xi32, #tpu.memory_space<vmem>>
      %dma_start3A_122 = tpu.memref_squeeze %dma_start3A_121 : memref<1x1x128xi32, #tpu.memory_space<vmem>> -> memref<128xi32, #tpu.memory_space<vmem>>
      %dma_start3A_123 = arith.constant 0 : i32
      %dma_start3A_124 = arith.constant 0 : i32
      %dma_start3A_125 = tpu.memref_slice %arg8[%dma_start3A_123, %dma_start3A_124] : memref<10240x16xf32, #tpu.memory_space<vmem_shared>> -> memref<10240x16xf32, #tpu.memory_space<vmem_shared>>
      tpu.enqueue_indirect_dma source(%arg7 : memref<128x16xf32, #tpu.memory_space<vmem>>) target(%dma_start3A_125 : memref<10240x16xf32, #tpu.memory_space<vmem_shared>>) offsets(%dma_start3A_122 : memref<128xi32, #tpu.memory_space<vmem>>) semaphore(%arg12 : memref<!tpu.dma_semaphore, #tpu.memory_space<semaphore_mem>>) {add = true}
      %add3A_126 = arith.constant 1 : i32
      %add3A_127 = arith.addi %scan3A_73, %add3A_126 : i32
      %mul3A_128 = arith.constant 6 : i32
      %mul3A_129 = arith.muli %add3A_127, %mul3A_128 : i32
      %add3A_130 = arith.constant 4 : i32
      %add3A_131 = arith.addi %mul3A_129, %add3A_130 : i32
      tpu.wait_dma2 semaphore(%arg13 : memref<!tpu.dma_semaphore, #tpu.memory_space<semaphore_mem>>) src(%arg4 : memref<128x16xf32, #tpu.memory_space<hbm>>) dst(%arg7 : memref<128x16xf32, #tpu.memory_space<vmem>>)
      %dma_start3A_132 = arith.constant 1 : i32
      %dma_start3A_133 = arith.constant 0 : i32
      %dma_start3A_134 = tpu.memref_slice %arg6[%add3A_131, %dma_start3A_132, %dma_start3A_133] : memref<79x2x128xi32, #tpu.memory_space<vmem>> -> memref<1x1x128xi32, #tpu.memory_space<vmem>>
      %dma_start3A_135 = tpu.memref_squeeze %dma_start3A_134 : memref<1x1x128xi32, #tpu.memory_space<vmem>> -> memref<128xi32, #tpu.memory_space<vmem>>
      %dma_start3A_136 = arith.constant 0 : i32
      %dma_start3A_137 = arith.constant 0 : i32
      %dma_start3A_138 = tpu.memref_slice %arg8[%dma_start3A_136, %dma_start3A_137] : memref<10240x16xf32, #tpu.memory_space<vmem_shared>> -> memref<10240x16xf32, #tpu.memory_space<vmem_shared>>
      tpu.enqueue_indirect_dma source(%arg7 : memref<128x16xf32, #tpu.memory_space<vmem>>) target(%dma_start3A_138 : memref<10240x16xf32, #tpu.memory_space<vmem_shared>>) offsets(%dma_start3A_135 : memref<128xi32, #tpu.memory_space<vmem>>) semaphore(%arg13 : memref<!tpu.dma_semaphore, #tpu.memory_space<semaphore_mem>>) {add = true}
      %add3A_139 = arith.constant 1 : i32
      %add3A_140 = arith.addi %scan3A_73, %add3A_139 : i32
      %mul3A_141 = arith.constant 6 : i32
      %mul3A_142 = arith.muli %add3A_140, %mul3A_141 : i32
      %add3A_143 = arith.constant 5 : i32
      %add3A_144 = arith.addi %mul3A_142, %add3A_143 : i32
      tpu.wait_dma2 semaphore(%arg14 : memref<!tpu.dma_semaphore, #tpu.memory_space<semaphore_mem>>) src(%arg4 : memref<128x16xf32, #tpu.memory_space<hbm>>) dst(%arg7 : memref<128x16xf32, #tpu.memory_space<vmem>>)
      %dma_start3A_145 = arith.constant 1 : i32
      %dma_start3A_146 = arith.constant 0 : i32
      %dma_start3A_147 = tpu.memref_slice %arg6[%add3A_144, %dma_start3A_145, %dma_start3A_146] : memref<79x2x128xi32, #tpu.memory_space<vmem>> -> memref<1x1x128xi32, #tpu.memory_space<vmem>>
      %dma_start3A_148 = tpu.memref_squeeze %dma_start3A_147 : memref<1x1x128xi32, #tpu.memory_space<vmem>> -> memref<128xi32, #tpu.memory_space<vmem>>
      %dma_start3A_149 = arith.constant 0 : i32
      %dma_start3A_150 = arith.constant 0 : i32
      %dma_start3A_151 = tpu.memref_slice %arg8[%dma_start3A_149, %dma_start3A_150] : memref<10240x16xf32, #tpu.memory_space<vmem_shared>> -> memref<10240x16xf32, #tpu.memory_space<vmem_shared>>
      tpu.enqueue_indirect_dma source(%arg7 : memref<128x16xf32, #tpu.memory_space<vmem>>) target(%dma_start3A_151 : memref<10240x16xf32, #tpu.memory_space<vmem_shared>>) offsets(%dma_start3A_148 : memref<128xi32, #tpu.memory_space<vmem>>) semaphore(%arg14 : memref<!tpu.dma_semaphore, #tpu.memory_space<semaphore_mem>>) {add = true}
    }
    %scan3A_62 = arith.constant 12 : i32
    tpu.wait_dma2 semaphore(%arg9 : memref<!tpu.dma_semaphore, #tpu.memory_space<semaphore_mem>>) src(%arg4 : memref<128x16xf32, #tpu.memory_space<hbm>>) dst(%arg7 : memref<128x16xf32, #tpu.memory_space<vmem>>)
    tpu.wait_dma2 semaphore(%arg10 : memref<!tpu.dma_semaphore, #tpu.memory_space<semaphore_mem>>) src(%arg4 : memref<128x16xf32, #tpu.memory_space<hbm>>) dst(%arg7 : memref<128x16xf32, #tpu.memory_space<vmem>>)
    tpu.wait_dma2 semaphore(%arg11 : memref<!tpu.dma_semaphore, #tpu.memory_space<semaphore_mem>>) src(%arg4 : memref<128x16xf32, #tpu.memory_space<hbm>>) dst(%arg7 : memref<128x16xf32, #tpu.memory_space<vmem>>)
    tpu.wait_dma2 semaphore(%arg12 : memref<!tpu.dma_semaphore, #tpu.memory_space<semaphore_mem>>) src(%arg4 : memref<128x16xf32, #tpu.memory_space<hbm>>) dst(%arg7 : memref<128x16xf32, #tpu.memory_space<vmem>>)
    tpu.wait_dma2 semaphore(%arg13 : memref<!tpu.dma_semaphore, #tpu.memory_space<semaphore_mem>>) src(%arg4 : memref<128x16xf32, #tpu.memory_space<hbm>>) dst(%arg7 : memref<128x16xf32, #tpu.memory_space<vmem>>)
    tpu.wait_dma2 semaphore(%arg14 : memref<!tpu.dma_semaphore, #tpu.memory_space<semaphore_mem>>) src(%arg4 : memref<128x16xf32, #tpu.memory_space<hbm>>) dst(%arg7 : memref<128x16xf32, #tpu.memory_space<vmem>>)
    %lt3A_63 = arith.constant 4 : i32
    %lt3A_64 = arith.cmpi slt, %add3A, %lt3A_63 : i32
    %convert_element_type3A_65 = arith.extui %lt3A_64 : i1 to i32
    %cond3A_66 = arith.constant 0 : i32
    %cond3A_67 = arith.cmpi ne, %convert_element_type3A_65, %cond3A_66 : i32
    scf.if %cond3A_67 {
      %run_scoped3A = arith.constant 78 : i32
      %run_scoped3A_73 = arith.constant 1 : i32
      "tpu.region"() ({
        %run_scoped3A_74 = tpu.sem_alloc : memref<!tpu.dma_semaphore, #tpu.memory_space<semaphore_mem>>
        %dma_start3A_75 = arith.constant 0 : i32
        %dma_start3A_76 = tpu.memref_slice %arg6[%run_scoped3A, %run_scoped3A_73, %dma_start3A_75] : memref<79x2x128xi32, #tpu.memory_space<vmem>> -> memref<1x1x128xi32, #tpu.memory_space<vmem>>
        %dma_start3A_77 = tpu.memref_squeeze %dma_start3A_76 : memref<1x1x128xi32, #tpu.memory_space<vmem>> -> memref<128xi32, #tpu.memory_space<vmem>>
        %dma_start3A_78 = arith.constant 0 : i32
        %dma_start3A_79 = arith.constant 0 : i32
        %dma_start3A_80 = tpu.memref_slice %arg8[%dma_start3A_78, %dma_start3A_79] : memref<10240x16xf32, #tpu.memory_space<vmem_shared>> -> memref<10240x16xf32, #tpu.memory_space<vmem_shared>>
        tpu.enqueue_indirect_dma source(%arg7 : memref<128x16xf32, #tpu.memory_space<vmem>>) target(%dma_start3A_80 : memref<10240x16xf32, #tpu.memory_space<vmem_shared>>) offsets(%dma_start3A_77 : memref<128xi32, #tpu.memory_space<vmem>>) semaphore(%run_scoped3A_74 : memref<!tpu.dma_semaphore, #tpu.memory_space<semaphore_mem>>) {add = true}
        %dma_wait3A = arith.constant 0 : i32
        %dma_wait3A_81 = tpu.memref_slice %arg6[%run_scoped3A, %run_scoped3A_73, %dma_wait3A] : memref<79x2x128xi32, #tpu.memory_space<vmem>> -> memref<1x1x128xi32, #tpu.memory_space<vmem>>
        %dma_wait3A_82 = tpu.memref_squeeze %dma_wait3A_81 : memref<1x1x128xi32, #tpu.memory_space<vmem>> -> memref<128xi32, #tpu.memory_space<vmem>>
        %dma_wait3A_83 = arith.constant 0 : i32
        %dma_wait3A_84 = arith.constant 0 : i32
        %dma_wait3A_85 = tpu.memref_slice %arg8[%dma_wait3A_83, %dma_wait3A_84] : memref<10240x16xf32, #tpu.memory_space<vmem_shared>> -> memref<10240x16xf32, #tpu.memory_space<vmem_shared>>
        tpu.wait_indirect_dma semaphore(%run_scoped3A_74 : memref<!tpu.dma_semaphore, #tpu.memory_space<semaphore_mem>>) src(%arg7 : memref<128x16xf32, #tpu.memory_space<vmem>>) dst(%dma_wait3A_85 : memref<10240x16xf32, #tpu.memory_space<vmem_shared>>)
        tpu.yield
      }) : () -> ()
    } else {
    }
    %barrier3A_68 = arith.constant 0 : index
    tpu.barrier barrier_id(%barrier3A_68)
    %mul3A_69 = arith.constant 640 : i32
    %mul3A_70 = arith.muli %arg1, %mul3A_69 : i32
    %mul3A_71 = arith.constant 640 : i32
    %mul3A_72 = arith.muli %arg1, %mul3A_71 : i32
    "tpu.region"() ({
      %run_scoped3A = tpu.sem_alloc : memref<!tpu.dma_semaphore, #tpu.memory_space<semaphore_mem>>
      %dma_start3A_73 = arith.constant 0 : i32
      %dma_start3A_74 = tpu.memref_slice %arg5[%arg0, %mul3A_72, %dma_start3A_73] : memref<2x10240x16xf32, #tpu.memory_space<hbm>> -> memref<1x640x16xf32, #tpu.memory_space<hbm>>
      %dma_start3A_75 = tpu.memref_squeeze %dma_start3A_74 : memref<1x640x16xf32, #tpu.memory_space<hbm>> -> memref<640x16xf32, #tpu.memory_space<hbm>>
      %dma_start3A_76 = arith.constant 0 : i32
      %dma_start3A_77 = tpu.memref_slice %arg8[%mul3A_70, %dma_start3A_76] : memref<10240x16xf32, #tpu.memory_space<vmem_shared>> -> memref<640x16xf32, #tpu.memory_space<vmem_shared>>
      tpu.enqueue_dma source(%dma_start3A_77 : memref<640x16xf32, #tpu.memory_space<vmem_shared>>) target(%dma_start3A_75 : memref<640x16xf32, #tpu.memory_space<hbm>>) target_semaphore(%run_scoped3A : memref<!tpu.dma_semaphore, #tpu.memory_space<semaphore_mem>>)
      %dma_wait3A = arith.constant 0 : i32
      %dma_wait3A_78 = tpu.memref_slice %arg5[%arg0, %mul3A_72, %dma_wait3A] : memref<2x10240x16xf32, #tpu.memory_space<hbm>> -> memref<1x640x16xf32, #tpu.memory_space<hbm>>
      %dma_wait3A_79 = tpu.memref_squeeze %dma_wait3A_78 : memref<1x640x16xf32, #tpu.memory_space<hbm>> -> memref<640x16xf32, #tpu.memory_space<hbm>>
      %dma_wait3A_80 = arith.constant 0 : i32
      %dma_wait3A_81 = tpu.memref_slice %arg8[%mul3A_70, %dma_wait3A_80] : memref<10240x16xf32, #tpu.memory_space<vmem_shared>> -> memref<640x16xf32, #tpu.memory_space<vmem_shared>>
      tpu.wait_dma2 semaphore(%run_scoped3A : memref<!tpu.dma_semaphore, #tpu.memory_space<semaphore_mem>>) src(%dma_wait3A_81 : memref<640x16xf32, #tpu.memory_space<vmem_shared>>) dst(%dma_wait3A_79 : memref<640x16xf32, #tpu.memory_space<hbm>>)
      tpu.yield
    }) : () -> ()
    return
  }
}

#map = affine_map<(d0, d1) -> (0, 0)>
#map1 = affine_map<(d0, d1) -> (0, 0, 0)>
module attributes {stable_mosaic.version = 14 : i64} {
  func.func @edge_pass(%arg0: i32, %arg1: i32, %arg2: memref<10240x16xf32, #tpu.memory_space<hbm>>, %arg3: memref<2500x2x128xi32, #tpu.memory_space<hbm>>, %arg4: memref<10240x16xf32, #tpu.memory_space<hbm>>, %arg5: memref<2x10240x16xf32, #tpu.memory_space<hbm>>, %arg6: memref<79x2x128xi32, #tpu.memory_space<vmem>>, %arg7: memref<128x16xf32, #tpu.memory_space<vmem>>, %arg8: memref<128x16xf32, #tpu.memory_space<vmem>>, %arg9: memref<128x16xf32, #tpu.memory_space<vmem>>, %arg10: memref<128x16xf32, #tpu.memory_space<vmem>>, %arg11: memref<128x16xf32, #tpu.memory_space<vmem>>, %arg12: memref<128x16xf32, #tpu.memory_space<vmem>>, %arg13: memref<10240x16xf32, #tpu.memory_space<vmem_shared>>, %arg14: memref<!tpu.dma_semaphore, #tpu.memory_space<semaphore_mem>>, %arg15: memref<!tpu.dma_semaphore, #tpu.memory_space<semaphore_mem>>, %arg16: memref<!tpu.dma_semaphore, #tpu.memory_space<semaphore_mem>>, %arg17: memref<!tpu.dma_semaphore, #tpu.memory_space<semaphore_mem>>, %arg18: memref<!tpu.dma_semaphore, #tpu.memory_space<semaphore_mem>>, %arg19: memref<!tpu.dma_semaphore, #tpu.memory_space<semaphore_mem>>) attributes {dimension_semantics = [#tpu.dimension_semantics<core_parallel>, #tpu.dimension_semantics<subcore_parallel>], iteration_bounds = array<i64: 2, 16>, scalar_prefetch = 0 : i64, scratch_operands = 14 : i64, tpu.core_type = #tpu.core_type<sc_vector_subcore>, window_params = [{transform_indices = #map}, {transform_indices = #map1}, {transform_indices = #map}, {transform_indices = #map1}]} {
    %mul3A = arith.constant 2 : i32
    %mul3A_0 = arith.muli %arg1, %mul3A : i32
    %add3A = arith.addi %mul3A_0, %arg0 : i32
    %mul3A_1 = arith.constant 78 : i32
    %mul3A_2 = arith.muli %mul3A_1, %add3A : i32
    %min3A = arith.constant 4 : i32
    %min3A_3 = arith.minsi %add3A, %min3A : i32
    %add3A_4 = arith.addi %mul3A_2, %min3A_3 : i32
    "tpu.region"() ({
      %run_scoped3A = tpu.sem_alloc : memref<!tpu.dma_semaphore, #tpu.memory_space<semaphore_mem>>
      %dma_start3A_108 = arith.constant 0 : i32
      %dma_start3A_109 = arith.constant 0 : i32
      %dma_start3A_110 = arith.constant 0 : i32
      %dma_start3A_111 = tpu.memref_slice %arg6[%dma_start3A_108, %dma_start3A_109, %dma_start3A_110] : memref<79x2x128xi32, #tpu.memory_space<vmem>> -> memref<78x2x128xi32, #tpu.memory_space<vmem>>
      %dma_start3A_112 = arith.constant 0 : i32
      %dma_start3A_113 = arith.constant 0 : i32
      %dma_start3A_114 = tpu.memref_slice %arg3[%add3A_4, %dma_start3A_112, %dma_start3A_113] : memref<2500x2x128xi32, #tpu.memory_space<hbm>> -> memref<78x2x128xi32, #tpu.memory_space<hbm>>
      %dma_start3A_115 = arith.constant 0 : i32
      %dma_start3A_116 = arith.constant 0 : i32
      %dma_start3A_117 = arith.constant 0 : i32
      %dma_start3A_118 = tpu.memref_slice %arg6[%dma_start3A_115, %dma_start3A_116, %dma_start3A_117] : memref<79x2x128xi32, #tpu.memory_space<vmem>> -> memref<78x2x128xi32, #tpu.memory_space<vmem>>
      %dma_start3A_119 = arith.constant 0 : i32
      %dma_start3A_120 = arith.constant 0 : i32
      %dma_start3A_121 = tpu.memref_slice %arg3[%add3A_4, %dma_start3A_119, %dma_start3A_120] : memref<2500x2x128xi32, #tpu.memory_space<hbm>> -> memref<78x2x128xi32, #tpu.memory_space<hbm>>
      tpu.enqueue_dma source(%dma_start3A_121 : memref<78x2x128xi32, #tpu.memory_space<hbm>>) target(%dma_start3A_118 : memref<78x2x128xi32, #tpu.memory_space<vmem>>) target_semaphore(%run_scoped3A : memref<!tpu.dma_semaphore, #tpu.memory_space<semaphore_mem>>)
      %dma_wait3A_122 = arith.constant 0 : i32
      %dma_wait3A_123 = arith.constant 0 : i32
      %dma_wait3A_124 = arith.constant 0 : i32
      %dma_wait3A_125 = tpu.memref_slice %arg6[%dma_wait3A_122, %dma_wait3A_123, %dma_wait3A_124] : memref<79x2x128xi32, #tpu.memory_space<vmem>> -> memref<78x2x128xi32, #tpu.memory_space<vmem>>
      %dma_wait3A_126 = arith.constant 0 : i32
      %dma_wait3A_127 = arith.constant 0 : i32
      %dma_wait3A_128 = tpu.memref_slice %arg3[%add3A_4, %dma_wait3A_126, %dma_wait3A_127] : memref<2500x2x128xi32, #tpu.memory_space<hbm>> -> memref<78x2x128xi32, #tpu.memory_space<hbm>>
      %dma_wait3A_129 = arith.constant 0 : i32
      %dma_wait3A_130 = arith.constant 0 : i32
      %dma_wait3A_131 = arith.constant 0 : i32
      %dma_wait3A_132 = tpu.memref_slice %arg6[%dma_wait3A_129, %dma_wait3A_130, %dma_wait3A_131] : memref<79x2x128xi32, #tpu.memory_space<vmem>> -> memref<78x2x128xi32, #tpu.memory_space<vmem>>
      %dma_wait3A_133 = arith.constant 0 : i32
      %dma_wait3A_134 = arith.constant 0 : i32
      %dma_wait3A_135 = tpu.memref_slice %arg3[%add3A_4, %dma_wait3A_133, %dma_wait3A_134] : memref<2500x2x128xi32, #tpu.memory_space<hbm>> -> memref<78x2x128xi32, #tpu.memory_space<hbm>>
      tpu.wait_dma2 semaphore(%run_scoped3A : memref<!tpu.dma_semaphore, #tpu.memory_space<semaphore_mem>>) src(%dma_wait3A_135 : memref<78x2x128xi32, #tpu.memory_space<hbm>>) dst(%dma_wait3A_132 : memref<78x2x128xi32, #tpu.memory_space<vmem>>)
      tpu.yield
    }) : () -> ()
    %lt3A = arith.constant 4 : i32
    %lt3A_5 = arith.cmpi slt, %add3A, %lt3A : i32
    %convert_element_type3A = arith.extui %lt3A_5 : i1 to i32
    %cond3A = arith.constant 0 : i32
    %cond3A_6 = arith.cmpi ne, %convert_element_type3A, %cond3A : i32
    scf.if %cond3A_6 {
      %add3A_108 = arith.constant 78 : i32
      %add3A_109 = arith.addi %add3A_4, %add3A_108 : i32
      "tpu.region"() ({
        %run_scoped3A = tpu.sem_alloc : memref<!tpu.dma_semaphore, #tpu.memory_space<semaphore_mem>>
        %dma_start3A_110 = arith.constant 78 : i32
        %dma_start3A_111 = arith.constant 0 : i32
        %dma_start3A_112 = arith.constant 0 : i32
        %dma_start3A_113 = tpu.memref_slice %arg6[%dma_start3A_110, %dma_start3A_111, %dma_start3A_112] : memref<79x2x128xi32, #tpu.memory_space<vmem>> -> memref<1x2x128xi32, #tpu.memory_space<vmem>>
        %dma_start3A_114 = arith.constant 0 : i32
        %dma_start3A_115 = arith.constant 0 : i32
        %dma_start3A_116 = tpu.memref_slice %arg3[%add3A_109, %dma_start3A_114, %dma_start3A_115] : memref<2500x2x128xi32, #tpu.memory_space<hbm>> -> memref<1x2x128xi32, #tpu.memory_space<hbm>>
        %dma_start3A_117 = arith.constant 78 : i32
        %dma_start3A_118 = arith.constant 0 : i32
        %dma_start3A_119 = arith.constant 0 : i32
        %dma_start3A_120 = tpu.memref_slice %arg6[%dma_start3A_117, %dma_start3A_118, %dma_start3A_119] : memref<79x2x128xi32, #tpu.memory_space<vmem>> -> memref<1x2x128xi32, #tpu.memory_space<vmem>>
        %dma_start3A_121 = arith.constant 0 : i32
        %dma_start3A_122 = arith.constant 0 : i32
        %dma_start3A_123 = tpu.memref_slice %arg3[%add3A_109, %dma_start3A_121, %dma_start3A_122] : memref<2500x2x128xi32, #tpu.memory_space<hbm>> -> memref<1x2x128xi32, #tpu.memory_space<hbm>>
        tpu.enqueue_dma source(%dma_start3A_123 : memref<1x2x128xi32, #tpu.memory_space<hbm>>) target(%dma_start3A_120 : memref<1x2x128xi32, #tpu.memory_space<vmem>>) target_semaphore(%run_scoped3A : memref<!tpu.dma_semaphore, #tpu.memory_space<semaphore_mem>>)
        %dma_wait3A_124 = arith.constant 78 : i32
        %dma_wait3A_125 = arith.constant 0 : i32
        %dma_wait3A_126 = arith.constant 0 : i32
        %dma_wait3A_127 = tpu.memref_slice %arg6[%dma_wait3A_124, %dma_wait3A_125, %dma_wait3A_126] : memref<79x2x128xi32, #tpu.memory_space<vmem>> -> memref<1x2x128xi32, #tpu.memory_space<vmem>>
        %dma_wait3A_128 = arith.constant 0 : i32
        %dma_wait3A_129 = arith.constant 0 : i32
        %dma_wait3A_130 = tpu.memref_slice %arg3[%add3A_109, %dma_wait3A_128, %dma_wait3A_129] : memref<2500x2x128xi32, #tpu.memory_space<hbm>> -> memref<1x2x128xi32, #tpu.memory_space<hbm>>
        %dma_wait3A_131 = arith.constant 78 : i32
        %dma_wait3A_132 = arith.constant 0 : i32
        %dma_wait3A_133 = arith.constant 0 : i32
        %dma_wait3A_134 = tpu.memref_slice %arg6[%dma_wait3A_131, %dma_wait3A_132, %dma_wait3A_133] : memref<79x2x128xi32, #tpu.memory_space<vmem>> -> memref<1x2x128xi32, #tpu.memory_space<vmem>>
        %dma_wait3A_135 = arith.constant 0 : i32
        %dma_wait3A_136 = arith.constant 0 : i32
        %dma_wait3A_137 = tpu.memref_slice %arg3[%add3A_109, %dma_wait3A_135, %dma_wait3A_136] : memref<2500x2x128xi32, #tpu.memory_space<hbm>> -> memref<1x2x128xi32, #tpu.memory_space<hbm>>
        tpu.wait_dma2 semaphore(%run_scoped3A : memref<!tpu.dma_semaphore, #tpu.memory_space<semaphore_mem>>) src(%dma_wait3A_137 : memref<1x2x128xi32, #tpu.memory_space<hbm>>) dst(%dma_wait3A_134 : memref<1x2x128xi32, #tpu.memory_space<vmem>>)
        tpu.yield
      }) : () -> ()
    } else {
    }
    %mul3A_7 = arith.constant 640 : i32
    %mul3A_8 = arith.muli %arg1, %mul3A_7 : i32
    %mul3A_9 = arith.constant 640 : i32
    %mul3A_10 = arith.muli %arg1, %mul3A_9 : i32
    "tpu.region"() ({
      %run_scoped3A = tpu.sem_alloc : memref<!tpu.dma_semaphore, #tpu.memory_space<semaphore_mem>>
      %dma_start3A_108 = arith.constant 0 : i32
      %dma_start3A_109 = tpu.memref_slice %arg13[%mul3A_10, %dma_start3A_108] : memref<10240x16xf32, #tpu.memory_space<vmem_shared>> -> memref<640x16xf32, #tpu.memory_space<vmem_shared>>
      %dma_start3A_110 = arith.constant 0 : i32
      %dma_start3A_111 = tpu.memref_slice %arg4[%mul3A_8, %dma_start3A_110] : memref<10240x16xf32, #tpu.memory_space<hbm>> -> memref<640x16xf32, #tpu.memory_space<hbm>>
      tpu.enqueue_dma source(%dma_start3A_111 : memref<640x16xf32, #tpu.memory_space<hbm>>) target(%dma_start3A_109 : memref<640x16xf32, #tpu.memory_space<vmem_shared>>) target_semaphore(%run_scoped3A : memref<!tpu.dma_semaphore, #tpu.memory_space<semaphore_mem>>)
      %dma_wait3A_112 = arith.constant 0 : i32
      %dma_wait3A_113 = tpu.memref_slice %arg13[%mul3A_10, %dma_wait3A_112] : memref<10240x16xf32, #tpu.memory_space<vmem_shared>> -> memref<640x16xf32, #tpu.memory_space<vmem_shared>>
      %dma_wait3A_114 = arith.constant 0 : i32
      %dma_wait3A_115 = tpu.memref_slice %arg4[%mul3A_8, %dma_wait3A_114] : memref<10240x16xf32, #tpu.memory_space<hbm>> -> memref<640x16xf32, #tpu.memory_space<hbm>>
      tpu.wait_dma2 semaphore(%run_scoped3A : memref<!tpu.dma_semaphore, #tpu.memory_space<semaphore_mem>>) src(%dma_wait3A_115 : memref<640x16xf32, #tpu.memory_space<hbm>>) dst(%dma_wait3A_113 : memref<640x16xf32, #tpu.memory_space<vmem_shared>>)
      tpu.yield
    }) : () -> ()
    %barrier3A = arith.constant 0 : index
    tpu.barrier barrier_id(%barrier3A)
    %dma_start3A = arith.constant 0 : i32
    %dma_start3A_11 = arith.constant 0 : i32
    %dma_start3A_12 = arith.constant 0 : i32
    %dma_start3A_13 = tpu.memref_slice %arg6[%dma_start3A, %dma_start3A_11, %dma_start3A_12] : memref<79x2x128xi32, #tpu.memory_space<vmem>> -> memref<1x1x128xi32, #tpu.memory_space<vmem>>
    %dma_start3A_14 = tpu.memref_squeeze %dma_start3A_13 : memref<1x1x128xi32, #tpu.memory_space<vmem>> -> memref<128xi32, #tpu.memory_space<vmem>>
    %dma_start3A_15 = arith.constant 0 : i32
    %dma_start3A_16 = arith.constant 0 : i32
    %dma_start3A_17 = tpu.memref_slice %arg2[%dma_start3A_15, %dma_start3A_16] : memref<10240x16xf32, #tpu.memory_space<hbm>> -> memref<10240x16xf32, #tpu.memory_space<hbm>>
    tpu.enqueue_indirect_dma source(%dma_start3A_17 : memref<10240x16xf32, #tpu.memory_space<hbm>>) target(%arg7 : memref<128x16xf32, #tpu.memory_space<vmem>>) offsets(%dma_start3A_14 : memref<128xi32, #tpu.memory_space<vmem>>) semaphore(%arg14 : memref<!tpu.dma_semaphore, #tpu.memory_space<semaphore_mem>>)
    %dma_start3A_18 = arith.constant 1 : i32
    %dma_start3A_19 = arith.constant 0 : i32
    %dma_start3A_20 = arith.constant 0 : i32
    %dma_start3A_21 = tpu.memref_slice %arg6[%dma_start3A_18, %dma_start3A_19, %dma_start3A_20] : memref<79x2x128xi32, #tpu.memory_space<vmem>> -> memref<1x1x128xi32, #tpu.memory_space<vmem>>
    %dma_start3A_22 = tpu.memref_squeeze %dma_start3A_21 : memref<1x1x128xi32, #tpu.memory_space<vmem>> -> memref<128xi32, #tpu.memory_space<vmem>>
    %dma_start3A_23 = arith.constant 0 : i32
    %dma_start3A_24 = arith.constant 0 : i32
    %dma_start3A_25 = tpu.memref_slice %arg2[%dma_start3A_23, %dma_start3A_24] : memref<10240x16xf32, #tpu.memory_space<hbm>> -> memref<10240x16xf32, #tpu.memory_space<hbm>>
    tpu.enqueue_indirect_dma source(%dma_start3A_25 : memref<10240x16xf32, #tpu.memory_space<hbm>>) target(%arg8 : memref<128x16xf32, #tpu.memory_space<vmem>>) offsets(%dma_start3A_22 : memref<128xi32, #tpu.memory_space<vmem>>) semaphore(%arg15 : memref<!tpu.dma_semaphore, #tpu.memory_space<semaphore_mem>>)
    %dma_start3A_26 = arith.constant 2 : i32
    %dma_start3A_27 = arith.constant 0 : i32
    %dma_start3A_28 = arith.constant 0 : i32
    %dma_start3A_29 = tpu.memref_slice %arg6[%dma_start3A_26, %dma_start3A_27, %dma_start3A_28] : memref<79x2x128xi32, #tpu.memory_space<vmem>> -> memref<1x1x128xi32, #tpu.memory_space<vmem>>
    %dma_start3A_30 = tpu.memref_squeeze %dma_start3A_29 : memref<1x1x128xi32, #tpu.memory_space<vmem>> -> memref<128xi32, #tpu.memory_space<vmem>>
    %dma_start3A_31 = arith.constant 0 : i32
    %dma_start3A_32 = arith.constant 0 : i32
    %dma_start3A_33 = tpu.memref_slice %arg2[%dma_start3A_31, %dma_start3A_32] : memref<10240x16xf32, #tpu.memory_space<hbm>> -> memref<10240x16xf32, #tpu.memory_space<hbm>>
    tpu.enqueue_indirect_dma source(%dma_start3A_33 : memref<10240x16xf32, #tpu.memory_space<hbm>>) target(%arg9 : memref<128x16xf32, #tpu.memory_space<vmem>>) offsets(%dma_start3A_30 : memref<128xi32, #tpu.memory_space<vmem>>) semaphore(%arg16 : memref<!tpu.dma_semaphore, #tpu.memory_space<semaphore_mem>>)
    %dma_start3A_34 = arith.constant 3 : i32
    %dma_start3A_35 = arith.constant 0 : i32
    %dma_start3A_36 = arith.constant 0 : i32
    %dma_start3A_37 = tpu.memref_slice %arg6[%dma_start3A_34, %dma_start3A_35, %dma_start3A_36] : memref<79x2x128xi32, #tpu.memory_space<vmem>> -> memref<1x1x128xi32, #tpu.memory_space<vmem>>
    %dma_start3A_38 = tpu.memref_squeeze %dma_start3A_37 : memref<1x1x128xi32, #tpu.memory_space<vmem>> -> memref<128xi32, #tpu.memory_space<vmem>>
    %dma_start3A_39 = arith.constant 0 : i32
    %dma_start3A_40 = arith.constant 0 : i32
    %dma_start3A_41 = tpu.memref_slice %arg2[%dma_start3A_39, %dma_start3A_40] : memref<10240x16xf32, #tpu.memory_space<hbm>> -> memref<10240x16xf32, #tpu.memory_space<hbm>>
    tpu.enqueue_indirect_dma source(%dma_start3A_41 : memref<10240x16xf32, #tpu.memory_space<hbm>>) target(%arg10 : memref<128x16xf32, #tpu.memory_space<vmem>>) offsets(%dma_start3A_38 : memref<128xi32, #tpu.memory_space<vmem>>) semaphore(%arg17 : memref<!tpu.dma_semaphore, #tpu.memory_space<semaphore_mem>>)
    %dma_start3A_42 = arith.constant 4 : i32
    %dma_start3A_43 = arith.constant 0 : i32
    %dma_start3A_44 = arith.constant 0 : i32
    %dma_start3A_45 = tpu.memref_slice %arg6[%dma_start3A_42, %dma_start3A_43, %dma_start3A_44] : memref<79x2x128xi32, #tpu.memory_space<vmem>> -> memref<1x1x128xi32, #tpu.memory_space<vmem>>
    %dma_start3A_46 = tpu.memref_squeeze %dma_start3A_45 : memref<1x1x128xi32, #tpu.memory_space<vmem>> -> memref<128xi32, #tpu.memory_space<vmem>>
    %dma_start3A_47 = arith.constant 0 : i32
    %dma_start3A_48 = arith.constant 0 : i32
    %dma_start3A_49 = tpu.memref_slice %arg2[%dma_start3A_47, %dma_start3A_48] : memref<10240x16xf32, #tpu.memory_space<hbm>> -> memref<10240x16xf32, #tpu.memory_space<hbm>>
    tpu.enqueue_indirect_dma source(%dma_start3A_49 : memref<10240x16xf32, #tpu.memory_space<hbm>>) target(%arg11 : memref<128x16xf32, #tpu.memory_space<vmem>>) offsets(%dma_start3A_46 : memref<128xi32, #tpu.memory_space<vmem>>) semaphore(%arg18 : memref<!tpu.dma_semaphore, #tpu.memory_space<semaphore_mem>>)
    %dma_start3A_50 = arith.constant 5 : i32
    %dma_start3A_51 = arith.constant 0 : i32
    %dma_start3A_52 = arith.constant 0 : i32
    %dma_start3A_53 = tpu.memref_slice %arg6[%dma_start3A_50, %dma_start3A_51, %dma_start3A_52] : memref<79x2x128xi32, #tpu.memory_space<vmem>> -> memref<1x1x128xi32, #tpu.memory_space<vmem>>
    %dma_start3A_54 = tpu.memref_squeeze %dma_start3A_53 : memref<1x1x128xi32, #tpu.memory_space<vmem>> -> memref<128xi32, #tpu.memory_space<vmem>>
    %dma_start3A_55 = arith.constant 0 : i32
    %dma_start3A_56 = arith.constant 0 : i32
    %dma_start3A_57 = tpu.memref_slice %arg2[%dma_start3A_55, %dma_start3A_56] : memref<10240x16xf32, #tpu.memory_space<hbm>> -> memref<10240x16xf32, #tpu.memory_space<hbm>>
    tpu.enqueue_indirect_dma source(%dma_start3A_57 : memref<10240x16xf32, #tpu.memory_space<hbm>>) target(%arg12 : memref<128x16xf32, #tpu.memory_space<vmem>>) offsets(%dma_start3A_54 : memref<128xi32, #tpu.memory_space<vmem>>) semaphore(%arg19 : memref<!tpu.dma_semaphore, #tpu.memory_space<semaphore_mem>>)
    %scan3A = arith.constant 0 : i32
    %scan3A_58 = arith.constant 0 : i32
    %scan3A_59 = arith.constant 13 : i32
    %scan3A_60 = arith.addi %scan3A_58, %scan3A_59 : i32
    %scan3A_61 = arith.constant 1 : i32
    scf.for %scan3A_108 = %scan3A_58 to %scan3A_60 step %scan3A_61  : i32 {
      %mul3A_109 = arith.constant 6 : i32
      %mul3A_110 = arith.muli %scan3A_108, %mul3A_109 : i32
      %add3A_111 = arith.constant 0 : i32
      %add3A_112 = arith.addi %mul3A_110, %add3A_111 : i32
      %dma_wait3A_113 = arith.constant 0 : i32
      %dma_wait3A_114 = arith.constant 0 : i32
      %dma_wait3A_115 = tpu.memref_slice %arg4[%dma_wait3A_113, %dma_wait3A_114] : memref<10240x16xf32, #tpu.memory_space<hbm>> -> memref<128x16xf32, #tpu.memory_space<hbm>>
      %dma_wait3A_116 = arith.constant 0 : i32
      %dma_wait3A_117 = arith.constant 0 : i32
      %dma_wait3A_118 = tpu.memref_slice %arg4[%dma_wait3A_116, %dma_wait3A_117] : memref<10240x16xf32, #tpu.memory_space<hbm>> -> memref<128x16xf32, #tpu.memory_space<hbm>>
      tpu.wait_dma2 semaphore(%arg14 : memref<!tpu.dma_semaphore, #tpu.memory_space<semaphore_mem>>) src(%dma_wait3A_118 : memref<128x16xf32, #tpu.memory_space<hbm>>) dst(%arg7 : memref<128x16xf32, #tpu.memory_space<vmem>>)
      %run_scoped3A = arith.constant 1 : i32
      "tpu.region"() ({
        %run_scoped3A_262 = tpu.sem_alloc : memref<!tpu.dma_semaphore, #tpu.memory_space<semaphore_mem>>
        %dma_start3A_263 = arith.constant 0 : i32
        %dma_start3A_264 = tpu.memref_slice %arg6[%add3A_112, %run_scoped3A, %dma_start3A_263] : memref<79x2x128xi32, #tpu.memory_space<vmem>> -> memref<1x1x128xi32, #tpu.memory_space<vmem>>
        %dma_start3A_265 = tpu.memref_squeeze %dma_start3A_264 : memref<1x1x128xi32, #tpu.memory_space<vmem>> -> memref<128xi32, #tpu.memory_space<vmem>>
        %dma_start3A_266 = arith.constant 0 : i32
        %dma_start3A_267 = arith.constant 0 : i32
        %dma_start3A_268 = tpu.memref_slice %arg13[%dma_start3A_266, %dma_start3A_267] : memref<10240x16xf32, #tpu.memory_space<vmem_shared>> -> memref<10240x16xf32, #tpu.memory_space<vmem_shared>>
        tpu.enqueue_indirect_dma source(%arg7 : memref<128x16xf32, #tpu.memory_space<vmem>>) target(%dma_start3A_268 : memref<10240x16xf32, #tpu.memory_space<vmem_shared>>) offsets(%dma_start3A_265 : memref<128xi32, #tpu.memory_space<vmem>>) semaphore(%run_scoped3A_262 : memref<!tpu.dma_semaphore, #tpu.memory_space<semaphore_mem>>) {add = true}
        %dma_wait3A_269 = arith.constant 0 : i32
        %dma_wait3A_270 = tpu.memref_slice %arg6[%add3A_112, %run_scoped3A, %dma_wait3A_269] : memref<79x2x128xi32, #tpu.memory_space<vmem>> -> memref<1x1x128xi32, #tpu.memory_space<vmem>>
        %dma_wait3A_271 = tpu.memref_squeeze %dma_wait3A_270 : memref<1x1x128xi32, #tpu.memory_space<vmem>> -> memref<128xi32, #tpu.memory_space<vmem>>
        %dma_wait3A_272 = arith.constant 0 : i32
        %dma_wait3A_273 = arith.constant 0 : i32
        %dma_wait3A_274 = tpu.memref_slice %arg13[%dma_wait3A_272, %dma_wait3A_273] : memref<10240x16xf32, #tpu.memory_space<vmem_shared>> -> memref<10240x16xf32, #tpu.memory_space<vmem_shared>>
        tpu.wait_indirect_dma semaphore(%run_scoped3A_262 : memref<!tpu.dma_semaphore, #tpu.memory_space<semaphore_mem>>) src(%arg7 : memref<128x16xf32, #tpu.memory_space<vmem>>) dst(%dma_wait3A_274 : memref<10240x16xf32, #tpu.memory_space<vmem_shared>>)
        tpu.yield
      }) : () -> ()
      %add3A_119 = arith.constant 6 : i32
      %add3A_120 = arith.addi %add3A_112, %add3A_119 : i32
      %lt3A_121 = arith.constant 78 : i32
      %lt3A_122 = arith.cmpi slt, %add3A_120, %lt3A_121 : i32
      %add3A_123 = arith.constant 6 : i32
      %add3A_124 = arith.addi %add3A_112, %add3A_123 : i32
      %jit3A = arith.constant 0 : i32
      %select_n3A = arith.select %lt3A_122, %add3A_124, %jit3A : i32
      %dma_start3A_125 = arith.constant 0 : i32
      %dma_start3A_126 = arith.constant 0 : i32
      %dma_start3A_127 = tpu.memref_slice %arg6[%select_n3A, %dma_start3A_125, %dma_start3A_126] : memref<79x2x128xi32, #tpu.memory_space<vmem>> -> memref<1x1x128xi32, #tpu.memory_space<vmem>>
      %dma_start3A_128 = tpu.memref_squeeze %dma_start3A_127 : memref<1x1x128xi32, #tpu.memory_space<vmem>> -> memref<128xi32, #tpu.memory_space<vmem>>
      %dma_start3A_129 = arith.constant 0 : i32
      %dma_start3A_130 = arith.constant 0 : i32
      %dma_start3A_131 = tpu.memref_slice %arg2[%dma_start3A_129, %dma_start3A_130] : memref<10240x16xf32, #tpu.memory_space<hbm>> -> memref<10240x16xf32, #tpu.memory_space<hbm>>
      tpu.enqueue_indirect_dma source(%dma_start3A_131 : memref<10240x16xf32, #tpu.memory_space<hbm>>) target(%arg7 : memref<128x16xf32, #tpu.memory_space<vmem>>) offsets(%dma_start3A_128 : memref<128xi32, #tpu.memory_space<vmem>>) semaphore(%arg14 : memref<!tpu.dma_semaphore, #tpu.memory_space<semaphore_mem>>)
      %mul3A_132 = arith.constant 6 : i32
      %mul3A_133 = arith.muli %scan3A_108, %mul3A_132 : i32
      %add3A_134 = arith.constant 1 : i32
      %add3A_135 = arith.addi %mul3A_133, %add3A_134 : i32
      %dma_wait3A_136 = arith.constant 0 : i32
      %dma_wait3A_137 = arith.constant 0 : i32
      %dma_wait3A_138 = tpu.memref_slice %arg4[%dma_wait3A_136, %dma_wait3A_137] : memref<10240x16xf32, #tpu.memory_space<hbm>> -> memref<128x16xf32, #tpu.memory_space<hbm>>
      %dma_wait3A_139 = arith.constant 0 : i32
      %dma_wait3A_140 = arith.constant 0 : i32
      %dma_wait3A_141 = tpu.memref_slice %arg4[%dma_wait3A_139, %dma_wait3A_140] : memref<10240x16xf32, #tpu.memory_space<hbm>> -> memref<128x16xf32, #tpu.memory_space<hbm>>
      tpu.wait_dma2 semaphore(%arg15 : memref<!tpu.dma_semaphore, #tpu.memory_space<semaphore_mem>>) src(%dma_wait3A_141 : memref<128x16xf32, #tpu.memory_space<hbm>>) dst(%arg8 : memref<128x16xf32, #tpu.memory_space<vmem>>)
      %run_scoped3A_142 = arith.constant 1 : i32
      "tpu.region"() ({
        %run_scoped3A_262 = tpu.sem_alloc : memref<!tpu.dma_semaphore, #tpu.memory_space<semaphore_mem>>
        %dma_start3A_263 = arith.constant 0 : i32
        %dma_start3A_264 = tpu.memref_slice %arg6[%add3A_135, %run_scoped3A_142, %dma_start3A_263] : memref<79x2x128xi32, #tpu.memory_space<vmem>> -> memref<1x1x128xi32, #tpu.memory_space<vmem>>
        %dma_start3A_265 = tpu.memref_squeeze %dma_start3A_264 : memref<1x1x128xi32, #tpu.memory_space<vmem>> -> memref<128xi32, #tpu.memory_space<vmem>>
        %dma_start3A_266 = arith.constant 0 : i32
        %dma_start3A_267 = arith.constant 0 : i32
        %dma_start3A_268 = tpu.memref_slice %arg13[%dma_start3A_266, %dma_start3A_267] : memref<10240x16xf32, #tpu.memory_space<vmem_shared>> -> memref<10240x16xf32, #tpu.memory_space<vmem_shared>>
        tpu.enqueue_indirect_dma source(%arg8 : memref<128x16xf32, #tpu.memory_space<vmem>>) target(%dma_start3A_268 : memref<10240x16xf32, #tpu.memory_space<vmem_shared>>) offsets(%dma_start3A_265 : memref<128xi32, #tpu.memory_space<vmem>>) semaphore(%run_scoped3A_262 : memref<!tpu.dma_semaphore, #tpu.memory_space<semaphore_mem>>) {add = true}
        %dma_wait3A_269 = arith.constant 0 : i32
        %dma_wait3A_270 = tpu.memref_slice %arg6[%add3A_135, %run_scoped3A_142, %dma_wait3A_269] : memref<79x2x128xi32, #tpu.memory_space<vmem>> -> memref<1x1x128xi32, #tpu.memory_space<vmem>>
        %dma_wait3A_271 = tpu.memref_squeeze %dma_wait3A_270 : memref<1x1x128xi32, #tpu.memory_space<vmem>> -> memref<128xi32, #tpu.memory_space<vmem>>
        %dma_wait3A_272 = arith.constant 0 : i32
        %dma_wait3A_273 = arith.constant 0 : i32
        %dma_wait3A_274 = tpu.memref_slice %arg13[%dma_wait3A_272, %dma_wait3A_273] : memref<10240x16xf32, #tpu.memory_space<vmem_shared>> -> memref<10240x16xf32, #tpu.memory_space<vmem_shared>>
        tpu.wait_indirect_dma semaphore(%run_scoped3A_262 : memref<!tpu.dma_semaphore, #tpu.memory_space<semaphore_mem>>) src(%arg8 : memref<128x16xf32, #tpu.memory_space<vmem>>) dst(%dma_wait3A_274 : memref<10240x16xf32, #tpu.memory_space<vmem_shared>>)
        tpu.yield
      }) : () -> ()
      %add3A_143 = arith.constant 6 : i32
      %add3A_144 = arith.addi %add3A_135, %add3A_143 : i32
      %lt3A_145 = arith.constant 78 : i32
      %lt3A_146 = arith.cmpi slt, %add3A_144, %lt3A_145 : i32
      %add3A_147 = arith.constant 6 : i32
      %add3A_148 = arith.addi %add3A_135, %add3A_147 : i32
      %jit3A_149 = arith.constant 0 : i32
      %select_n3A_150 = arith.select %lt3A_146, %add3A_148, %jit3A_149 : i32
      %dma_start3A_151 = arith.constant 0 : i32
      %dma_start3A_152 = arith.constant 0 : i32
      %dma_start3A_153 = tpu.memref_slice %arg6[%select_n3A_150, %dma_start3A_151, %dma_start3A_152] : memref<79x2x128xi32, #tpu.memory_space<vmem>> -> memref<1x1x128xi32, #tpu.memory_space<vmem>>
      %dma_start3A_154 = tpu.memref_squeeze %dma_start3A_153 : memref<1x1x128xi32, #tpu.memory_space<vmem>> -> memref<128xi32, #tpu.memory_space<vmem>>
      %dma_start3A_155 = arith.constant 0 : i32
      %dma_start3A_156 = arith.constant 0 : i32
      %dma_start3A_157 = tpu.memref_slice %arg2[%dma_start3A_155, %dma_start3A_156] : memref<10240x16xf32, #tpu.memory_space<hbm>> -> memref<10240x16xf32, #tpu.memory_space<hbm>>
      tpu.enqueue_indirect_dma source(%dma_start3A_157 : memref<10240x16xf32, #tpu.memory_space<hbm>>) target(%arg8 : memref<128x16xf32, #tpu.memory_space<vmem>>) offsets(%dma_start3A_154 : memref<128xi32, #tpu.memory_space<vmem>>) semaphore(%arg15 : memref<!tpu.dma_semaphore, #tpu.memory_space<semaphore_mem>>)
      %mul3A_158 = arith.constant 6 : i32
      %mul3A_159 = arith.muli %scan3A_108, %mul3A_158 : i32
      %add3A_160 = arith.constant 2 : i32
      %add3A_161 = arith.addi %mul3A_159, %add3A_160 : i32
      %dma_wait3A_162 = arith.constant 0 : i32
      %dma_wait3A_163 = arith.constant 0 : i32
      %dma_wait3A_164 = tpu.memref_slice %arg4[%dma_wait3A_162, %dma_wait3A_163] : memref<10240x16xf32, #tpu.memory_space<hbm>> -> memref<128x16xf32, #tpu.memory_space<hbm>>
      %dma_wait3A_165 = arith.constant 0 : i32
      %dma_wait3A_166 = arith.constant 0 : i32
      %dma_wait3A_167 = tpu.memref_slice %arg4[%dma_wait3A_165, %dma_wait3A_166] : memref<10240x16xf32, #tpu.memory_space<hbm>> -> memref<128x16xf32, #tpu.memory_space<hbm>>
      tpu.wait_dma2 semaphore(%arg16 : memref<!tpu.dma_semaphore, #tpu.memory_space<semaphore_mem>>) src(%dma_wait3A_167 : memref<128x16xf32, #tpu.memory_space<hbm>>) dst(%arg9 : memref<128x16xf32, #tpu.memory_space<vmem>>)
      %run_scoped3A_168 = arith.constant 1 : i32
      "tpu.region"() ({
        %run_scoped3A_262 = tpu.sem_alloc : memref<!tpu.dma_semaphore, #tpu.memory_space<semaphore_mem>>
        %dma_start3A_263 = arith.constant 0 : i32
        %dma_start3A_264 = tpu.memref_slice %arg6[%add3A_161, %run_scoped3A_168, %dma_start3A_263] : memref<79x2x128xi32, #tpu.memory_space<vmem>> -> memref<1x1x128xi32, #tpu.memory_space<vmem>>
        %dma_start3A_265 = tpu.memref_squeeze %dma_start3A_264 : memref<1x1x128xi32, #tpu.memory_space<vmem>> -> memref<128xi32, #tpu.memory_space<vmem>>
        %dma_start3A_266 = arith.constant 0 : i32
        %dma_start3A_267 = arith.constant 0 : i32
        %dma_start3A_268 = tpu.memref_slice %arg13[%dma_start3A_266, %dma_start3A_267] : memref<10240x16xf32, #tpu.memory_space<vmem_shared>> -> memref<10240x16xf32, #tpu.memory_space<vmem_shared>>
        tpu.enqueue_indirect_dma source(%arg9 : memref<128x16xf32, #tpu.memory_space<vmem>>) target(%dma_start3A_268 : memref<10240x16xf32, #tpu.memory_space<vmem_shared>>) offsets(%dma_start3A_265 : memref<128xi32, #tpu.memory_space<vmem>>) semaphore(%run_scoped3A_262 : memref<!tpu.dma_semaphore, #tpu.memory_space<semaphore_mem>>) {add = true}
        %dma_wait3A_269 = arith.constant 0 : i32
        %dma_wait3A_270 = tpu.memref_slice %arg6[%add3A_161, %run_scoped3A_168, %dma_wait3A_269] : memref<79x2x128xi32, #tpu.memory_space<vmem>> -> memref<1x1x128xi32, #tpu.memory_space<vmem>>
        %dma_wait3A_271 = tpu.memref_squeeze %dma_wait3A_270 : memref<1x1x128xi32, #tpu.memory_space<vmem>> -> memref<128xi32, #tpu.memory_space<vmem>>
        %dma_wait3A_272 = arith.constant 0 : i32
        %dma_wait3A_273 = arith.constant 0 : i32
        %dma_wait3A_274 = tpu.memref_slice %arg13[%dma_wait3A_272, %dma_wait3A_273] : memref<10240x16xf32, #tpu.memory_space<vmem_shared>> -> memref<10240x16xf32, #tpu.memory_space<vmem_shared>>
        tpu.wait_indirect_dma semaphore(%run_scoped3A_262 : memref<!tpu.dma_semaphore, #tpu.memory_space<semaphore_mem>>) src(%arg9 : memref<128x16xf32, #tpu.memory_space<vmem>>) dst(%dma_wait3A_274 : memref<10240x16xf32, #tpu.memory_space<vmem_shared>>)
        tpu.yield
      }) : () -> ()
      %add3A_169 = arith.constant 6 : i32
      %add3A_170 = arith.addi %add3A_161, %add3A_169 : i32
      %lt3A_171 = arith.constant 78 : i32
      %lt3A_172 = arith.cmpi slt, %add3A_170, %lt3A_171 : i32
      %add3A_173 = arith.constant 6 : i32
      %add3A_174 = arith.addi %add3A_161, %add3A_173 : i32
      %jit3A_175 = arith.constant 0 : i32
      %select_n3A_176 = arith.select %lt3A_172, %add3A_174, %jit3A_175 : i32
      %dma_start3A_177 = arith.constant 0 : i32
      %dma_start3A_178 = arith.constant 0 : i32
      %dma_start3A_179 = tpu.memref_slice %arg6[%select_n3A_176, %dma_start3A_177, %dma_start3A_178] : memref<79x2x128xi32, #tpu.memory_space<vmem>> -> memref<1x1x128xi32, #tpu.memory_space<vmem>>
      %dma_start3A_180 = tpu.memref_squeeze %dma_start3A_179 : memref<1x1x128xi32, #tpu.memory_space<vmem>> -> memref<128xi32, #tpu.memory_space<vmem>>
      %dma_start3A_181 = arith.constant 0 : i32
      %dma_start3A_182 = arith.constant 0 : i32
      %dma_start3A_183 = tpu.memref_slice %arg2[%dma_start3A_181, %dma_start3A_182] : memref<10240x16xf32, #tpu.memory_space<hbm>> -> memref<10240x16xf32, #tpu.memory_space<hbm>>
      tpu.enqueue_indirect_dma source(%dma_start3A_183 : memref<10240x16xf32, #tpu.memory_space<hbm>>) target(%arg9 : memref<128x16xf32, #tpu.memory_space<vmem>>) offsets(%dma_start3A_180 : memref<128xi32, #tpu.memory_space<vmem>>) semaphore(%arg16 : memref<!tpu.dma_semaphore, #tpu.memory_space<semaphore_mem>>)
      %mul3A_184 = arith.constant 6 : i32
      %mul3A_185 = arith.muli %scan3A_108, %mul3A_184 : i32
      %add3A_186 = arith.constant 3 : i32
      %add3A_187 = arith.addi %mul3A_185, %add3A_186 : i32
      %dma_wait3A_188 = arith.constant 0 : i32
      %dma_wait3A_189 = arith.constant 0 : i32
      %dma_wait3A_190 = tpu.memref_slice %arg4[%dma_wait3A_188, %dma_wait3A_189] : memref<10240x16xf32, #tpu.memory_space<hbm>> -> memref<128x16xf32, #tpu.memory_space<hbm>>
      %dma_wait3A_191 = arith.constant 0 : i32
      %dma_wait3A_192 = arith.constant 0 : i32
      %dma_wait3A_193 = tpu.memref_slice %arg4[%dma_wait3A_191, %dma_wait3A_192] : memref<10240x16xf32, #tpu.memory_space<hbm>> -> memref<128x16xf32, #tpu.memory_space<hbm>>
      tpu.wait_dma2 semaphore(%arg17 : memref<!tpu.dma_semaphore, #tpu.memory_space<semaphore_mem>>) src(%dma_wait3A_193 : memref<128x16xf32, #tpu.memory_space<hbm>>) dst(%arg10 : memref<128x16xf32, #tpu.memory_space<vmem>>)
      %run_scoped3A_194 = arith.constant 1 : i32
      "tpu.region"() ({
        %run_scoped3A_262 = tpu.sem_alloc : memref<!tpu.dma_semaphore, #tpu.memory_space<semaphore_mem>>
        %dma_start3A_263 = arith.constant 0 : i32
        %dma_start3A_264 = tpu.memref_slice %arg6[%add3A_187, %run_scoped3A_194, %dma_start3A_263] : memref<79x2x128xi32, #tpu.memory_space<vmem>> -> memref<1x1x128xi32, #tpu.memory_space<vmem>>
        %dma_start3A_265 = tpu.memref_squeeze %dma_start3A_264 : memref<1x1x128xi32, #tpu.memory_space<vmem>> -> memref<128xi32, #tpu.memory_space<vmem>>
        %dma_start3A_266 = arith.constant 0 : i32
        %dma_start3A_267 = arith.constant 0 : i32
        %dma_start3A_268 = tpu.memref_slice %arg13[%dma_start3A_266, %dma_start3A_267] : memref<10240x16xf32, #tpu.memory_space<vmem_shared>> -> memref<10240x16xf32, #tpu.memory_space<vmem_shared>>
        tpu.enqueue_indirect_dma source(%arg10 : memref<128x16xf32, #tpu.memory_space<vmem>>) target(%dma_start3A_268 : memref<10240x16xf32, #tpu.memory_space<vmem_shared>>) offsets(%dma_start3A_265 : memref<128xi32, #tpu.memory_space<vmem>>) semaphore(%run_scoped3A_262 : memref<!tpu.dma_semaphore, #tpu.memory_space<semaphore_mem>>) {add = true}
        %dma_wait3A_269 = arith.constant 0 : i32
        %dma_wait3A_270 = tpu.memref_slice %arg6[%add3A_187, %run_scoped3A_194, %dma_wait3A_269] : memref<79x2x128xi32, #tpu.memory_space<vmem>> -> memref<1x1x128xi32, #tpu.memory_space<vmem>>
        %dma_wait3A_271 = tpu.memref_squeeze %dma_wait3A_270 : memref<1x1x128xi32, #tpu.memory_space<vmem>> -> memref<128xi32, #tpu.memory_space<vmem>>
        %dma_wait3A_272 = arith.constant 0 : i32
        %dma_wait3A_273 = arith.constant 0 : i32
        %dma_wait3A_274 = tpu.memref_slice %arg13[%dma_wait3A_272, %dma_wait3A_273] : memref<10240x16xf32, #tpu.memory_space<vmem_shared>> -> memref<10240x16xf32, #tpu.memory_space<vmem_shared>>
        tpu.wait_indirect_dma semaphore(%run_scoped3A_262 : memref<!tpu.dma_semaphore, #tpu.memory_space<semaphore_mem>>) src(%arg10 : memref<128x16xf32, #tpu.memory_space<vmem>>) dst(%dma_wait3A_274 : memref<10240x16xf32, #tpu.memory_space<vmem_shared>>)
        tpu.yield
      }) : () -> ()
      %add3A_195 = arith.constant 6 : i32
      %add3A_196 = arith.addi %add3A_187, %add3A_195 : i32
      %lt3A_197 = arith.constant 78 : i32
      %lt3A_198 = arith.cmpi slt, %add3A_196, %lt3A_197 : i32
      %add3A_199 = arith.constant 6 : i32
      %add3A_200 = arith.addi %add3A_187, %add3A_199 : i32
      %jit3A_201 = arith.constant 0 : i32
      %select_n3A_202 = arith.select %lt3A_198, %add3A_200, %jit3A_201 : i32
      %dma_start3A_203 = arith.constant 0 : i32
      %dma_start3A_204 = arith.constant 0 : i32
      %dma_start3A_205 = tpu.memref_slice %arg6[%select_n3A_202, %dma_start3A_203, %dma_start3A_204] : memref<79x2x128xi32, #tpu.memory_space<vmem>> -> memref<1x1x128xi32, #tpu.memory_space<vmem>>
      %dma_start3A_206 = tpu.memref_squeeze %dma_start3A_205 : memref<1x1x128xi32, #tpu.memory_space<vmem>> -> memref<128xi32, #tpu.memory_space<vmem>>
      %dma_start3A_207 = arith.constant 0 : i32
      %dma_start3A_208 = arith.constant 0 : i32
      %dma_start3A_209 = tpu.memref_slice %arg2[%dma_start3A_207, %dma_start3A_208] : memref<10240x16xf32, #tpu.memory_space<hbm>> -> memref<10240x16xf32, #tpu.memory_space<hbm>>
      tpu.enqueue_indirect_dma source(%dma_start3A_209 : memref<10240x16xf32, #tpu.memory_space<hbm>>) target(%arg10 : memref<128x16xf32, #tpu.memory_space<vmem>>) offsets(%dma_start3A_206 : memref<128xi32, #tpu.memory_space<vmem>>) semaphore(%arg17 : memref<!tpu.dma_semaphore, #tpu.memory_space<semaphore_mem>>)
      %mul3A_210 = arith.constant 6 : i32
      %mul3A_211 = arith.muli %scan3A_108, %mul3A_210 : i32
      %add3A_212 = arith.constant 4 : i32
      %add3A_213 = arith.addi %mul3A_211, %add3A_212 : i32
      %dma_wait3A_214 = arith.constant 0 : i32
      %dma_wait3A_215 = arith.constant 0 : i32
      %dma_wait3A_216 = tpu.memref_slice %arg4[%dma_wait3A_214, %dma_wait3A_215] : memref<10240x16xf32, #tpu.memory_space<hbm>> -> memref<128x16xf32, #tpu.memory_space<hbm>>
      %dma_wait3A_217 = arith.constant 0 : i32
      %dma_wait3A_218 = arith.constant 0 : i32
      %dma_wait3A_219 = tpu.memref_slice %arg4[%dma_wait3A_217, %dma_wait3A_218] : memref<10240x16xf32, #tpu.memory_space<hbm>> -> memref<128x16xf32, #tpu.memory_space<hbm>>
      tpu.wait_dma2 semaphore(%arg18 : memref<!tpu.dma_semaphore, #tpu.memory_space<semaphore_mem>>) src(%dma_wait3A_219 : memref<128x16xf32, #tpu.memory_space<hbm>>) dst(%arg11 : memref<128x16xf32, #tpu.memory_space<vmem>>)
      %run_scoped3A_220 = arith.constant 1 : i32
      "tpu.region"() ({
        %run_scoped3A_262 = tpu.sem_alloc : memref<!tpu.dma_semaphore, #tpu.memory_space<semaphore_mem>>
        %dma_start3A_263 = arith.constant 0 : i32
        %dma_start3A_264 = tpu.memref_slice %arg6[%add3A_213, %run_scoped3A_220, %dma_start3A_263] : memref<79x2x128xi32, #tpu.memory_space<vmem>> -> memref<1x1x128xi32, #tpu.memory_space<vmem>>
        %dma_start3A_265 = tpu.memref_squeeze %dma_start3A_264 : memref<1x1x128xi32, #tpu.memory_space<vmem>> -> memref<128xi32, #tpu.memory_space<vmem>>
        %dma_start3A_266 = arith.constant 0 : i32
        %dma_start3A_267 = arith.constant 0 : i32
        %dma_start3A_268 = tpu.memref_slice %arg13[%dma_start3A_266, %dma_start3A_267] : memref<10240x16xf32, #tpu.memory_space<vmem_shared>> -> memref<10240x16xf32, #tpu.memory_space<vmem_shared>>
        tpu.enqueue_indirect_dma source(%arg11 : memref<128x16xf32, #tpu.memory_space<vmem>>) target(%dma_start3A_268 : memref<10240x16xf32, #tpu.memory_space<vmem_shared>>) offsets(%dma_start3A_265 : memref<128xi32, #tpu.memory_space<vmem>>) semaphore(%run_scoped3A_262 : memref<!tpu.dma_semaphore, #tpu.memory_space<semaphore_mem>>) {add = true}
        %dma_wait3A_269 = arith.constant 0 : i32
        %dma_wait3A_270 = tpu.memref_slice %arg6[%add3A_213, %run_scoped3A_220, %dma_wait3A_269] : memref<79x2x128xi32, #tpu.memory_space<vmem>> -> memref<1x1x128xi32, #tpu.memory_space<vmem>>
        %dma_wait3A_271 = tpu.memref_squeeze %dma_wait3A_270 : memref<1x1x128xi32, #tpu.memory_space<vmem>> -> memref<128xi32, #tpu.memory_space<vmem>>
        %dma_wait3A_272 = arith.constant 0 : i32
        %dma_wait3A_273 = arith.constant 0 : i32
        %dma_wait3A_274 = tpu.memref_slice %arg13[%dma_wait3A_272, %dma_wait3A_273] : memref<10240x16xf32, #tpu.memory_space<vmem_shared>> -> memref<10240x16xf32, #tpu.memory_space<vmem_shared>>
        tpu.wait_indirect_dma semaphore(%run_scoped3A_262 : memref<!tpu.dma_semaphore, #tpu.memory_space<semaphore_mem>>) src(%arg11 : memref<128x16xf32, #tpu.memory_space<vmem>>) dst(%dma_wait3A_274 : memref<10240x16xf32, #tpu.memory_space<vmem_shared>>)
        tpu.yield
      }) : () -> ()
      %add3A_221 = arith.constant 6 : i32
      %add3A_222 = arith.addi %add3A_213, %add3A_221 : i32
      %lt3A_223 = arith.constant 78 : i32
      %lt3A_224 = arith.cmpi slt, %add3A_222, %lt3A_223 : i32
      %add3A_225 = arith.constant 6 : i32
      %add3A_226 = arith.addi %add3A_213, %add3A_225 : i32
      %jit3A_227 = arith.constant 0 : i32
      %select_n3A_228 = arith.select %lt3A_224, %add3A_226, %jit3A_227 : i32
      %dma_start3A_229 = arith.constant 0 : i32
      %dma_start3A_230 = arith.constant 0 : i32
      %dma_start3A_231 = tpu.memref_slice %arg6[%select_n3A_228, %dma_start3A_229, %dma_start3A_230] : memref<79x2x128xi32, #tpu.memory_space<vmem>> -> memref<1x1x128xi32, #tpu.memory_space<vmem>>
      %dma_start3A_232 = tpu.memref_squeeze %dma_start3A_231 : memref<1x1x128xi32, #tpu.memory_space<vmem>> -> memref<128xi32, #tpu.memory_space<vmem>>
      %dma_start3A_233 = arith.constant 0 : i32
      %dma_start3A_234 = arith.constant 0 : i32
      %dma_start3A_235 = tpu.memref_slice %arg2[%dma_start3A_233, %dma_start3A_234] : memref<10240x16xf32, #tpu.memory_space<hbm>> -> memref<10240x16xf32, #tpu.memory_space<hbm>>
      tpu.enqueue_indirect_dma source(%dma_start3A_235 : memref<10240x16xf32, #tpu.memory_space<hbm>>) target(%arg11 : memref<128x16xf32, #tpu.memory_space<vmem>>) offsets(%dma_start3A_232 : memref<128xi32, #tpu.memory_space<vmem>>) semaphore(%arg18 : memref<!tpu.dma_semaphore, #tpu.memory_space<semaphore_mem>>)
      %mul3A_236 = arith.constant 6 : i32
      %mul3A_237 = arith.muli %scan3A_108, %mul3A_236 : i32
      %add3A_238 = arith.constant 5 : i32
      %add3A_239 = arith.addi %mul3A_237, %add3A_238 : i32
      %dma_wait3A_240 = arith.constant 0 : i32
      %dma_wait3A_241 = arith.constant 0 : i32
      %dma_wait3A_242 = tpu.memref_slice %arg4[%dma_wait3A_240, %dma_wait3A_241] : memref<10240x16xf32, #tpu.memory_space<hbm>> -> memref<128x16xf32, #tpu.memory_space<hbm>>
      %dma_wait3A_243 = arith.constant 0 : i32
      %dma_wait3A_244 = arith.constant 0 : i32
      %dma_wait3A_245 = tpu.memref_slice %arg4[%dma_wait3A_243, %dma_wait3A_244] : memref<10240x16xf32, #tpu.memory_space<hbm>> -> memref<128x16xf32, #tpu.memory_space<hbm>>
      tpu.wait_dma2 semaphore(%arg19 : memref<!tpu.dma_semaphore, #tpu.memory_space<semaphore_mem>>) src(%dma_wait3A_245 : memref<128x16xf32, #tpu.memory_space<hbm>>) dst(%arg12 : memref<128x16xf32, #tpu.memory_space<vmem>>)
      %run_scoped3A_246 = arith.constant 1 : i32
      "tpu.region"() ({
        %run_scoped3A_262 = tpu.sem_alloc : memref<!tpu.dma_semaphore, #tpu.memory_space<semaphore_mem>>
        %dma_start3A_263 = arith.constant 0 : i32
        %dma_start3A_264 = tpu.memref_slice %arg6[%add3A_239, %run_scoped3A_246, %dma_start3A_263] : memref<79x2x128xi32, #tpu.memory_space<vmem>> -> memref<1x1x128xi32, #tpu.memory_space<vmem>>
        %dma_start3A_265 = tpu.memref_squeeze %dma_start3A_264 : memref<1x1x128xi32, #tpu.memory_space<vmem>> -> memref<128xi32, #tpu.memory_space<vmem>>
        %dma_start3A_266 = arith.constant 0 : i32
        %dma_start3A_267 = arith.constant 0 : i32
        %dma_start3A_268 = tpu.memref_slice %arg13[%dma_start3A_266, %dma_start3A_267] : memref<10240x16xf32, #tpu.memory_space<vmem_shared>> -> memref<10240x16xf32, #tpu.memory_space<vmem_shared>>
        tpu.enqueue_indirect_dma source(%arg12 : memref<128x16xf32, #tpu.memory_space<vmem>>) target(%dma_start3A_268 : memref<10240x16xf32, #tpu.memory_space<vmem_shared>>) offsets(%dma_start3A_265 : memref<128xi32, #tpu.memory_space<vmem>>) semaphore(%run_scoped3A_262 : memref<!tpu.dma_semaphore, #tpu.memory_space<semaphore_mem>>) {add = true}
        %dma_wait3A_269 = arith.constant 0 : i32
        %dma_wait3A_270 = tpu.memref_slice %arg6[%add3A_239, %run_scoped3A_246, %dma_wait3A_269] : memref<79x2x128xi32, #tpu.memory_space<vmem>> -> memref<1x1x128xi32, #tpu.memory_space<vmem>>
        %dma_wait3A_271 = tpu.memref_squeeze %dma_wait3A_270 : memref<1x1x128xi32, #tpu.memory_space<vmem>> -> memref<128xi32, #tpu.memory_space<vmem>>
        %dma_wait3A_272 = arith.constant 0 : i32
        %dma_wait3A_273 = arith.constant 0 : i32
        %dma_wait3A_274 = tpu.memref_slice %arg13[%dma_wait3A_272, %dma_wait3A_273] : memref<10240x16xf32, #tpu.memory_space<vmem_shared>> -> memref<10240x16xf32, #tpu.memory_space<vmem_shared>>
        tpu.wait_indirect_dma semaphore(%run_scoped3A_262 : memref<!tpu.dma_semaphore, #tpu.memory_space<semaphore_mem>>) src(%arg12 : memref<128x16xf32, #tpu.memory_space<vmem>>) dst(%dma_wait3A_274 : memref<10240x16xf32, #tpu.memory_space<vmem_shared>>)
        tpu.yield
      }) : () -> ()
      %add3A_247 = arith.constant 6 : i32
      %add3A_248 = arith.addi %add3A_239, %add3A_247 : i32
      %lt3A_249 = arith.constant 78 : i32
      %lt3A_250 = arith.cmpi slt, %add3A_248, %lt3A_249 : i32
      %add3A_251 = arith.constant 6 : i32
      %add3A_252 = arith.addi %add3A_239, %add3A_251 : i32
      %jit3A_253 = arith.constant 0 : i32
      %select_n3A_254 = arith.select %lt3A_250, %add3A_252, %jit3A_253 : i32
      %dma_start3A_255 = arith.constant 0 : i32
      %dma_start3A_256 = arith.constant 0 : i32
      %dma_start3A_257 = tpu.memref_slice %arg6[%select_n3A_254, %dma_start3A_255, %dma_start3A_256] : memref<79x2x128xi32, #tpu.memory_space<vmem>> -> memref<1x1x128xi32, #tpu.memory_space<vmem>>
      %dma_start3A_258 = tpu.memref_squeeze %dma_start3A_257 : memref<1x1x128xi32, #tpu.memory_space<vmem>> -> memref<128xi32, #tpu.memory_space<vmem>>
      %dma_start3A_259 = arith.constant 0 : i32
      %dma_start3A_260 = arith.constant 0 : i32
      %dma_start3A_261 = tpu.memref_slice %arg2[%dma_start3A_259, %dma_start3A_260] : memref<10240x16xf32, #tpu.memory_space<hbm>> -> memref<10240x16xf32, #tpu.memory_space<hbm>>
      tpu.enqueue_indirect_dma source(%dma_start3A_261 : memref<10240x16xf32, #tpu.memory_space<hbm>>) target(%arg12 : memref<128x16xf32, #tpu.memory_space<vmem>>) offsets(%dma_start3A_258 : memref<128xi32, #tpu.memory_space<vmem>>) semaphore(%arg19 : memref<!tpu.dma_semaphore, #tpu.memory_space<semaphore_mem>>)
    }
    %scan3A_62 = arith.constant 13 : i32
    %dma_wait3A = arith.constant 0 : i32
    %dma_wait3A_63 = arith.constant 0 : i32
    %dma_wait3A_64 = tpu.memref_slice %arg4[%dma_wait3A, %dma_wait3A_63] : memref<10240x16xf32, #tpu.memory_space<hbm>> -> memref<128x16xf32, #tpu.memory_space<hbm>>
    %dma_wait3A_65 = arith.constant 0 : i32
    %dma_wait3A_66 = arith.constant 0 : i32
    %dma_wait3A_67 = tpu.memref_slice %arg4[%dma_wait3A_65, %dma_wait3A_66] : memref<10240x16xf32, #tpu.memory_space<hbm>> -> memref<128x16xf32, #tpu.memory_space<hbm>>
    tpu.wait_dma2 semaphore(%arg14 : memref<!tpu.dma_semaphore, #tpu.memory_space<semaphore_mem>>) src(%dma_wait3A_67 : memref<128x16xf32, #tpu.memory_space<hbm>>) dst(%arg7 : memref<128x16xf32, #tpu.memory_space<vmem>>)
    %dma_wait3A_68 = arith.constant 0 : i32
    %dma_wait3A_69 = arith.constant 0 : i32
    %dma_wait3A_70 = tpu.memref_slice %arg4[%dma_wait3A_68, %dma_wait3A_69] : memref<10240x16xf32, #tpu.memory_space<hbm>> -> memref<128x16xf32, #tpu.memory_space<hbm>>
    %dma_wait3A_71 = arith.constant 0 : i32
    %dma_wait3A_72 = arith.constant 0 : i32
    %dma_wait3A_73 = tpu.memref_slice %arg4[%dma_wait3A_71, %dma_wait3A_72] : memref<10240x16xf32, #tpu.memory_space<hbm>> -> memref<128x16xf32, #tpu.memory_space<hbm>>
    tpu.wait_dma2 semaphore(%arg15 : memref<!tpu.dma_semaphore, #tpu.memory_space<semaphore_mem>>) src(%dma_wait3A_73 : memref<128x16xf32, #tpu.memory_space<hbm>>) dst(%arg8 : memref<128x16xf32, #tpu.memory_space<vmem>>)
    %dma_wait3A_74 = arith.constant 0 : i32
    %dma_wait3A_75 = arith.constant 0 : i32
    %dma_wait3A_76 = tpu.memref_slice %arg4[%dma_wait3A_74, %dma_wait3A_75] : memref<10240x16xf32, #tpu.memory_space<hbm>> -> memref<128x16xf32, #tpu.memory_space<hbm>>
    %dma_wait3A_77 = arith.constant 0 : i32
    %dma_wait3A_78 = arith.constant 0 : i32
    %dma_wait3A_79 = tpu.memref_slice %arg4[%dma_wait3A_77, %dma_wait3A_78] : memref<10240x16xf32, #tpu.memory_space<hbm>> -> memref<128x16xf32, #tpu.memory_space<hbm>>
    tpu.wait_dma2 semaphore(%arg16 : memref<!tpu.dma_semaphore, #tpu.memory_space<semaphore_mem>>) src(%dma_wait3A_79 : memref<128x16xf32, #tpu.memory_space<hbm>>) dst(%arg9 : memref<128x16xf32, #tpu.memory_space<vmem>>)
    %dma_wait3A_80 = arith.constant 0 : i32
    %dma_wait3A_81 = arith.constant 0 : i32
    %dma_wait3A_82 = tpu.memref_slice %arg4[%dma_wait3A_80, %dma_wait3A_81] : memref<10240x16xf32, #tpu.memory_space<hbm>> -> memref<128x16xf32, #tpu.memory_space<hbm>>
    %dma_wait3A_83 = arith.constant 0 : i32
    %dma_wait3A_84 = arith.constant 0 : i32
    %dma_wait3A_85 = tpu.memref_slice %arg4[%dma_wait3A_83, %dma_wait3A_84] : memref<10240x16xf32, #tpu.memory_space<hbm>> -> memref<128x16xf32, #tpu.memory_space<hbm>>
    tpu.wait_dma2 semaphore(%arg17 : memref<!tpu.dma_semaphore, #tpu.memory_space<semaphore_mem>>) src(%dma_wait3A_85 : memref<128x16xf32, #tpu.memory_space<hbm>>) dst(%arg10 : memref<128x16xf32, #tpu.memory_space<vmem>>)
    %dma_wait3A_86 = arith.constant 0 : i32
    %dma_wait3A_87 = arith.constant 0 : i32
    %dma_wait3A_88 = tpu.memref_slice %arg4[%dma_wait3A_86, %dma_wait3A_87] : memref<10240x16xf32, #tpu.memory_space<hbm>> -> memref<128x16xf32, #tpu.memory_space<hbm>>
    %dma_wait3A_89 = arith.constant 0 : i32
    %dma_wait3A_90 = arith.constant 0 : i32
    %dma_wait3A_91 = tpu.memref_slice %arg4[%dma_wait3A_89, %dma_wait3A_90] : memref<10240x16xf32, #tpu.memory_space<hbm>> -> memref<128x16xf32, #tpu.memory_space<hbm>>
    tpu.wait_dma2 semaphore(%arg18 : memref<!tpu.dma_semaphore, #tpu.memory_space<semaphore_mem>>) src(%dma_wait3A_91 : memref<128x16xf32, #tpu.memory_space<hbm>>) dst(%arg11 : memref<128x16xf32, #tpu.memory_space<vmem>>)
    %dma_wait3A_92 = arith.constant 0 : i32
    %dma_wait3A_93 = arith.constant 0 : i32
    %dma_wait3A_94 = tpu.memref_slice %arg4[%dma_wait3A_92, %dma_wait3A_93] : memref<10240x16xf32, #tpu.memory_space<hbm>> -> memref<128x16xf32, #tpu.memory_space<hbm>>
    %dma_wait3A_95 = arith.constant 0 : i32
    %dma_wait3A_96 = arith.constant 0 : i32
    %dma_wait3A_97 = tpu.memref_slice %arg4[%dma_wait3A_95, %dma_wait3A_96] : memref<10240x16xf32, #tpu.memory_space<hbm>> -> memref<128x16xf32, #tpu.memory_space<hbm>>
    tpu.wait_dma2 semaphore(%arg19 : memref<!tpu.dma_semaphore, #tpu.memory_space<semaphore_mem>>) src(%dma_wait3A_97 : memref<128x16xf32, #tpu.memory_space<hbm>>) dst(%arg12 : memref<128x16xf32, #tpu.memory_space<vmem>>)
    %lt3A_98 = arith.constant 4 : i32
    %lt3A_99 = arith.cmpi slt, %add3A, %lt3A_98 : i32
    %convert_element_type3A_100 = arith.extui %lt3A_99 : i1 to i32
    %cond3A_101 = arith.constant 0 : i32
    %cond3A_102 = arith.cmpi ne, %convert_element_type3A_100, %cond3A_101 : i32
    scf.if %cond3A_102 {
      %dma_start3A_108 = arith.constant 78 : i32
      %dma_start3A_109 = arith.constant 0 : i32
      %dma_start3A_110 = arith.constant 0 : i32
      %dma_start3A_111 = tpu.memref_slice %arg6[%dma_start3A_108, %dma_start3A_109, %dma_start3A_110] : memref<79x2x128xi32, #tpu.memory_space<vmem>> -> memref<1x1x128xi32, #tpu.memory_space<vmem>>
      %dma_start3A_112 = tpu.memref_squeeze %dma_start3A_111 : memref<1x1x128xi32, #tpu.memory_space<vmem>> -> memref<128xi32, #tpu.memory_space<vmem>>
      %dma_start3A_113 = arith.constant 0 : i32
      %dma_start3A_114 = arith.constant 0 : i32
      %dma_start3A_115 = tpu.memref_slice %arg2[%dma_start3A_113, %dma_start3A_114] : memref<10240x16xf32, #tpu.memory_space<hbm>> -> memref<10240x16xf32, #tpu.memory_space<hbm>>
      tpu.enqueue_indirect_dma source(%dma_start3A_115 : memref<10240x16xf32, #tpu.memory_space<hbm>>) target(%arg7 : memref<128x16xf32, #tpu.memory_space<vmem>>) offsets(%dma_start3A_112 : memref<128xi32, #tpu.memory_space<vmem>>) semaphore(%arg14 : memref<!tpu.dma_semaphore, #tpu.memory_space<semaphore_mem>>)
      %dma_wait3A_116 = arith.constant 78 : i32
      %dma_wait3A_117 = arith.constant 0 : i32
      %dma_wait3A_118 = arith.constant 0 : i32
      %dma_wait3A_119 = tpu.memref_slice %arg6[%dma_wait3A_116, %dma_wait3A_117, %dma_wait3A_118] : memref<79x2x128xi32, #tpu.memory_space<vmem>> -> memref<1x1x128xi32, #tpu.memory_space<vmem>>
      %dma_wait3A_120 = tpu.memref_squeeze %dma_wait3A_119 : memref<1x1x128xi32, #tpu.memory_space<vmem>> -> memref<128xi32, #tpu.memory_space<vmem>>
      %dma_wait3A_121 = arith.constant 0 : i32
      %dma_wait3A_122 = arith.constant 0 : i32
      %dma_wait3A_123 = tpu.memref_slice %arg2[%dma_wait3A_121, %dma_wait3A_122] : memref<10240x16xf32, #tpu.memory_space<hbm>> -> memref<10240x16xf32, #tpu.memory_space<hbm>>
      tpu.wait_indirect_dma semaphore(%arg14 : memref<!tpu.dma_semaphore, #tpu.memory_space<semaphore_mem>>) src(%dma_wait3A_123 : memref<10240x16xf32, #tpu.memory_space<hbm>>) dst(%arg7 : memref<128x16xf32, #tpu.memory_space<vmem>>)
      %run_scoped3A = arith.constant 78 : i32
      %run_scoped3A_124 = arith.constant 1 : i32
      "tpu.region"() ({
        %run_scoped3A_125 = tpu.sem_alloc : memref<!tpu.dma_semaphore, #tpu.memory_space<semaphore_mem>>
        %dma_start3A_126 = arith.constant 0 : i32
        %dma_start3A_127 = tpu.memref_slice %arg6[%run_scoped3A, %run_scoped3A_124, %dma_start3A_126] : memref<79x2x128xi32, #tpu.memory_space<vmem>> -> memref<1x1x128xi32, #tpu.memory_space<vmem>>
        %dma_start3A_128 = tpu.memref_squeeze %dma_start3A_127 : memref<1x1x128xi32, #tpu.memory_space<vmem>> -> memref<128xi32, #tpu.memory_space<vmem>>
        %dma_start3A_129 = arith.constant 0 : i32
        %dma_start3A_130 = arith.constant 0 : i32
        %dma_start3A_131 = tpu.memref_slice %arg13[%dma_start3A_129, %dma_start3A_130] : memref<10240x16xf32, #tpu.memory_space<vmem_shared>> -> memref<10240x16xf32, #tpu.memory_space<vmem_shared>>
        tpu.enqueue_indirect_dma source(%arg7 : memref<128x16xf32, #tpu.memory_space<vmem>>) target(%dma_start3A_131 : memref<10240x16xf32, #tpu.memory_space<vmem_shared>>) offsets(%dma_start3A_128 : memref<128xi32, #tpu.memory_space<vmem>>) semaphore(%run_scoped3A_125 : memref<!tpu.dma_semaphore, #tpu.memory_space<semaphore_mem>>) {add = true}
        %dma_wait3A_132 = arith.constant 0 : i32
        %dma_wait3A_133 = tpu.memref_slice %arg6[%run_scoped3A, %run_scoped3A_124, %dma_wait3A_132] : memref<79x2x128xi32, #tpu.memory_space<vmem>> -> memref<1x1x128xi32, #tpu.memory_space<vmem>>
        %dma_wait3A_134 = tpu.memref_squeeze %dma_wait3A_133 : memref<1x1x128xi32, #tpu.memory_space<vmem>> -> memref<128xi32, #tpu.memory_space<vmem>>
        %dma_wait3A_135 = arith.constant 0 : i32
        %dma_wait3A_136 = arith.constant 0 : i32
        %dma_wait3A_137 = tpu.memref_slice %arg13[%dma_wait3A_135, %dma_wait3A_136] : memref<10240x16xf32, #tpu.memory_space<vmem_shared>> -> memref<10240x16xf32, #tpu.memory_space<vmem_shared>>
        tpu.wait_indirect_dma semaphore(%run_scoped3A_125 : memref<!tpu.dma_semaphore, #tpu.memory_space<semaphore_mem>>) src(%arg7 : memref<128x16xf32, #tpu.memory_space<vmem>>) dst(%dma_wait3A_137 : memref<10240x16xf32, #tpu.memory_space<vmem_shared>>)
        tpu.yield
      }) : () -> ()
    } else {
    }
    %barrier3A_103 = arith.constant 0 : index
    tpu.barrier barrier_id(%barrier3A_103)
    %mul3A_104 = arith.constant 640 : i32
    %mul3A_105 = arith.muli %arg1, %mul3A_104 : i32
    %mul3A_106 = arith.constant 640 : i32
    %mul3A_107 = arith.muli %arg1, %mul3A_106 : i32
    "tpu.region"() ({
      %run_scoped3A = tpu.sem_alloc : memref<!tpu.dma_semaphore, #tpu.memory_space<semaphore_mem>>
      %dma_start3A_108 = arith.constant 0 : i32
      %dma_start3A_109 = tpu.memref_slice %arg5[%arg0, %mul3A_107, %dma_start3A_108] : memref<2x10240x16xf32, #tpu.memory_space<hbm>> -> memref<1x640x16xf32, #tpu.memory_space<hbm>>
      %dma_start3A_110 = tpu.memref_squeeze %dma_start3A_109 : memref<1x640x16xf32, #tpu.memory_space<hbm>> -> memref<640x16xf32, #tpu.memory_space<hbm>>
      %dma_start3A_111 = arith.constant 0 : i32
      %dma_start3A_112 = tpu.memref_slice %arg13[%mul3A_105, %dma_start3A_111] : memref<10240x16xf32, #tpu.memory_space<vmem_shared>> -> memref<640x16xf32, #tpu.memory_space<vmem_shared>>
      tpu.enqueue_dma source(%dma_start3A_112 : memref<640x16xf32, #tpu.memory_space<vmem_shared>>) target(%dma_start3A_110 : memref<640x16xf32, #tpu.memory_space<hbm>>) target_semaphore(%run_scoped3A : memref<!tpu.dma_semaphore, #tpu.memory_space<semaphore_mem>>)
      %dma_wait3A_113 = arith.constant 0 : i32
      %dma_wait3A_114 = tpu.memref_slice %arg5[%arg0, %mul3A_107, %dma_wait3A_113] : memref<2x10240x16xf32, #tpu.memory_space<hbm>> -> memref<1x640x16xf32, #tpu.memory_space<hbm>>
      %dma_wait3A_115 = tpu.memref_squeeze %dma_wait3A_114 : memref<1x640x16xf32, #tpu.memory_space<hbm>> -> memref<640x16xf32, #tpu.memory_space<hbm>>
      %dma_wait3A_116 = arith.constant 0 : i32
      %dma_wait3A_117 = tpu.memref_slice %arg13[%mul3A_105, %dma_wait3A_116] : memref<10240x16xf32, #tpu.memory_space<vmem_shared>> -> memref<640x16xf32, #tpu.memory_space<vmem_shared>>
      tpu.wait_dma2 semaphore(%run_scoped3A : memref<!tpu.dma_semaphore, #tpu.memory_space<semaphore_mem>>) src(%dma_wait3A_117 : memref<640x16xf32, #tpu.memory_space<vmem_shared>>) dst(%dma_wait3A_115 : memref<640x16xf32, #tpu.memory_space<hbm>>)
      tpu.yield
    }) : () -> ()
    return
  }
}

module attributes {stable_mosaic.version = 14 : i64} {
  func.func @_mm_body(%arg0: memref<10000x128xf32, #tpu.memory_space<vmem>>, %arg1: memref<128x16xf32, #tpu.memory_space<vmem>>, %arg2: memref<10240x16xf32, #tpu.memory_space<vmem>>) attributes {dimension_semantics = [], scalar_prefetch = 0 : i64, scratch_operands = 0 : i64, tpu.core_type = #tpu.core_type<tc>} {
    %get3A = arith.constant 0 : index
    %get3A_0 = arith.constant 0 : index
    %get3A_1 = vector.load %arg0[%get3A, %get3A_0] : memref<10000x128xf32, #tpu.memory_space<vmem>>, vector<10000x128xf32>
    %get3A_2 = arith.constant 0 : index
    %get3A_3 = arith.constant 0 : index
    %get3A_4 = vector.load %arg1[%get3A_2, %get3A_3] : memref<128x16xf32, #tpu.memory_space<vmem>>, vector<128x16xf32>
    %dot_general3A = arith.constant dense<0.000000e+00> : vector<10000x16xf32>
    %dot_general3A_5 = tpu.matmul %get3A_1, %get3A_4, %dot_general3A {dimension_numbers = #tpu.dot_dimension_numbers<[1], [0], [0], [1], [0, 0, 1, 1], [], []>, transpose_lhs_hint = false} : vector<10000x128xf32>, vector<128x16xf32>, vector<10000x16xf32> -> vector<10000x16xf32>
    %swap3A = arith.constant 0 : index
    %swap3A_6 = arith.constant 0 : index
    %swap3A_7 = vector.load %arg2[%swap3A, %swap3A_6] : memref<10240x16xf32, #tpu.memory_space<vmem>>, vector<10000x16xf32>
    tpu.vector_store %arg2[%swap3A, %swap3A_6], %dot_general3A_5 {strides = array<i32>} : memref<10240x16xf32, #tpu.memory_space<vmem>>, vector<10000x16xf32>,
    return
  }
}

module attributes {stable_mosaic.version = 14 : i64} {
  func.func @_combine1_body(%arg0: memref<2x1280x128xf32, #tpu.memory_space<vmem>>, %arg1: memref<1280x128xf32, #tpu.memory_space<vmem>>, %arg2: memref<1280x128xf32, #tpu.memory_space<vmem>>, %arg3: memref<1280x128xf32, #tpu.memory_space<vmem>>) attributes {dimension_semantics = [], scalar_prefetch = 0 : i64, scratch_operands = 0 : i64, tpu.core_type = #tpu.core_type<tc>} {
    %get3A = arith.constant 0 : index
    %get3A_0 = arith.constant 0 : index
    %get3A_1 = arith.constant 0 : index
    %get3A_2 = vector.load %arg0[%get3A, %get3A_0, %get3A_1] : memref<2x1280x128xf32, #tpu.memory_space<vmem>>, vector<1x1280x128xf32>
    %get3A_3 = vector.shape_cast %get3A_2 : vector<1x1280x128xf32> to vector<1280x128xf32>
    %get3A_4 = arith.constant 1 : index
    %get3A_5 = arith.constant 0 : index
    %get3A_6 = arith.constant 0 : index
    %get3A_7 = vector.load %arg0[%get3A_4, %get3A_5, %get3A_6] : memref<2x1280x128xf32, #tpu.memory_space<vmem>>, vector<1x1280x128xf32>
    %get3A_8 = vector.shape_cast %get3A_7 : vector<1x1280x128xf32> to vector<1280x128xf32>
    %add3A = arith.addf %get3A_3, %get3A_8 : vector<1280x128xf32>
    %add3A_9 = arith.constant 1.000000e+00 : f32
    %add3A_10 = vector.broadcast %add3A_9 : f32 to vector<1280x128xf32>
    %add3A_11 = arith.addf %add3A, %add3A_10 : vector<1280x128xf32>
    %rsqrt3A = math.rsqrt %add3A_11 : vector<1280x128xf32>
    %get3A_12 = arith.constant 0 : index
    %get3A_13 = arith.constant 0 : index
    %get3A_14 = vector.load %arg1[%get3A_12, %get3A_13] : memref<1280x128xf32, #tpu.memory_space<vmem>>, vector<1280x128xf32>
    %mul3A = arith.mulf %get3A_14, %rsqrt3A : vector<1280x128xf32>
    %swap3A = arith.constant 0 : index
    %swap3A_15 = arith.constant 0 : index
    %swap3A_16 = vector.load %arg2[%swap3A, %swap3A_15] : memref<1280x128xf32, #tpu.memory_space<vmem>>, vector<1280x128xf32>
    tpu.vector_store %arg2[%swap3A, %swap3A_15], %mul3A {strides = array<i32>} : memref<1280x128xf32, #tpu.memory_space<vmem>>, vector<1280x128xf32>,
    %swap3A_17 = arith.constant 0 : index
    %swap3A_18 = arith.constant 0 : index
    %swap3A_19 = vector.load %arg3[%swap3A_17, %swap3A_18] : memref<1280x128xf32, #tpu.memory_space<vmem>>, vector<1280x128xf32>
    tpu.vector_store %arg3[%swap3A_17, %swap3A_18], %rsqrt3A {strides = array<i32>} : memref<1280x128xf32, #tpu.memory_space<vmem>>, vector<1280x128xf32>,
    return
  }
}

module attributes {stable_mosaic.version = 14 : i64} {
  func.func @_combine2_body(%arg0: memref<2x1280x128xf32, #tpu.memory_space<vmem>>, %arg1: memref<1280x128xf32, #tpu.memory_space<vmem>>, %arg2: memref<1280x128xf32, #tpu.memory_space<vmem>>, %arg3: memref<1x128xf32, #tpu.memory_space<vmem>>, %arg4: memref<128x128xf32, #tpu.memory_space<vmem>>, %arg5: memref<1280x128xf32, #tpu.memory_space<vmem>>) attributes {dimension_semantics = [], scalar_prefetch = 0 : i64, scratch_operands = 0 : i64, tpu.core_type = #tpu.core_type<tc>} {
    %get3A = arith.constant 0 : index
    %get3A_0 = arith.constant 0 : index
    %get3A_1 = arith.constant 0 : index
    %get3A_2 = vector.load %arg0[%get3A, %get3A_0, %get3A_1] : memref<2x1280x128xf32, #tpu.memory_space<vmem>>, vector<1x1280x128xf32>
    %get3A_3 = vector.shape_cast %get3A_2 : vector<1x1280x128xf32> to vector<1280x128xf32>
    %get3A_4 = arith.constant 1 : index
    %get3A_5 = arith.constant 0 : index
    %get3A_6 = arith.constant 0 : index
    %get3A_7 = vector.load %arg0[%get3A_4, %get3A_5, %get3A_6] : memref<2x1280x128xf32, #tpu.memory_space<vmem>>, vector<1x1280x128xf32>
    %get3A_8 = vector.shape_cast %get3A_7 : vector<1x1280x128xf32> to vector<1280x128xf32>
    %add3A = arith.addf %get3A_3, %get3A_8 : vector<1280x128xf32>
    %get3A_9 = arith.constant 0 : index
    %get3A_10 = arith.constant 0 : index
    %get3A_11 = vector.load %arg1[%get3A_9, %get3A_10] : memref<1280x128xf32, #tpu.memory_space<vmem>>, vector<1280x128xf32>
    %add3A_12 = arith.addf %add3A, %get3A_11 : vector<1280x128xf32>
    %get3A_13 = arith.constant 0 : index
    %get3A_14 = arith.constant 0 : index
    %get3A_15 = vector.load %arg2[%get3A_13, %get3A_14] : memref<1280x128xf32, #tpu.memory_space<vmem>>, vector<1280x128xf32>
    %mul3A = arith.mulf %add3A_12, %get3A_15 : vector<1280x128xf32>
    %get3A_16 = arith.constant 0 : index
    %get3A_17 = arith.constant 0 : index
    %get3A_18 = vector.load %arg3[%get3A_16, %get3A_17] : memref<1x128xf32, #tpu.memory_space<vmem>>, vector<1x128xf32>
    %add3A_19 = vector.broadcast %get3A_18 : vector<1x128xf32> to vector<1280x128xf32>
    %add3A_20 = arith.addf %mul3A, %add3A_19 : vector<1280x128xf32>
    %max3A = arith.constant 0.000000e+00 : f32
    %max3A_21 = vector.broadcast %max3A : f32 to vector<1280x128xf32>
    %max3A_22 = arith.maximumf %add3A_20, %max3A_21 : vector<1280x128xf32>
    %get3A_23 = arith.constant 0 : index
    %get3A_24 = arith.constant 0 : index
    %get3A_25 = vector.load %arg4[%get3A_23, %get3A_24] : memref<128x128xf32, #tpu.memory_space<vmem>>, vector<128x128xf32>
    %dot_general3A = arith.constant dense<0.000000e+00> : vector<1280x128xf32>
    %dot_general3A_26 = tpu.matmul %max3A_22, %get3A_25, %dot_general3A {dimension_numbers = #tpu.dot_dimension_numbers<[1], [0], [0], [1], [0, 0, 1, 1], [], []>, transpose_lhs_hint = false} : vector<1280x128xf32>, vector<128x128xf32>, vector<1280x128xf32> -> vector<1280x128xf32>
    %get3A_27 = arith.constant 0 : index
    %get3A_28 = arith.constant 0 : index
    %get3A_29 = vector.load %arg2[%get3A_27, %get3A_28] : memref<1280x128xf32, #tpu.memory_space<vmem>>, vector<1280x128xf32>
    %mul3A_30 = arith.mulf %dot_general3A_26, %get3A_29 : vector<1280x128xf32>
    %swap3A = arith.constant 0 : index
    %swap3A_31 = arith.constant 0 : index
    %swap3A_32 = vector.load %arg5[%swap3A, %swap3A_31] : memref<1280x128xf32, #tpu.memory_space<vmem>>, vector<1280x128xf32>
    tpu.vector_store %arg5[%swap3A, %swap3A_31], %mul3A_30 {strides = array<i32>} : memref<1280x128xf32, #tpu.memory_space<vmem>>, vector<1280x128xf32>,
    return
  }
}

module attributes {stable_mosaic.version = 14 : i64} {
  func.func @_hd_body(%arg0: memref<128x128xf32, #tpu.memory_space<vmem>>, %arg1: memref<128x128xf32, #tpu.memory_space<vmem>>, %arg2: memref<128x128xf32, #tpu.memory_space<vmem>>, %arg3: memref<128x128xf32, #tpu.memory_space<vmem>>, %arg4: memref<1x128xf32, #tpu.memory_space<vmem>>, %arg5: memref<128x128xf32, #tpu.memory_space<vmem>>) attributes {dimension_semantics = [], scalar_prefetch = 0 : i64, scratch_operands = 0 : i64, tpu.core_type = #tpu.core_type<tc>} {
    %get3A = arith.constant 0 : index
    %get3A_0 = arith.constant 0 : index
    %get3A_1 = vector.load %arg0[%get3A, %get3A_0] : memref<128x128xf32, #tpu.memory_space<vmem>>, vector<128x128xf32>
    %get3A_2 = arith.constant 0 : index
    %get3A_3 = arith.constant 0 : index
    %get3A_4 = vector.load %arg1[%get3A_2, %get3A_3] : memref<128x128xf32, #tpu.memory_space<vmem>>, vector<128x128xf32>
    %add3A = arith.addf %get3A_1, %get3A_4 : vector<128x128xf32>
    %get3A_5 = arith.constant 0 : index
    %get3A_6 = arith.constant 0 : index
    %get3A_7 = vector.load %arg2[%get3A_5, %get3A_6] : memref<128x128xf32, #tpu.memory_space<vmem>>, vector<128x128xf32>
    %add3A_8 = arith.addf %add3A, %get3A_7 : vector<128x128xf32>
    %get3A_9 = arith.constant 0 : index
    %get3A_10 = arith.constant 0 : index
    %get3A_11 = vector.load %arg3[%get3A_9, %get3A_10] : memref<128x128xf32, #tpu.memory_space<vmem>>, vector<128x128xf32>
    %mul3A = arith.mulf %add3A_8, %get3A_11 : vector<128x128xf32>
    %get3A_12 = arith.constant 0 : index
    %get3A_13 = arith.constant 0 : index
    %get3A_14 = vector.load %arg4[%get3A_12, %get3A_13] : memref<1x128xf32, #tpu.memory_space<vmem>>, vector<1x128xf32>
    %add3A_15 = vector.broadcast %get3A_14 : vector<1x128xf32> to vector<128x128xf32>
    %add3A_16 = arith.addf %mul3A, %add3A_15 : vector<128x128xf32>
    %swap3A = arith.constant 0 : index
    %swap3A_17 = arith.constant 0 : index
    %swap3A_18 = vector.load %arg5[%swap3A, %swap3A_17] : memref<128x128xf32, #tpu.memory_space<vmem>>, vector<128x128xf32>
    tpu.vector_store %arg5[%swap3A, %swap3A_17], %add3A_16 {strides = array<i32>} : memref<128x128xf32, #tpu.memory_space<vmem>>, vector<128x128xf32>,
    return
  }
}

module attributes {stable_mosaic.version = 14 : i64} {
  func.func @_score_body(%arg0: memref<1024x16xf32, #tpu.memory_space<vmem>>, %arg1: memref<16x16xf32, #tpu.memory_space<vmem>>, %arg2: memref<1000x1000xf32, #tpu.memory_space<vmem>>) attributes {dimension_semantics = [], scalar_prefetch = 0 : i64, scratch_operands = 0 : i64, tpu.core_type = #tpu.core_type<tc>} {
    %get3A = arith.constant 0 : index
    %get3A_0 = arith.constant 0 : index
    %get3A_1 = vector.load %arg0[%get3A, %get3A_0] : memref<1024x16xf32, #tpu.memory_space<vmem>>, vector<1000x16xf32>
    %get3A_2 = arith.constant 0 : index
    %get3A_3 = arith.constant 0 : index
    %get3A_4 = vector.load %arg1[%get3A_2, %get3A_3] : memref<16x16xf32, #tpu.memory_space<vmem>>, vector<16x16xf32>
    %dot_general3A = arith.constant dense<0.000000e+00> : vector<1000x16xf32>
    %dot_general3A_5 = tpu.matmul %get3A_1, %get3A_4, %dot_general3A {dimension_numbers = #tpu.dot_dimension_numbers<[1], [0], [0], [1], [0, 0, 1, 1], [], []>, transpose_lhs_hint = false} : vector<1000x16xf32>, vector<16x16xf32>, vector<1000x16xf32> -> vector<1000x16xf32>
    %dot_general3A_6 = arith.constant dense<0.000000e+00> : vector<1000x1000xf32>
    %dot_general3A_7 = tpu.matmul %dot_general3A_5, %get3A_1, %dot_general3A_6 {dimension_numbers = #tpu.dot_dimension_numbers<[1], [1], [0], [0], [0, 0, 1, 0], [], []>, transpose_lhs_hint = false} : vector<1000x16xf32>, vector<1000x16xf32>, vector<1000x1000xf32> -> vector<1000x1000xf32>
    %swap3A = arith.constant 0 : index
    %swap3A_8 = arith.constant 0 : index
    %swap3A_9 = vector.load %arg2[%swap3A, %swap3A_8] : memref<1000x1000xf32, #tpu.memory_space<vmem>>, vector<1000x1000xf32>
    tpu.vector_store %arg2[%swap3A, %swap3A_8], %dot_general3A_7 {strides = array<i32>} : memref<1000x1000xf32, #tpu.memory_space<vmem>>, vector<1000x1000xf32>,
    return
  }
}

</mosaic_0001>

<sc_bundles>
// kernel: kernel.10.cloned.1.call-start
scs
__scs_entry_jumppad:
0x0: {  	(pc) =	sbr.rel $0x88, $3  }
0x1: {  	(tag) =	ssettag $0x0;
	lr =	simm.s32 $0x1  }
0x2: {  	[smem:$0x3F99] =	sst lr;
	_ =	strace $0xD0000000  }
0x3: {  	_ = 	snop  }
0x4: {  	_ = 	snop  }
0x5: {  	_ = 	snop  }
0x6: {  	_ = 	snop  }
0x7: {  	_ = 	snop  }
__scs_overlays_trampoline_lowered:
0x8: {  	[smem:$0x3FA8] =	sst s0  }
0x9: {  	[smem:$0x3FA9] =	sst s1  }
0xa: {  	[smem:$0x3FAA] =	sst s2  }
0xb: {  	[smem:$0x3FAB] =	sst s3  }
0xc: {  	[smem:$0x3FAC] =	sst s4  }
0xd: {  	[smem:$0x3FAD] =	sst s5  }
0xe: {  	[smem:$0x3FAE] =	sst s6  }
0xf: {  	[smem:$0x3FAF] =	sst s7  }
0x10: {  	[smem:$0x3FB0] =	sst s8  }
0x11: {  	[smem:$0x3FB1] =	sst s9;
	s0 =	simm.s32 @!p0 $0x0  }
0x12: {  	s1 =	sld [smem:$0x3F97];
	s0 =	simm.s32 @p0 $0x1  }
0x13: {  	[smem:$0x3FB2] =	sst s0;
	s0 =	simm.s32 @!p1 $0x0  }
0x14: {  	s2 =	sld [smem:$0x3F96];
	s0 =	simm.s32 @p1 $0x1  }
0x15: {  	[smem:$0x3FB3] =	sst s0;
	s0 =	simm.s32 @!p2 $0x0  }
0x16: {  	s3 =	sld [smem:$0x3FDB];
	s0 =	simm.s32 @p2 $0x1  }
0x17: {  	s4 =	simm.s32 $0x1BF5;
	[smem:$0x3FB5] =	sst s0  }
0x18: {  	s0 =	sld [smem:$0x3F98];
	_ =	swait.ge [sflag:s4], $0x0  }
0x19: {  	s7 =	sld [smem:$0x3F99]  }
0x1a: {  	s8 =	sadd.s32 $0xFFFFE003, lr  }
0x1b: {  	s9 =	sadd.s32 $0xFFFFFEF7, lr;
	s5 =	simm.s32 $0xFFFFFFFF;
	p2 =	slt.u32 s8, $0xFFFFF086  }
0x1c: {  	p1 =	slt.u32 s9, $0xF7A;
	s5 =	simm.s32 @!p2 $0x0  }
0x1d: {  	s5 =	simm.s32 @p1 $0x1;
	p0 =	seq.s32 s7, s2  }
0x1e: {  	s7 =	smul.u32 @!p0 $0xF7A, s2;
	p2 =	seq.s32 @!p0 s5, $0x0  }
0x1f: {  	s9 =	smul.u32 $0xF7A, s1;
	s8 =	simm.s32 @!p0 $0x1BF5;
	p2 =	por !p2, p0  }
0x20: {  	[sflag:s8] =	ssyncset.s32 @!p0 $0xFFFFF086;
	s6 =	sadd.s32 @!p0 s3, s7;
	s7 =	simm.s32 @!p0 $0x108  }
0x21: {  	s3 =	sadd.s32 s3, s9;
	s6 =	sadd.s32 @!p0 $0x88, s6;
	s7 =	simm.s32 @p2 $0x1082  }
0x22: {  	[simem:s7], [sflag:s8] =	dma.local @!p0 [hbm:s6], $0xF7A  }
0x23: {  	s9 =	sor.u32 $0xD0000000, s2;
	s6 =	simm.s32 $0x108;
	_ =	swait.ge @!p0 [sflag:s8], $0x0  }
0x24: {  	s3 =	sadd.s32 $0x88, s3;
	s6 =	simm.s32 @!p1 $0x1082;
	[sflag:s4] =	ssyncset.s32 $0xFFFFF086  }
0x25: {  	[simem:s6], [sflag:s4] =	dma.local [hbm:s3], $0xF7A  }
0x26: {  	[smem:$0x3F99] =	sst s1;
	(tag) =	ssettag s2;
	_ =	strace s9  }
0x27: {  	s1 =	sld [smem:$0x3FA9]  }
0x28: {  	s2 =	sld [smem:$0x3FAA]  }
0x29: {  	s4 =	sld [smem:$0x3FAC]  }
0x2a: {  	p0 =	seq.s32 s5, $0x0;
	s5 =	sld [smem:$0x3FAD]  }
0x2b: {  	s6 =	sld [smem:$0x3FAE]  }
0x2c: {  	s7 =	sld [smem:$0x3FAF]  }
0x2d: {  	s3 =	simm.s32 $0x108;
	s8 =	sld [smem:$0x3FB0]  }
0x2e: {  	s3 =	simm.s32 @!p0 $0x1082;
	s9 =	sld [smem:$0x3FB1]  }
0x2f: {  	lr =	sadd.s32 s0, s3;
	s0 =	sld [smem:$0x3FA8]  }
0x30: {  	s3 =	sld [smem:$0x3FAB]  }
0x31: {  	[smem:$0x3FB4] =	sst s10  }
0x32: {  	s10 =	sld [smem:$0x3FB2];
	_ =	sdelay $0x3  }
0x33: {  	p0 =	seq.s32 s10, $0x1;
	s10 =	sld [smem:$0x3FB4];
	_ =	sdelay $0x3  }
0x34: {  	[smem:$0x3FB4] =	sst s10  }
0x35: {  	s10 =	sld [smem:$0x3FB3];
	_ =	sdelay $0x3  }
0x36: {  	p1 =	seq.s32 s10, $0x1;
	s10 =	sld [smem:$0x3FB4];
	_ =	sdelay $0x3  }
0x37: {  	[smem:$0x3FB4] =	sst s10  }
0x38: {  	s10 =	sld [smem:$0x3FB5]  }
0x39: {  	_ = 	snop;
	(pc) =	sbr.ind lr, $3  }
0x3a: {  	_ = 	snop  }
0x3b: {  	_ = 	snop  }
0x3c: {  	p2 =	seq.s32 s10, $0x1;
	s10 =	sld [smem:$0x3FB4]  }
0x3d: {  	_ =	shalt  }
0x3e: {  	_ =	shalt  }
0x3f: {  	_ =	shalt  }
0x40: {  	_ =	shalt  }
0x41: {  	_ =	shalt  }
0x42: {  	_ =	shalt  }
0x43: {  	_ =	shalt  }
0x44: {  	_ =	shalt  }
0x45: {  	_ =	shalt  }
0x46: {  	_ =	shalt  }
0x47: {  	_ =	shalt  }
0x48: {  	_ =	shalt  }
0x49: {  	_ =	shalt  }
0x4a: {  	_ =	shalt  }
0x4b: {  	_ =	shalt  }
0x4c: {  	_ =	shalt  }
0x4d: {  	_ =	shalt  }
0x4e: {  	_ =	shalt  }
0x4f: {  	_ =	shalt  }
0x50: {  	_ =	shalt  }
0x51: {  	_ =	shalt  }
0x52: {  	_ =	shalt  }
0x53: {  	_ =	shalt  }
0x54: {  	_ =	shalt  }
0x55: {  	_ =	shalt  }
0x56: {  	_ =	shalt  }
0x57: {  	_ =	shalt  }
0x58: {  	_ =	shalt  }
0x59: {  	_ =	shalt  }
0x5a: {  	_ =	shalt  }
0x5b: {  	_ =	shalt  }
0x5c: {  	_ =	shalt  }
0x5d: {  	_ =	shalt  }
0x5e: {  	_ =	shalt  }
0x5f: {  	_ =	shalt  }
0x60: {  	_ =	shalt  }
0x61: {  	_ =	shalt  }
0x62: {  	_ =	shalt  }
0x63: {  	_ =	shalt  }
0x64: {  	_ =	shalt  }
0x65: {  	_ =	shalt  }
0x66: {  	_ =	shalt  }
0x67: {  	_ =	shalt  }
0x68: {  	_ =	shalt  }
0x69: {  	_ =	shalt  }
0x6a: {  	_ =	shalt  }
0x6b: {  	_ =	shalt  }
0x6c: {  	_ =	shalt  }
0x6d: {  	_ =	shalt  }
0x6e: {  	_ =	shalt  }
0x6f: {  	_ =	shalt  }
0x70: {  	_ =	shalt  }
0x71: {  	_ =	shalt  }
0x72: {  	_ =	shalt  }
0x73: {  	_ =	shalt  }
0x74: {  	_ =	shalt  }
0x75: {  	_ =	shalt  }
0x76: {  	_ =	shalt  }
0x77: {  	_ =	shalt  }
0x78: {  	_ =	shalt  }
0x79: {  	_ =	shalt  }
0x7a: {  	_ =	shalt  }
0x7b: {  	_ =	shalt  }
0x7c: {  	_ =	shalt  }
0x7d: {  	_ =	shalt  }
0x7e: {  	_ =	shalt  }
0x7f: {  	_ =	shalt  }
0x80: {  	_ =	shalt  }
0x81: {  	_ =	shalt  }
0x82: {  	_ =	shalt  }
0x83: {  	_ =	shalt  }
0x84: {  	_ =	shalt  }
0x85: {  	_ =	shalt  }
0x86: {  	_ =	shalt  }
0x87: {  	_ =	shalt  }
.Lfunc_end0:
.L_simem_size_0:
called_computation_lowered:
.L_overlay_start_0:
0x88: {  	s2 =	sld [smem:$0x3FD9]  }
0x89: {  	s3 =	sld [smem:$0x3FFE];
	_ =	sdelay $0x1  }
0x8a: {  	s1 =	srdreg.scid  }
0x8b: {  	s0 =	sand.u32 $0x1, s1  }
0x8c: {  	s17 =	sshll.u32 s0, $0xA;
	s2 =	sadd.s32 s3, s2  }
0x8d: {  	s2 =	sadd.s32 s2, s17  }
0x8e: {  	[smem:$0x3FC0] =	sst s2  }
0x8f: {  	_ = 	snop  }
0x90: {  	s2 =	sld [smem:$0x3FC8]  }
0x91: {  	s18 =	sld [smem:$0x3FD0];
	(tm) =	ssettm $0x1  }
0x92: {  	s4 =	sld [smem:$0x3FFB];
	_ =	sdelay $0x3  }
0x93: {  	_ =	strace s4  }
0x94: {  	s4 =	sld [smem:$0x3FFC];
	_ =	sdelay $0x3  }
0x95: {  	_ =	strace s4  }
0x96: {  	s4 =	sld [smem:$0x3FFD];
	_ =	sdelay $0x3  }
0x97: {  	_ =	strace s4  }
0x98: {  	_ =	strace $0x8FFFFFFF  }
0x99: {  	s19 =	sld [smem:$0x3FDB];
	_ =	sdelay $0x1  }
0x9a: {  	s5 =	simm.s32 $_scs_section_size  }
0x9b: {  	s6 =	simm.s32 $_size__tile_overlayer_lowered;
	s7 =	simm.s32 $_tile_overlayer_lowered  }
0x9c: {  	s22 =	simm.s32 $0x1BFF;
	s21 =	sshll.u32 s7, $0x1;
	s4 =	sadd.s32 s5, s19  }
0x9d: {  	s8 =	simm.s32 $0x0;
	s20 =	sshll.u32 s6, $0x1;
	s6 =	sadd.s32 s21, s4  }
0x9e: {  	[timem:s8], [sflag:s22] =	dma.local [hbm:s6], s20  }
0x9f: {  	_ =	swait.ge [sflag:s22], s20  }
0xa0: {  	s5 =	ssub.s32 $0x0, s20;
	[sflag:s22] =	ssyncset.done $0x0  }
0xa1: {  	[sflag:s22] =	ssyncadd.s32 s5;
	_ =	sdelay $0x1  }
0xa2: {  	s23 =	simm.s32 $0x1B8B  }
0xa3: {  	_ =	swait.ge [sflag:s23], $0x1  }
0xa4: {  	[sflag:s23] =	ssyncset.done $0x0  }
0xa5: {  	s25 =	simm.s32 $0x1B8E;
	s24 =	sld [smem:$0x3FFE];
	[sflag:s23] =	ssyncadd.s32 $0xFFFFFFFF  }
0xa6: {  	s26 =	simm.s32 $execute0_lowered;
	[smem:$0x3FD2] =	sst s25  }
0xa7: {  	s6 =	sshll.u32 s26, $0x1;
	_ =	strace $0x80000046;
	[dreg:$0x1] =	wrdreg $0xFFFFFFFF  }
0xa8: {  	s28 =	simm.s32 $_size_execute0_lowered;
	s4 =	sadd.s32 s4, s6;
	[dreg:$0x0] =	wrdreg $0x0  }
0xa9: {  	s6 =	sshll.u32 s28, $0x1;
	[dreg:$0x2] =	wrdreg s4  }
0xaa: {  	[dreg:$0x3] =	wrdreg s6  }
0xab: {  	[dreg:$0x4] =	wrdreg $0xC0  }
0xac: {  	_ =	task [dreg:s8], $0x5FFFF  }
0xad: {  	[dreg:$0x1] =	wrdreg $0xFFFFFFFF  }
0xae: {  	[dreg:$0x0] =	wrdreg $0x60  }
0xaf: {  	[dreg:$0x2] =	wrdreg s2  }
0xb0: {  	[dreg:$0x3] =	wrdreg s24  }
0xb1: {  	[dreg:$0x4] =	wrdreg s18  }
0xb2: {  	[dreg:$0x5] =	wrdreg $0x57000  }
0xb3: {  	[dreg:$0x6] =	wrdreg $0x9  }
0xb4: {  	_ =	task.clear_ibuf [dreg:s8], $0x7FFFF;
	_ =	strace $0x90000046  }
0xb5: {  	s29 =	simm.s32 $0x9;
	_ =	strace $0x80000048  }
0xb6: {  	_ =	swait.ge [sflag:s29], $0x1  }
0xb7: {  	[sflag:s29] =	ssyncadd.s32 $0xFFFFFFFF  }
0xb8: {  	_ =	strace $0x90000048  }
0xb9: {  	_ =	sfence  }
0xba: {  	s30 =	sld [smem:$0x0];
	_ =	sdelay $0x2  }
0xbb: {  	s31 =	sshll.u32 s1, $0xD;
	s1 =	sshrl.u32 s1, $0x2  }
0xbc: {  	s3 =	sand.u32 $0x4000, s31;
	s1 =	sadd.s32 s1, s30  }
0xbd: {  	s0 =	sor.u32 s3, s0;
	s1 =	sshll.u32 s1, $0x11  }
0xbe: {  	s0 =	sor.u32 s1, s0  }
0xbf: {  	s0 =	sadd.s32 $0x8F2B, s0  }
0xc0: {  	[sflag:s0] =	ssyncadd.remote.s32 $0x1  }
0xc1: {  	_ =	sfence.sel $0xFFFF  }
0xc2: {  	[dreg:$0x0] =	wrdreg $0xFFFFFFFF;
	(pc) =	sbr.abs _section_cstart, $3  }
0xc3: {  	[dreg:$0x1] =	wrdreg $0xFFFFFFFF  }
0xc4: {  	_ =	task.clear_ibuf [dreg:s8], $0x2FFFF;
	_ =	strace $0x9FFFFFFF  }
0xc5: {  	(tm) =	ssettm $0x7FFFFFFF  }
tec
execute0_lowered:
.L_overlay_start_1:
0x0: {  	(tag) =	ssettag $0x1  }
0x1: {  	s5 =	rddreg [dreg:$0x0]  }
0x2: {  	s4 =	rddreg [dreg:$0x1]  }
0x3: {  	s0 =	stileid.u32;
	s8 =	rddreg [dreg:$0x2]  }
0x4: {  	s1 =	srdreg.scid;
	s2 =	rddreg [dreg:$0x3];
	s3 =	simm.s32 $0x0  }
0x5: {  	s14 =	simm.s32 $0x80;
	s15 =	simm.s32 $0x180;
	s16 =	simm.s32 $0x280  }
0x6: {  	s17 =	simm.s32 $0x380;
	s18 =	simm.s32 $0x480;
	s19 =	simm.s32 $0x580  }
0x7: {  	s20 =	simm.s32 $0x1;
	s21 =	simm.s32 $0x2;
	s22 =	simm.s32 $0x3  }
0x8: {  	s23 =	simm.s32 $0x4;
	s24 =	simm.s32 $0x5;
	s6 =	sand.u32 $0x1, s1  }
0x9: {  	s25 =	sshll.u32 s0, $0x1;
	s7 =	smul.u32 $0x2800, s0;
	s1 =	rddreg [dreg:$0x4]  }
0xa: {  	[smem:$0x7FF] =	sst s3;
	p0 =	sgt.u32 s0, $0x1;
	s31 =	sshll.u32 s0, $0x6  }
0xb: {  	s9 =	sor.u32 s6, s25;
	_ =	strace $0x80000047;
	s12 =	smul.u32 $0x28000, s6  }
0xc: {  	s26 =	ssub.s32 $0x2, s6;
	s25 =	simm.s32 $0x6;
	s10 =	smul.u32 $0x4E, s9  }
0xd: {  	s11 =	sshrl.u32 s7, $0x3;
	s9 =	smin.u32 s9, $0x4;
	s28 =	sshrl.u32 s26, $0x1  }
0xe: {  	s13 =	sadd.s32 s7, s2;
	s11 =	sadd.s32 s11, s4;
	s4 =	sadd.s32 $0x7E00, s4  }
0xf: {  	s29 =	ssub.s32 s26, s28;
	s30 =	sadd.s32 s7, s12;
	s12 =	sor.u32 $0x1C07, s31  }
0x10: {  	s13 =	sshrl.u32 s13, $0x3;
	s26 =	simm.s32 $0x0;
	s9 =	sadd.s32 s9, s10  }
0x11: {  	s7 =	sadd.s32 $0x2E00, s11;
	s10 =	sshrl.u32 s30, $0x3;
	s9 =	sshll.u32 s9, $0x5  }
0x12: {  	s11 =	simm.s32 $0x4F00;
	s8 =	sadd.s32 s8, s10;
	s5 =	sadd.s32 s5, s9  }
0x13: {  	s10 =	simm.s32 $0x7;
	s9 =	smax.u32 s29, $0x1;
	s6 =	sadd.s32 $0x9C0, s5  }
.LBB2_1:
0x14: {  	[tilespmem:s3], [sflag:$0x7] =	stream.linear.gather [hbm4b:s5+s3], $0x4E00, $0x38;
	[tilespmem:$0x7F00] =	vst v63  }
0x15: {  	_ =	swait.ge [sflag:s10], $0x4E00  }
0x16: {  	[sflag:s10] =	ssyncset.done $0x0  }
0x17: {  	s28 =	simm.s32 @!p0 $0x0;
	s29 =	simm.s32 @!p0 $0x4E00;
	[sflag:s10] =	ssyncadd.s32 $0xFFFFB200  }
0x18: {  	[tilespmem:s29], [sflag:$0x7] =	stream.linear.gather @!p0 [hbm4b:s6+s28], $0x100, $0x38;
	[tilespmem:$0x7F00] =	vst v63  }
0x19: {  	s28 =	simm.s32 @!p0 $0x7  }
0x1a: {  	_ =	swait.ge @!p0 [sflag:s28], $0x100  }
0x1b: {  	[sflag:s28] =	ssyncset.done @!p0 $0x0  }
0x1c: {  	[sflag:s28] =	ssyncadd.s32 @!p0 $0xFFFFFF00  }
0x1d: {  	[tilespmem:s11], [sflag:$0x7] =	stream.linear.gather [hbm4b:s4+s3], $0x800, $0x38;
	[tilespmem:$0x7F00] =	vst v63  }
0x1e: {  	_ =	swait.ge [sflag:s10], $0x800  }
0x1f: {  	[sflag:s10] =	ssyncset.done $0x0  }
0x20: {  	[sflag:s10] =	ssyncadd.s32 $0xFFFFF800  }
0x21: {  	[spmem:s13], [sflag:s12] =	dma.local [hbm:s7], $0x500  }
0x22: {  	_ =	swait.ge [sflag:s10], $0x500  }
0x23: {  	[sflag:s10] =	ssyncset.done $0x0  }
0x24: {  	[sflag:s10] =	ssyncadd.s32 $0xFFFFFB00  }
0x25: {  	[bflag:$0x0] =	sbarrier.arrive $0xFFFF  }
0x26: {  	[spmem:s2] =	stream.indirect.scatter.add.f32 [tilespmem:s11], [sflag:$0x1], $0x10, s14, s14, $0xb8;
	[tilespmem:$0x7F00] =	vst v63  }
0x27: {  	_ = 	snop  }
0x28: {  	[spmem:s2] =	stream.indirect.scatter.add.f32 [tilespmem:s11], [sflag:$0x2], $0x10, s15, s14, $0xb8;
	[tilespmem:$0x7F00] =	vst v63  }
0x29: {  	_ = 	snop  }
0x2a: {  	[spmem:s2] =	stream.indirect.scatter.add.f32 [tilespmem:s11], [sflag:$0x3], $0x10, s16, s14, $0xb8;
	[tilespmem:$0x7F00] =	vst v63  }
0x2b: {  	_ = 	snop  }
0x2c: {  	[spmem:s2] =	stream.indirect.scatter.add.f32 [tilespmem:s11], [sflag:$0x4], $0x10, s17, s14, $0xb8;
	[tilespmem:$0x7F00] =	vst v63  }
0x2d: {  	_ = 	snop  }
0x2e: {  	[spmem:s2] =	stream.indirect.scatter.add.f32 [tilespmem:s11], [sflag:$0x5], $0x10, s18, s14, $0xb8;
	[tilespmem:$0x7F00] =	vst v63  }
0x2f: {  	_ = 	snop  }
0x30: {  	[spmem:s2] =	stream.indirect.scatter.add.f32 [tilespmem:s11], [sflag:$0x6], $0x10, s19, s14, $0xb8;
	[tilespmem:$0x7F00] =	vst v63  }
0x31: {  	_ =	swait.ge [sflag:s20], $0x800  }
0x32: {  	[sflag:s20] =	ssyncset.done $0x0  }
0x33: {  	s28 =	simm.s32 $0x680;
	[sflag:s20] =	ssyncadd.s32 $0xFFFFF800  }
0x34: {  	[spmem:s2] =	stream.indirect.scatter.add.f32 [tilespmem:s11], [sflag:$0x1], $0x10, s28, s14, $0xb8;
	[tilespmem:$0x7F00] =	vst v63  }
0x35: {  	_ =	swait.ge [sflag:s21], $0x800  }
0x36: {  	[sflag:s21] =	ssyncset.done $0x0  }
0x37: {  	s28 =	simm.s32 $0x780;
	[sflag:s21] =	ssyncadd.s32 $0xFFFFF800  }
0x38: {  	[spmem:s2] =	stream.indirect.scatter.add.f32 [tilespmem:s11], [sflag:$0x2], $0x10, s28, s14, $0xb8;
	[tilespmem:$0x7F00] =	vst v63  }
0x39: {  	_ =	swait.ge [sflag:s22], $0x800  }
0x3a: {  	[sflag:s22] =	ssyncset.done $0x0  }
0x3b: {  	s28 =	simm.s32 $0x880;
	[sflag:s22] =	ssyncadd.s32 $0xFFFFF800  }
0x3c: {  	[spmem:s2] =	stream.indirect.scatter.add.f32 [tilespmem:s11], [sflag:$0x3], $0x10, s28, s14, $0xb8;
	[tilespmem:$0x7F00] =	vst v63  }
0x3d: {  	_ =	swait.ge [sflag:s23], $0x800  }
0x3e: {  	[sflag:s23] =	ssyncset.done $0x0  }
0x3f: {  	s28 =	simm.s32 $0x980;
	[sflag:s23] =	ssyncadd.s32 $0xFFFFF800  }
0x40: {  	[spmem:s2] =	stream.indirect.scatter.add.f32 [tilespmem:s11], [sflag:$0x4], $0x10, s28, s14, $0xb8;
	[tilespmem:$0x7F00] =	vst v63  }
0x41: {  	_ =	swait.ge [sflag:s24], $0x800  }
0x42: {  	[sflag:s24] =	ssyncset.done $0x0  }
0x43: {  	s28 =	simm.s32 $0xA80;
	[sflag:s24] =	ssyncadd.s32 $0xFFFFF800  }
0x44: {  	[spmem:s2] =	stream.indirect.scatter.add.f32 [tilespmem:s11], [sflag:$0x5], $0x10, s28, s14, $0xb8;
	[tilespmem:$0x7F00] =	vst v63  }
0x45: {  	_ =	swait.ge [sflag:s25], $0x800  }
0x46: {  	[sflag:s25] =	ssyncset.done $0x0  }
0x47: {  	s29 =	simm.s32 $0xB80;
	s28 =	simm.s32 $0x1800;
	[sflag:s25] =	ssyncadd.s32 $0xFFFFF800  }
.LBB2_2:
0x48: {  	[spmem:s2] =	stream.indirect.scatter.add.f32 [tilespmem:s11], [sflag:$0x6], $0x10, s29, s14, $0xb8;
	[tilespmem:$0x7F00] =	vst v63  }
0x49: {  	s29 =	smov.u32 s28  }
0x4a: {  	p1 =	sne.s32 s28, $0x10800;
	s28 =	sadd.s32 $0x1800, s28;
	_ =	swait.ge [sflag:s20], $0x800  }
0x4b: {  	s29 =	sshra.s32 s29, $0x2;
	[sflag:s20] =	ssyncset.done $0x0  }
0x4c: {  	s30 =	sadd.s32 $0x680, s29;
	[sflag:s20] =	ssyncadd.s32 $0xFFFFF800  }
0x4d: {  	[spmem:s2] =	stream.indirect.scatter.add.f32 [tilespmem:s11], [sflag:$0x1], $0x10, s30, s14, $0xb8;
	[tilespmem:$0x7F00] =	vst v63  }
0x4e: {  	_ =	swait.ge [sflag:s21], $0x800  }
0x4f: {  	[sflag:s21] =	ssyncset.done $0x0  }
0x50: {  	s30 =	sadd.s32 $0x780, s29;
	[sflag:s21] =	ssyncadd.s32 $0xFFFFF800  }
0x51: {  	[spmem:s2] =	stream.indirect.scatter.add.f32 [tilespmem:s11], [sflag:$0x2], $0x10, s30, s14, $0xb8;
	[tilespmem:$0x7F00] =	vst v63  }
0x52: {  	_ =	swait.ge [sflag:s22], $0x800  }
0x53: {  	[sflag:s22] =	ssyncset.done $0x0  }
0x54: {  	s30 =	sadd.s32 $0x880, s29;
	[sflag:s22] =	ssyncadd.s32 $0xFFFFF800  }
0x55: {  	[spmem:s2] =	stream.indirect.scatter.add.f32 [tilespmem:s11], [sflag:$0x3], $0x10, s30, s14, $0xb8;
	[tilespmem:$0x7F00] =	vst v63  }
0x56: {  	_ =	swait.ge [sflag:s23], $0x800  }
0x57: {  	[sflag:s23] =	ssyncset.done $0x0  }
0x58: {  	s30 =	sadd.s32 $0x980, s29;
	[sflag:s23] =	ssyncadd.s32 $0xFFFFF800  }
0x59: {  	[spmem:s2] =	stream.indirect.scatter.add.f32 [tilespmem:s11], [sflag:$0x4], $0x10, s30, s14, $0xb8;
	[tilespmem:$0x7F00] =	vst v63  }
0x5a: {  	_ =	swait.ge [sflag:s24], $0x800  }
0x5b: {  	[sflag:s24] =	ssyncset.done $0x0  }
.Ltmp0:
0x5c: {  	s30 =	sadd.s32 $0xA80, s29;
	[sflag:s24] =	ssyncadd.s32 $0xFFFFF800;
	(pc) =	sbr.rel @p1 .LBB2_2-.Ltmp0, $4  }
0x5d: {  	[spmem:s2] =	stream.indirect.scatter.add.f32 [tilespmem:s11], [sflag:$0x5], $0x10, s30, s14, $0xb8;
	[tilespmem:$0x7F00] =	vst v63  }
0x5e: {  	_ =	swait.ge [sflag:s25], $0x800  }
0x5f: {  	[sflag:s25] =	ssyncset.done $0x0  }
0x60: {  	s29 =	sadd.s32 $0xB80, s29;
	[sflag:s25] =	ssyncadd.s32 $0xFFFFF800  }
0x61: {  	[spmem:s2] =	stream.indirect.scatter.add.f32 [tilespmem:s11], [sflag:$0x6], $0x10, s29, s14, $0xb8;
	[tilespmem:$0x7F00] =	vst v63  }
0x62: {  	_ =	swait.ge [sflag:s20], $0x800  }
0x63: {  	[sflag:s20] =	ssyncset.done $0x0  }
0x64: {  	[sflag:s20] =	ssyncadd.s32 $0xFFFFF800  }
0x65: {  	_ =	swait.ge [sflag:s21], $0x800  }
0x66: {  	[sflag:s21] =	ssyncset.done $0x0  }
0x67: {  	[sflag:s21] =	ssyncadd.s32 $0xFFFFF800  }
0x68: {  	_ =	swait.ge [sflag:s22], $0x800  }
0x69: {  	[sflag:s22] =	ssyncset.done $0x0  }
0x6a: {  	[sflag:s22] =	ssyncadd.s32 $0xFFFFF800  }
0x6b: {  	_ =	swait.ge [sflag:s23], $0x800  }
0x6c: {  	[sflag:s23] =	ssyncset.done $0x0  }
0x6d: {  	[sflag:s23] =	ssyncadd.s32 $0xFFFFF800  }
0x6e: {  	_ =	swait.ge [sflag:s24], $0x800  }
0x6f: {  	[sflag:s24] =	ssyncset.done $0x0  }
0x70: {  	[sflag:s24] =	ssyncadd.s32 $0xFFFFF800  }
0x71: {  	_ =	swait.ge [sflag:s25], $0x800  }
0x72: {  	s28 =	simm.s32 @!p0 $0x80;
	[sflag:s25] =	ssyncset.done $0x0  }
0x73: {  	s29 =	simm.s32 @!p0 $0x4E80;
	s30 =	simm.s32 @!p0 $0x4F00;
	[sflag:s25] =	ssyncadd.s32 $0xFFFFF800  }
0x74: {  	[spmem:s2] =	stream.indirect.scatter.add.f32 @!p0 [tilespmem:s30], [sflag:$0x7], $0x10, s29, s28, $0xb8;
	[tilespmem:$0x7F00] =	vst v63  }
0x75: {  	s28 =	simm.s32 @!p0 $0x7  }
0x76: {  	_ =	swait.ge @!p0 [sflag:s28], $0x800  }
0x77: {  	s26 =	sadd.s32 $0x1, s26;
	[sflag:s28] =	ssyncset.done @!p0 $0x0  }
0x78: {  	p1 =	sne.s32 s26, s9;
	[sflag:s28] =	ssyncadd.s32 @!p0 $0xFFFFF800  }
.Ltmp1:
0x79: {  	[bflag:$0x0] =	sbarrier.arrive $0xFFFF;
	(pc) =	sbr.rel @p1 .LBB2_1-.Ltmp1, $4  }
0x7a: {  	[hbm:s8], [sflag:s12] =	dma.local [spmem:s13], $0x500  }
0x7b: {  	_ =	swait.ge [sflag:s10], $0x500  }
0x7c: {  	[sflag:s10] =	ssyncset.done $0x0  }
0x7d: {  	[sflag:s10] =	ssyncadd.s32 $0xFFFFFB00  }
0x7e: {  	_ =	sfence.sel $0x180000  }
0x7f: {  	[bflag:$0x0] =	sbarrier.arrive $0xFFFF  }
0x80: {  	p0 =	sne.s32 s0, $0x0;
	_ =	strace $0x90000047  }
0x81: {  	s0 =	sadd.s32 @!p0 $0x100000, s1;
	[bflag:$0x2] =	sbarrier.arrive $0xFFFF  }
0x82: {  	[sflag:s0] =	ssyncadd.tile.s32 @!p0 $0x1;
	_ =	shalt  }
.Lfunc_end2:
_tile_overlayer_lowered:
.L_overlay_start_2:
0x83: {  	(tag) =	ssettag $0x2  }
0x84: {  	s0 =	rddreg [dreg:$0x0];
	s2 =	stileid.u32  }
0x85: {  	s1 =	rddreg [dreg:$0x1];
	p0 =	sne.s32 s2, $0x0  }
0x86: {  	s3 =	rddreg [dreg:$0x2];
	[bflag:$0x3] =	sbarrier.arrive $0xFFFF;
	s2 =	simm.s32 @!p0 $0x1C07  }
0x87: {  	[timem:s3], [sflag:s2] =	dma.local @!p0 [hbm:s0], s1  }
0x88: {  	s0 =	simm.s32 @!p0 $0x7  }
0x89: {  	_ =	swait.ge @!p0 [sflag:s0], s1  }
0x8a: {  	s1 =	ssub.s32 @!p0 $0x0, s1;
	[sflag:s0] =	ssyncset.done @!p0 $0x0  }
0x8b: {  	[sflag:s0] =	ssyncadd.s32 @!p0 s1  }
0x8c: {  	[bflag:$0x3] =	sbarrier.arrive $0xFFFF  }
0x8d: {  	_ =	shalt  }

// kernel: kernel.13.cloned.1.call-start
scs
__scs_entry_jumppad:
0x0: {  	(pc) =	sbr.rel $0x88, $3  }
0x1: {  	(tag) =	ssettag $0x0;
	lr =	simm.s32 $0x1  }
0x2: {  	[smem:$0x3F99] =	sst lr;
	_ =	strace $0xD0000000  }
0x3: {  	_ = 	snop  }
0x4: {  	_ = 	snop  }
0x5: {  	_ = 	snop  }
0x6: {  	_ = 	snop  }
0x7: {  	_ = 	snop  }
__scs_overlays_trampoline_lowered:
0x8: {  	[smem:$0x3FA8] =	sst s0  }
0x9: {  	[smem:$0x3FA9] =	sst s1  }
0xa: {  	[smem:$0x3FAA] =	sst s2  }
0xb: {  	[smem:$0x3FAB] =	sst s3  }
0xc: {  	[smem:$0x3FAC] =	sst s4  }
0xd: {  	[smem:$0x3FAD] =	sst s5  }
0xe: {  	[smem:$0x3FAE] =	sst s6  }
0xf: {  	[smem:$0x3FAF] =	sst s7  }
0x10: {  	[smem:$0x3FB0] =	sst s8  }
0x11: {  	[smem:$0x3FB1] =	sst s9;
	s0 =	simm.s32 @!p0 $0x0  }
0x12: {  	s1 =	sld [smem:$0x3F97];
	s0 =	simm.s32 @p0 $0x1  }
0x13: {  	[smem:$0x3FB2] =	sst s0;
	s0 =	simm.s32 @!p1 $0x0  }
0x14: {  	s2 =	sld [smem:$0x3F96];
	s0 =	simm.s32 @p1 $0x1  }
0x15: {  	[smem:$0x3FB3] =	sst s0;
	s0 =	simm.s32 @!p2 $0x0  }
0x16: {  	s3 =	sld [smem:$0x3FDB];
	s0 =	simm.s32 @p2 $0x1  }
0x17: {  	s4 =	simm.s32 $0x1BF5;
	[smem:$0x3FB5] =	sst s0  }
0x18: {  	s0 =	sld [smem:$0x3F98];
	_ =	swait.ge [sflag:s4], $0x0  }
0x19: {  	s7 =	sld [smem:$0x3F99]  }
0x1a: {  	s8 =	sadd.s32 $0xFFFFE003, lr  }
0x1b: {  	s9 =	sadd.s32 $0xFFFFFEF7, lr;
	s5 =	simm.s32 $0xFFFFFFFF;
	p2 =	slt.u32 s8, $0xFFFFF086  }
0x1c: {  	p1 =	slt.u32 s9, $0xF7A;
	s5 =	simm.s32 @!p2 $0x0  }
0x1d: {  	s5 =	simm.s32 @p1 $0x1;
	p0 =	seq.s32 s7, s2  }
0x1e: {  	s7 =	smul.u32 @!p0 $0xF7A, s2;
	p2 =	seq.s32 @!p0 s5, $0x0  }
0x1f: {  	s9 =	smul.u32 $0xF7A, s1;
	s8 =	simm.s32 @!p0 $0x1BF5;
	p2 =	por !p2, p0  }
0x20: {  	[sflag:s8] =	ssyncset.s32 @!p0 $0xFFFFF086;
	s6 =	sadd.s32 @!p0 s3, s7;
	s7 =	simm.s32 @!p0 $0x108  }
0x21: {  	s3 =	sadd.s32 s3, s9;
	s6 =	sadd.s32 @!p0 $0x88, s6;
	s7 =	simm.s32 @p2 $0x1082  }
0x22: {  	[simem:s7], [sflag:s8] =	dma.local @!p0 [hbm:s6], $0xF7A  }
0x23: {  	s9 =	sor.u32 $0xD0000000, s2;
	s6 =	simm.s32 $0x108;
	_ =	swait.ge @!p0 [sflag:s8], $0x0  }
0x24: {  	s3 =	sadd.s32 $0x88, s3;
	s6 =	simm.s32 @!p1 $0x1082;
	[sflag:s4] =	ssyncset.s32 $0xFFFFF086  }
0x25: {  	[simem:s6], [sflag:s4] =	dma.local [hbm:s3], $0xF7A  }
0x26: {  	[smem:$0x3F99] =	sst s1;
	(tag) =	ssettag s2;
	_ =	strace s9  }
0x27: {  	s1 =	sld [smem:$0x3FA9]  }
0x28: {  	s2 =	sld [smem:$0x3FAA]  }
0x29: {  	s4 =	sld [smem:$0x3FAC]  }
0x2a: {  	p0 =	seq.s32 s5, $0x0;
	s5 =	sld [smem:$0x3FAD]  }
0x2b: {  	s6 =	sld [smem:$0x3FAE]  }
0x2c: {  	s7 =	sld [smem:$0x3FAF]  }
0x2d: {  	s3 =	simm.s32 $0x108;
	s8 =	sld [smem:$0x3FB0]  }
0x2e: {  	s3 =	simm.s32 @!p0 $0x1082;
	s9 =	sld [smem:$0x3FB1]  }
0x2f: {  	lr =	sadd.s32 s0, s3;
	s0 =	sld [smem:$0x3FA8]  }
0x30: {  	s3 =	sld [smem:$0x3FAB]  }
0x31: {  	[smem:$0x3FB4] =	sst s10  }
0x32: {  	s10 =	sld [smem:$0x3FB2];
	_ =	sdelay $0x3  }
0x33: {  	p0 =	seq.s32 s10, $0x1;
	s10 =	sld [smem:$0x3FB4];
	_ =	sdelay $0x3  }
0x34: {  	[smem:$0x3FB4] =	sst s10  }
0x35: {  	s10 =	sld [smem:$0x3FB3];
	_ =	sdelay $0x3  }
0x36: {  	p1 =	seq.s32 s10, $0x1;
	s10 =	sld [smem:$0x3FB4];
	_ =	sdelay $0x3  }
0x37: {  	[smem:$0x3FB4] =	sst s10  }
0x38: {  	s10 =	sld [smem:$0x3FB5]  }
0x39: {  	_ = 	snop;
	(pc) =	sbr.ind lr, $3  }
0x3a: {  	_ = 	snop  }
0x3b: {  	_ = 	snop  }
0x3c: {  	p2 =	seq.s32 s10, $0x1;
	s10 =	sld [smem:$0x3FB4]  }
0x3d: {  	_ =	shalt  }
0x3e: {  	_ =	shalt  }
0x3f: {  	_ =	shalt  }
0x40: {  	_ =	shalt  }
0x41: {  	_ =	shalt  }
0x42: {  	_ =	shalt  }
0x43: {  	_ =	shalt  }
0x44: {  	_ =	shalt  }
0x45: {  	_ =	shalt  }
0x46: {  	_ =	shalt  }
0x47: {  	_ =	shalt  }
0x48: {  	_ =	shalt  }
0x49: {  	_ =	shalt  }
0x4a: {  	_ =	shalt  }
0x4b: {  	_ =	shalt  }
0x4c: {  	_ =	shalt  }
0x4d: {  	_ =	shalt  }
0x4e: {  	_ =	shalt  }
0x4f: {  	_ =	shalt  }
0x50: {  	_ =	shalt  }
0x51: {  	_ =	shalt  }
0x52: {  	_ =	shalt  }
0x53: {  	_ =	shalt  }
0x54: {  	_ =	shalt  }
0x55: {  	_ =	shalt  }
0x56: {  	_ =	shalt  }
0x57: {  	_ =	shalt  }
0x58: {  	_ =	shalt  }
0x59: {  	_ =	shalt  }
0x5a: {  	_ =	shalt  }
0x5b: {  	_ =	shalt  }
0x5c: {  	_ =	shalt  }
0x5d: {  	_ =	shalt  }
0x5e: {  	_ =	shalt  }
0x5f: {  	_ =	shalt  }
0x60: {  	_ =	shalt  }
0x61: {  	_ =	shalt  }
0x62: {  	_ =	shalt  }
0x63: {  	_ =	shalt  }
0x64: {  	_ =	shalt  }
0x65: {  	_ =	shalt  }
0x66: {  	_ =	shalt  }
0x67: {  	_ =	shalt  }
0x68: {  	_ =	shalt  }
0x69: {  	_ =	shalt  }
0x6a: {  	_ =	shalt  }
0x6b: {  	_ =	shalt  }
0x6c: {  	_ =	shalt  }
0x6d: {  	_ =	shalt  }
0x6e: {  	_ =	shalt  }
0x6f: {  	_ =	shalt  }
0x70: {  	_ =	shalt  }
0x71: {  	_ =	shalt  }
0x72: {  	_ =	shalt  }
0x73: {  	_ =	shalt  }
0x74: {  	_ =	shalt  }
0x75: {  	_ =	shalt  }
0x76: {  	_ =	shalt  }
0x77: {  	_ =	shalt  }
0x78: {  	_ =	shalt  }
0x79: {  	_ =	shalt  }
0x7a: {  	_ =	shalt  }
0x7b: {  	_ =	shalt  }
0x7c: {  	_ =	shalt  }
0x7d: {  	_ =	shalt  }
0x7e: {  	_ =	shalt  }
0x7f: {  	_ =	shalt  }
0x80: {  	_ =	shalt  }
0x81: {  	_ =	shalt  }
0x82: {  	_ =	shalt  }
0x83: {  	_ =	shalt  }
0x84: {  	_ =	shalt  }
0x85: {  	_ =	shalt  }
0x86: {  	_ =	shalt  }
0x87: {  	_ =	shalt  }
.Lfunc_end0:
.L_simem_size_0:
called_computation.1_lowered:
.L_overlay_start_0:
0x88: {  	s2 =	sld [smem:$0x3FD9]  }
0x89: {  	s3 =	sld [smem:$0x3FFE];
	_ =	sdelay $0x1  }
0x8a: {  	s1 =	srdreg.scid  }
0x8b: {  	s0 =	sand.u32 $0x1, s1  }
0x8c: {  	s17 =	sshll.u32 s0, $0xA;
	s2 =	sadd.s32 s3, s2  }
0x8d: {  	s2 =	sadd.s32 s2, s17  }
0x8e: {  	[smem:$0x3FC0] =	sst s2  }
0x8f: {  	_ = 	snop  }
0x90: {  	s2 =	sld [smem:$0x3FC8]  }
0x91: {  	s18 =	sld [smem:$0x3FD0];
	(tm) =	ssettm $0x1  }
0x92: {  	s4 =	sld [smem:$0x3FFB];
	_ =	sdelay $0x3  }
0x93: {  	_ =	strace s4  }
0x94: {  	s4 =	sld [smem:$0x3FFC];
	_ =	sdelay $0x3  }
0x95: {  	_ =	strace s4  }
0x96: {  	s4 =	sld [smem:$0x3FFD];
	_ =	sdelay $0x3  }
0x97: {  	_ =	strace s4  }
0x98: {  	_ =	strace $0x8FFFFFFF  }
0x99: {  	s19 =	sld [smem:$0x3FDB];
	_ =	sdelay $0x1  }
0x9a: {  	s5 =	simm.s32 $_scs_section_size  }
0x9b: {  	s6 =	simm.s32 $_size__tile_overlayer_lowered;
	s7 =	simm.s32 $_tile_overlayer_lowered  }
0x9c: {  	s22 =	simm.s32 $0x1BFF;
	s21 =	sshll.u32 s7, $0x1;
	s4 =	sadd.s32 s5, s19  }
0x9d: {  	s8 =	simm.s32 $0x0;
	s20 =	sshll.u32 s6, $0x1;
	s6 =	sadd.s32 s21, s4  }
0x9e: {  	[timem:s8], [sflag:s22] =	dma.local [hbm:s6], s20  }
0x9f: {  	_ =	swait.ge [sflag:s22], s20  }
0xa0: {  	s5 =	ssub.s32 $0x0, s20;
	[sflag:s22] =	ssyncset.done $0x0  }
0xa1: {  	[sflag:s22] =	ssyncadd.s32 s5;
	_ =	sdelay $0x1  }
0xa2: {  	s23 =	simm.s32 $0x1B8B  }
0xa3: {  	_ =	swait.ge [sflag:s23], $0x1  }
0xa4: {  	[sflag:s23] =	ssyncset.done $0x0  }
0xa5: {  	s25 =	simm.s32 $0x1B8E;
	s24 =	sld [smem:$0x3FFE];
	[sflag:s23] =	ssyncadd.s32 $0xFFFFFFFF  }
0xa6: {  	s26 =	simm.s32 $execute0_lowered;
	[smem:$0x3FD2] =	sst s25  }
0xa7: {  	s6 =	sshll.u32 s26, $0x1;
	_ =	strace $0x80000049;
	[dreg:$0x1] =	wrdreg $0xFFFFFFFF  }
0xa8: {  	s28 =	simm.s32 $_size_execute0_lowered;
	s4 =	sadd.s32 s4, s6;
	[dreg:$0x0] =	wrdreg $0x0  }
0xa9: {  	s6 =	sshll.u32 s28, $0x1;
	[dreg:$0x2] =	wrdreg s4  }
0xaa: {  	[dreg:$0x3] =	wrdreg s6  }
0xab: {  	[dreg:$0x4] =	wrdreg $0xC0  }
0xac: {  	_ =	task [dreg:s8], $0x5FFFF  }
0xad: {  	[dreg:$0x1] =	wrdreg $0xFFFFFFFF  }
0xae: {  	[dreg:$0x0] =	wrdreg $0x60  }
0xaf: {  	[dreg:$0x2] =	wrdreg s24  }
0xb0: {  	[dreg:$0x3] =	wrdreg s2  }
0xb1: {  	[dreg:$0x4] =	wrdreg s18  }
0xb2: {  	[dreg:$0x5] =	wrdreg $0x7F000  }
0xb3: {  	[dreg:$0x6] =	wrdreg $0x9  }
0xb4: {  	_ =	task.clear_ibuf [dreg:s8], $0x7FFFF;
	_ =	strace $0x90000049  }
0xb5: {  	s29 =	simm.s32 $0x9;
	_ =	strace $0x8000004B  }
0xb6: {  	_ =	swait.ge [sflag:s29], $0x1  }
0xb7: {  	[sflag:s29] =	ssyncadd.s32 $0xFFFFFFFF  }
0xb8: {  	_ =	strace $0x9000004B  }
0xb9: {  	_ =	sfence  }
0xba: {  	s30 =	sld [smem:$0x0];
	_ =	sdelay $0x2  }
0xbb: {  	s31 =	sshll.u32 s1, $0xD;
	s1 =	sshrl.u32 s1, $0x2  }
0xbc: {  	s3 =	sand.u32 $0x4000, s31;
	s1 =	sadd.s32 s1, s30  }
0xbd: {  	s0 =	sor.u32 s3, s0;
	s1 =	sshll.u32 s1, $0x11  }
0xbe: {  	s0 =	sor.u32 s1, s0  }
0xbf: {  	s0 =	sadd.s32 $0x8F2B, s0  }
0xc0: {  	[sflag:s0] =	ssyncadd.remote.s32 $0x1  }
0xc1: {  	_ =	sfence.sel $0xFFFF  }
0xc2: {  	[dreg:$0x0] =	wrdreg $0xFFFFFFFF;
	(pc) =	sbr.abs _section_cstart, $3  }
0xc3: {  	[dreg:$0x1] =	wrdreg $0xFFFFFFFF  }
0xc4: {  	_ =	task.clear_ibuf [dreg:s8], $0x2FFFF;
	_ =	strace $0x9FFFFFFF  }
0xc5: {  	(tm) =	ssettm $0x7FFFFFFF  }
tec
execute0_lowered:
.L_overlay_start_1:
0x0: {  	(tag) =	ssettag $0x1  }
0x1: {  	s0 =	rddreg [dreg:$0x0]  }
0x2: {  	s1 =	rddreg [dreg:$0x1]  }
0x3: {  	s8 =	rddreg [dreg:$0x2]  }
0x4: {  	s2 =	rddreg [dreg:$0x3]  }
0x5: {  	s13 =	stileid.u32;
	s4 =	srdreg.scid  }
0x6: {  	s3 =	simm.s32 $0x0;
	s14 =	simm.s32 $0x4F00;
	s16 =	simm.s32 $0x5700  }
0x7: {  	s18 =	simm.s32 $0x5F00;
	s20 =	simm.s32 $0x6700;
	s28 =	simm.s32 $0x3  }
0x8: {  	s29 =	simm.s32 $0x4;
	s30 =	simm.s32 $0x5;
	s31 =	simm.s32 $0x6  }
0x9: {  	s17 =	simm.s32 $0x4B80;
	s19 =	simm.s32 $0x4C80;
	s5 =	sand.u32 $0x1, s4  }
0xa: {  	s21 =	sshll.u32 s13, $0x1;
	[smem:$0x7FF] =	sst s3;
	s7 =	smul.u32 $0x2800, s13  }
0xb: {  	s4 =	sadd.s32 $0x7E00, s0;
	p0 =	sgt.u32 s13, $0x1;
	s26 =	sshll.u32 s13, $0x6  }
0xc: {  	s13 =	simm.s32 $0x80;
	s6 =	sor.u32 s5, s21;
	_ =	strace $0x8000004A  }
0xd: {  	s11 =	ssub.s32 $0x2, s5;
	s22 =	smul.u32 $0x28000, s5;
	s21 =	simm.s32 $0x4D80  }
0xe: {  	s9 =	smul.u32 $0x4E, s6;
	s10 =	sshrl.u32 s7, $0x3;
	s6 =	smin.u32 s6, $0x4  }
0xf: {  	s23 =	sshrl.u32 s11, $0x1;
	s12 =	sadd.s32 s7, s2;
	s0 =	sadd.s32 s10, s0  }
0x10: {  	s24 =	ssub.s32 s11, s23;
	s25 =	sadd.s32 s7, s22;
	s10 =	simm.s32 $0x7  }
0x11: {  	s11 =	sor.u32 $0x1C07, s26;
	s12 =	sshrl.u32 s12, $0x3;
	s22 =	simm.s32 $0x6F00  }
0x12: {  	s26 =	simm.s32 $0x2;
	s23 =	simm.s32 $0x0;
	s6 =	sadd.s32 s6, s9  }
0x13: {  	s7 =	sadd.s32 $0x2E00, s0;
	s9 =	smax.u32 s24, $0x1;
	s6 =	sshll.u32 s6, $0x5  }
0x14: {  	s24 =	simm.s32 $0x7700;
	s5 =	sadd.s32 s1, s6;
	s1 =	sshrl.u32 s25, $0x3  }
0x15: {  	s25 =	simm.s32 $0x1;
	s6 =	sadd.s32 $0x9C0, s5;
	s8 =	sadd.s32 s8, s1  }
.LBB2_1:
0x16: {  	[tilespmem:s3], [sflag:$0x7] =	stream.linear.gather [hbm4b:s5+s3], $0x4E00, $0x38;
	[tilespmem:$0xA700] =	vst v63  }
0x17: {  	_ =	swait.ge [sflag:s10], $0x4E00  }
0x18: {  	[sflag:s10] =	ssyncset.done $0x0  }
0x19: {  	s0 =	simm.s32 @!p0 $0x0;
	s1 =	simm.s32 @!p0 $0x4E00;
	[sflag:s10] =	ssyncadd.s32 $0xFFFFB200  }
0x1a: {  	[tilespmem:s1], [sflag:$0x7] =	stream.linear.gather @!p0 [hbm4b:s6+s0], $0x100, $0x38;
	[tilespmem:$0xA700] =	vst v63  }
0x1b: {  	s0 =	simm.s32 @!p0 $0x7  }
0x1c: {  	_ =	swait.ge @!p0 [sflag:s0], $0x100  }
0x1d: {  	[sflag:s0] =	ssyncset.done @!p0 $0x0  }
0x1e: {  	[sflag:s0] =	ssyncadd.s32 @!p0 $0xFFFFFF00  }
0x1f: {  	[spmem:s12], [sflag:s11] =	dma.local [hbm:s7], $0x500  }
0x20: {  	_ =	swait.ge [sflag:s10], $0x500  }
0x21: {  	[sflag:s10] =	ssyncset.done $0x0  }
0x22: {  	[sflag:s10] =	ssyncadd.s32 $0xFFFFFB00  }
0x23: {  	[bflag:$0x0] =	sbarrier.arrive $0xFFFF  }
0x24: {  	[tilespmem:s14], [sflag:$0x1] =	stream.indirect.gather [hbm4b:s4+s13], $0x10, s3, s13, $0xb8;
	[tilespmem:$0xA700] =	vst v63  }
0x25: {  	s1 =	simm.s32 $0x100  }
0x26: {  	[tilespmem:s16], [sflag:$0x2] =	stream.indirect.gather [hbm4b:s4+s13], $0x10, s1, s13, $0xb8;
	[tilespmem:$0xA700] =	vst v63  }
0x27: {  	s15 =	simm.s32 $0x200  }
0x28: {  	[tilespmem:s18], [sflag:$0x3] =	stream.indirect.gather [hbm4b:s4+s13], $0x10, s15, s13, $0xb8;
	[tilespmem:$0xA700] =	vst v63  }
0x29: {  	s1 =	simm.s32 $0x300  }
0x2a: {  	[tilespmem:s20], [sflag:$0x4] =	stream.indirect.gather [hbm4b:s4+s13], $0x10, s1, s13, $0xb8;
	[tilespmem:$0xA700] =	vst v63  }
0x2b: {  	s15 =	simm.s32 $0x400  }
0x2c: {  	[tilespmem:s22], [sflag:$0x5] =	stream.indirect.gather [hbm4b:s4+s13], $0x10, s15, s13, $0xb8;
	[tilespmem:$0xA700] =	vst v63  }
0x2d: {  	s1 =	simm.s32 $0x500  }
0x2e: {  	[tilespmem:s24], [sflag:$0x6] =	stream.indirect.gather [hbm4b:s4+s13], $0x10, s1, s13, $0xb8;
	[tilespmem:$0xA700] =	vst v63  }
0x2f: {  	_ =	swait.ge [sflag:s25], $0x800  }
0x30: {  	[sflag:s25] =	ssyncset.done $0x0  }
0x31: {  	s15 =	simm.s32 $0x80;
	[sflag:s25] =	ssyncadd.s32 $0xFFFFF800  }
0x32: {  	[spmem:s2] =	stream.indirect.scatter.add.f32 [tilespmem:s14], [sflag:$0x7], $0x10, s15, s13, $0xb8;
	[tilespmem:$0xA700] =	vst v63  }
0x33: {  	_ =	swait.ge [sflag:s10], $0x800  }
0x34: {  	[sflag:s10] =	ssyncset.done $0x0  }
0x35: {  	s1 =	simm.s32 $0x600;
	[sflag:s10] =	ssyncadd.s32 $0xFFFFF800  }
0x36: {  	[tilespmem:s14], [sflag:$0x1] =	stream.indirect.gather [hbm4b:s4+s13], $0x10, s1, s13, $0xb8;
	[tilespmem:$0xA700] =	vst v63  }
0x37: {  	_ =	swait.ge [sflag:s26], $0x800  }
0x38: {  	[sflag:s26] =	ssyncset.done $0x0  }
0x39: {  	s15 =	simm.s32 $0x180;
	[sflag:s26] =	ssyncadd.s32 $0xFFFFF800  }
0x3a: {  	[spmem:s2] =	stream.indirect.scatter.add.f32 [tilespmem:s16], [sflag:$0x7], $0x10, s15, s13, $0xb8;
	[tilespmem:$0xA700] =	vst v63  }
0x3b: {  	_ =	swait.ge [sflag:s10], $0x800  }
0x3c: {  	[sflag:s10] =	ssyncset.done $0x0  }
0x3d: {  	s1 =	simm.s32 $0x700;
	[sflag:s10] =	ssyncadd.s32 $0xFFFFF800  }
0x3e: {  	[tilespmem:s16], [sflag:$0x2] =	stream.indirect.gather [hbm4b:s4+s13], $0x10, s1, s13, $0xb8;
	[tilespmem:$0xA700] =	vst v63  }
0x3f: {  	_ =	swait.ge [sflag:s28], $0x800  }
0x40: {  	[sflag:s28] =	ssyncset.done $0x0  }
0x41: {  	s15 =	simm.s32 $0x280;
	[sflag:s28] =	ssyncadd.s32 $0xFFFFF800  }
0x42: {  	[spmem:s2] =	stream.indirect.scatter.add.f32 [tilespmem:s18], [sflag:$0x7], $0x10, s15, s13, $0xb8;
	[tilespmem:$0xA700] =	vst v63  }
0x43: {  	_ =	swait.ge [sflag:s10], $0x800  }
0x44: {  	[sflag:s10] =	ssyncset.done $0x0  }
0x45: {  	s1 =	simm.s32 $0x800;
	[sflag:s10] =	ssyncadd.s32 $0xFFFFF800  }
0x46: {  	[tilespmem:s18], [sflag:$0x3] =	stream.indirect.gather [hbm4b:s4+s13], $0x10, s1, s13, $0xb8;
	[tilespmem:$0xA700] =	vst v63  }
0x47: {  	_ =	swait.ge [sflag:s29], $0x800  }
0x48: {  	[sflag:s29] =	ssyncset.done $0x0  }
0x49: {  	s15 =	simm.s32 $0x380;
	[sflag:s29] =	ssyncadd.s32 $0xFFFFF800  }
0x4a: {  	[spmem:s2] =	stream.indirect.scatter.add.f32 [tilespmem:s20], [sflag:$0x7], $0x10, s15, s13, $0xb8;
	[tilespmem:$0xA700] =	vst v63  }
0x4b: {  	_ =	swait.ge [sflag:s10], $0x800  }
0x4c: {  	[sflag:s10] =	ssyncset.done $0x0  }
0x4d: {  	s1 =	simm.s32 $0x900;
	[sflag:s10] =	ssyncadd.s32 $0xFFFFF800  }
0x4e: {  	[tilespmem:s20], [sflag:$0x4] =	stream.indirect.gather [hbm4b:s4+s13], $0x10, s1, s13, $0xb8;
	[tilespmem:$0xA700] =	vst v63  }
0x4f: {  	_ =	swait.ge [sflag:s30], $0x800  }
0x50: {  	[sflag:s30] =	ssyncset.done $0x0  }
0x51: {  	s15 =	simm.s32 $0x480;
	[sflag:s30] =	ssyncadd.s32 $0xFFFFF800  }
0x52: {  	[spmem:s2] =	stream.indirect.scatter.add.f32 [tilespmem:s22], [sflag:$0x7], $0x10, s15, s13, $0xb8;
	[tilespmem:$0xA700] =	vst v63  }
0x53: {  	_ =	swait.ge [sflag:s10], $0x800  }
0x54: {  	[sflag:s10] =	ssyncset.done $0x0  }
0x55: {  	s1 =	simm.s32 $0xA00;
	[sflag:s10] =	ssyncadd.s32 $0xFFFFF800  }
0x56: {  	[tilespmem:s22], [sflag:$0x5] =	stream.indirect.gather [hbm4b:s4+s13], $0x10, s1, s13, $0xb8;
	[tilespmem:$0xA700] =	vst v63  }
0x57: {  	_ =	swait.ge [sflag:s31], $0x800  }
0x58: {  	[sflag:s31] =	ssyncset.done $0x0  }
0x59: {  	s15 =	simm.s32 $0x580;
	[sflag:s31] =	ssyncadd.s32 $0xFFFFF800  }
0x5a: {  	[spmem:s2] =	stream.indirect.scatter.add.f32 [tilespmem:s24], [sflag:$0x7], $0x10, s15, s13, $0xb8;
	[tilespmem:$0xA700] =	vst v63  }
0x5b: {  	_ =	swait.ge [sflag:s10], $0x800  }
0x5c: {  	[sflag:s10] =	ssyncset.done $0x0  }
0x5d: {  	s0 =	simm.s32 $0x1800;
	s1 =	simm.s32 $0xB00;
	[sflag:s10] =	ssyncadd.s32 $0xFFFFF800  }
.LBB2_2:
0x5e: {  	[tilespmem:s24], [sflag:$0x6] =	stream.indirect.gather [hbm4b:s4+s13], $0x10, s1, s13, $0xb8;
	[tilespmem:$0xA700] =	vst v63  }
0x5f: {  	s1 =	smov.u32 s0  }
0x60: {  	p1 =	sne.s32 s0, $0x10800;
	s0 =	sadd.s32 $0x1800, s0;
	_ =	swait.ge [sflag:s25], $0x800  }
0x61: {  	s1 =	sshra.s32 s1, $0x2;
	[sflag:s25] =	ssyncset.done $0x0  }
0x62: {  	s15 =	sadd.s32 $0x80, s1;
	[sflag:s25] =	ssyncadd.s32 $0xFFFFF800  }
0x63: {  	[spmem:s2] =	stream.indirect.scatter.add.f32 [tilespmem:s14], [sflag:$0x7], $0x10, s15, s13, $0xb8;
	[tilespmem:$0xA700] =	vst v63  }
0x64: {  	_ =	swait.ge [sflag:s10], $0x800  }
0x65: {  	[sflag:s10] =	ssyncset.done $0x0  }
0x66: {  	s15 =	sadd.s32 $0x600, s1;
	[sflag:s10] =	ssyncadd.s32 $0xFFFFF800  }
0x67: {  	[tilespmem:s14], [sflag:$0x1] =	stream.indirect.gather [hbm4b:s4+s13], $0x10, s15, s13, $0xb8;
	[tilespmem:$0xA700] =	vst v63  }
0x68: {  	_ =	swait.ge [sflag:s26], $0x800  }
0x69: {  	[sflag:s26] =	ssyncset.done $0x0  }
0x6a: {  	s15 =	sadd.s32 $0x180, s1;
	[sflag:s26] =	ssyncadd.s32 $0xFFFFF800  }
0x6b: {  	[spmem:s2] =	stream.indirect.scatter.add.f32 [tilespmem:s16], [sflag:$0x7], $0x10, s15, s13, $0xb8;
	[tilespmem:$0xA700] =	vst v63  }
0x6c: {  	_ =	swait.ge [sflag:s10], $0x800  }
0x6d: {  	[sflag:s10] =	ssyncset.done $0x0  }
0x6e: {  	s15 =	sadd.s32 $0x700, s1;
	[sflag:s10] =	ssyncadd.s32 $0xFFFFF800  }
0x6f: {  	[tilespmem:s16], [sflag:$0x2] =	stream.indirect.gather [hbm4b:s4+s13], $0x10, s15, s13, $0xb8;
	[tilespmem:$0xA700] =	vst v63  }
0x70: {  	_ =	swait.ge [sflag:s28], $0x800  }
0x71: {  	[sflag:s28] =	ssyncset.done $0x0  }
0x72: {  	s15 =	sadd.s32 $0x280, s1;
	[sflag:s28] =	ssyncadd.s32 $0xFFFFF800  }
0x73: {  	[spmem:s2] =	stream.indirect.scatter.add.f32 [tilespmem:s18], [sflag:$0x7], $0x10, s15, s13, $0xb8;
	[tilespmem:$0xA700] =	vst v63  }
0x74: {  	_ =	swait.ge [sflag:s10], $0x800  }
0x75: {  	[sflag:s10] =	ssyncset.done $0x0  }
0x76: {  	s15 =	sadd.s32 $0x800, s1;
	[sflag:s10] =	ssyncadd.s32 $0xFFFFF800  }
0x77: {  	[tilespmem:s18], [sflag:$0x3] =	stream.indirect.gather [hbm4b:s4+s13], $0x10, s15, s13, $0xb8;
	[tilespmem:$0xA700] =	vst v63  }
0x78: {  	_ =	swait.ge [sflag:s29], $0x800  }
0x79: {  	[sflag:s29] =	ssyncset.done $0x0  }
0x7a: {  	s15 =	sadd.s32 $0x380, s1;
	[sflag:s29] =	ssyncadd.s32 $0xFFFFF800  }
0x7b: {  	[spmem:s2] =	stream.indirect.scatter.add.f32 [tilespmem:s20], [sflag:$0x7], $0x10, s15, s13, $0xb8;
	[tilespmem:$0xA700] =	vst v63  }
0x7c: {  	_ =	swait.ge [sflag:s10], $0x800  }
0x7d: {  	[sflag:s10] =	ssyncset.done $0x0  }
0x7e: {  	s15 =	sadd.s32 $0x900, s1;
	[sflag:s10] =	ssyncadd.s32 $0xFFFFF800  }
0x7f: {  	[tilespmem:s20], [sflag:$0x4] =	stream.indirect.gather [hbm4b:s4+s13], $0x10, s15, s13, $0xb8;
	[tilespmem:$0xA700] =	vst v63  }
0x80: {  	_ =	swait.ge [sflag:s30], $0x800  }
0x81: {  	[sflag:s30] =	ssyncset.done $0x0  }
0x82: {  	s15 =	sadd.s32 $0x480, s1;
	[sflag:s30] =	ssyncadd.s32 $0xFFFFF800  }
0x83: {  	[spmem:s2] =	stream.indirect.scatter.add.f32 [tilespmem:s22], [sflag:$0x7], $0x10, s15, s13, $0xb8;
	[tilespmem:$0xA700] =	vst v63  }
0x84: {  	_ =	swait.ge [sflag:s10], $0x800  }
0x85: {  	[sflag:s10] =	ssyncset.done $0x0  }
0x86: {  	s15 =	sadd.s32 $0xA00, s1;
	[sflag:s10] =	ssyncadd.s32 $0xFFFFF800  }
0x87: {  	[tilespmem:s22], [sflag:$0x5] =	stream.indirect.gather [hbm4b:s4+s13], $0x10, s15, s13, $0xb8;
	[tilespmem:$0xA700] =	vst v63  }
0x88: {  	_ =	swait.ge [sflag:s31], $0x800  }
0x89: {  	[sflag:s31] =	ssyncset.done $0x0  }
.Ltmp0:
0x8a: {  	s15 =	sadd.s32 $0x580, s1;
	[sflag:s31] =	ssyncadd.s32 $0xFFFFF800;
	(pc) =	sbr.rel @p1 .LBB2_2-.Ltmp0, $4  }
0x8b: {  	[spmem:s2] =	stream.indirect.scatter.add.f32 [tilespmem:s24], [sflag:$0x7], $0x10, s15, s13, $0xb8;
	[tilespmem:$0xA700] =	vst v63  }
0x8c: {  	_ =	swait.ge [sflag:s10], $0x800  }
0x8d: {  	[sflag:s10] =	ssyncset.done $0x0  }
0x8e: {  	s1 =	sadd.s32 $0xB00, s1;
	[sflag:s10] =	ssyncadd.s32 $0xFFFFF800  }
0x8f: {  	[tilespmem:s24], [sflag:$0x6] =	stream.indirect.gather [hbm4b:s4+s13], $0x10, s1, s13, $0xb8;
	[tilespmem:$0xA700] =	vst v63  }
0x90: {  	_ =	swait.ge [sflag:s25], $0x800  }
0x91: {  	[sflag:s25] =	ssyncset.done $0x0  }
0x92: {  	s0 =	simm.s32 $0x4880;
	[sflag:s25] =	ssyncadd.s32 $0xFFFFF800  }
0x93: {  	[spmem:s2] =	stream.indirect.scatter.add.f32 [tilespmem:s14], [sflag:$0x7], $0x10, s0, s13, $0xb8;
	[tilespmem:$0xA700] =	vst v63  }
0x94: {  	_ =	swait.ge [sflag:s10], $0x800  }
0x95: {  	[sflag:s10] =	ssyncset.done $0x0  }
0x96: {  	[sflag:s10] =	ssyncadd.s32 $0xFFFFF800  }
0x97: {  	[tilespmem:s14], [sflag:$0x1] =	stream.indirect.gather [hbm4b:s4+s13], $0x10, s3, s13, $0xb8;
	[tilespmem:$0xA700] =	vst v63  }
0x98: {  	_ =	swait.ge [sflag:s26], $0x800  }
0x99: {  	[sflag:s26] =	ssyncset.done $0x0  }
0x9a: {  	s1 =	simm.s32 $0x4980;
	[sflag:s26] =	ssyncadd.s32 $0xFFFFF800  }
0x9b: {  	[spmem:s2] =	stream.indirect.scatter.add.f32 [tilespmem:s16], [sflag:$0x7], $0x10, s1, s13, $0xb8;
	[tilespmem:$0xA700] =	vst v63  }
0x9c: {  	_ =	swait.ge [sflag:s10], $0x800  }
0x9d: {  	[sflag:s10] =	ssyncset.done $0x0  }
0x9e: {  	[sflag:s10] =	ssyncadd.s32 $0xFFFFF800  }
0x9f: {  	[tilespmem:s16], [sflag:$0x2] =	stream.indirect.gather [hbm4b:s4+s13], $0x10, s3, s13, $0xb8;
	[tilespmem:$0xA700] =	vst v63  }
0xa0: {  	_ =	swait.ge [sflag:s28], $0x800  }
0xa1: {  	[sflag:s28] =	ssyncset.done $0x0  }
0xa2: {  	s15 =	simm.s32 $0x4A80;
	[sflag:s28] =	ssyncadd.s32 $0xFFFFF800  }
0xa3: {  	[spmem:s2] =	stream.indirect.scatter.add.f32 [tilespmem:s18], [sflag:$0x7], $0x10, s15, s13, $0xb8;
	[tilespmem:$0xA700] =	vst v63  }
0xa4: {  	_ =	swait.ge [sflag:s10], $0x800  }
0xa5: {  	[sflag:s10] =	ssyncset.done $0x0  }
0xa6: {  	[sflag:s10] =	ssyncadd.s32 $0xFFFFF800  }
0xa7: {  	[tilespmem:s18], [sflag:$0x3] =	stream.indirect.gather [hbm4b:s4+s13], $0x10, s3, s13, $0xb8;
	[tilespmem:$0xA700] =	vst v63  }
0xa8: {  	_ =	swait.ge [sflag:s29], $0x800  }
0xa9: {  	[sflag:s29] =	ssyncset.done $0x0  }
0xaa: {  	[sflag:s29] =	ssyncadd.s32 $0xFFFFF800  }
0xab: {  	[spmem:s2] =	stream.indirect.scatter.add.f32 [tilespmem:s20], [sflag:$0x7], $0x10, s17, s13, $0xb8;
	[tilespmem:$0xA700] =	vst v63  }
0xac: {  	_ =	swait.ge [sflag:s10], $0x800  }
0xad: {  	[sflag:s10] =	ssyncset.done $0x0  }
0xae: {  	[sflag:s10] =	ssyncadd.s32 $0xFFFFF800  }
0xaf: {  	[tilespmem:s20], [sflag:$0x4] =	stream.indirect.gather [hbm4b:s4+s13], $0x10, s3, s13, $0xb8;
	[tilespmem:$0xA700] =	vst v63  }
0xb0: {  	_ =	swait.ge [sflag:s30], $0x800  }
0xb1: {  	[sflag:s30] =	ssyncset.done $0x0  }
0xb2: {  	[sflag:s30] =	ssyncadd.s32 $0xFFFFF800  }
0xb3: {  	[spmem:s2] =	stream.indirect.scatter.add.f32 [tilespmem:s22], [sflag:$0x7], $0x10, s19, s13, $0xb8;
	[tilespmem:$0xA700] =	vst v63  }
0xb4: {  	_ =	swait.ge [sflag:s10], $0x800  }
0xb5: {  	[sflag:s10] =	ssyncset.done $0x0  }
0xb6: {  	[sflag:s10] =	ssyncadd.s32 $0xFFFFF800  }
0xb7: {  	[tilespmem:s22], [sflag:$0x5] =	stream.indirect.gather [hbm4b:s4+s13], $0x10, s3, s13, $0xb8;
	[tilespmem:$0xA700] =	vst v63  }
0xb8: {  	_ =	swait.ge [sflag:s31], $0x800  }
0xb9: {  	[sflag:s31] =	ssyncset.done $0x0  }
0xba: {  	[sflag:s31] =	ssyncadd.s32 $0xFFFFF800  }
0xbb: {  	[spmem:s2] =	stream.indirect.scatter.add.f32 [tilespmem:s24], [sflag:$0x7], $0x10, s21, s13, $0xb8;
	[tilespmem:$0xA700] =	vst v63  }
0xbc: {  	_ =	swait.ge [sflag:s10], $0x800  }
0xbd: {  	[sflag:s10] =	ssyncset.done $0x0  }
0xbe: {  	[sflag:s10] =	ssyncadd.s32 $0xFFFFF800  }
0xbf: {  	[tilespmem:s24], [sflag:$0x6] =	stream.indirect.gather [hbm4b:s4+s13], $0x10, s3, s13, $0xb8;
	[tilespmem:$0xA700] =	vst v63  }
0xc0: {  	_ =	swait.ge [sflag:s25], $0x800  }
0xc1: {  	[sflag:s25] =	ssyncset.done $0x0  }
0xc2: {  	[sflag:s25] =	ssyncadd.s32 $0xFFFFF800  }
0xc3: {  	_ =	swait.ge [sflag:s26], $0x800  }
0xc4: {  	[sflag:s26] =	ssyncset.done $0x0  }
0xc5: {  	[sflag:s26] =	ssyncadd.s32 $0xFFFFF800  }
0xc6: {  	_ =	swait.ge [sflag:s28], $0x800  }
0xc7: {  	[sflag:s28] =	ssyncset.done $0x0  }
0xc8: {  	[sflag:s28] =	ssyncadd.s32 $0xFFFFF800  }
0xc9: {  	_ =	swait.ge [sflag:s29], $0x800  }
0xca: {  	[sflag:s29] =	ssyncset.done $0x0  }
0xcb: {  	[sflag:s29] =	ssyncadd.s32 $0xFFFFF800  }
0xcc: {  	_ =	swait.ge [sflag:s30], $0x800  }
0xcd: {  	[sflag:s30] =	ssyncset.done $0x0  }
0xce: {  	[sflag:s30] =	ssyncadd.s32 $0xFFFFF800  }
0xcf: {  	_ =	swait.ge [sflag:s31], $0x800  }
0xd0: {  	s0 =	simm.s32 @!p0 $0x80;
	[sflag:s31] =	ssyncset.done $0x0  }
0xd1: {  	s1 =	simm.s32 @!p0 $0x4E00;
	s15 =	simm.s32 @!p0 $0x4F00;
	[sflag:s31] =	ssyncadd.s32 $0xFFFFF800  }
0xd2: {  	[tilespmem:s15], [sflag:$0x1] =	stream.indirect.gather @!p0 [hbm4b:s4+s0], $0x10, s1, s0, $0xb8;
	[tilespmem:$0xA700] =	vst v63  }
0xd3: {  	s1 =	simm.s32 @!p0 $0x1  }
0xd4: {  	_ =	swait.ge @!p0 [sflag:s1], $0x800  }
0xd5: {  	[sflag:s1] =	ssyncset.done @!p0 $0x0  }
0xd6: {  	[sflag:s1] =	ssyncadd.s32 @!p0 $0xFFFFF800;
	s1 =	simm.s32 @!p0 $0x4E80  }
0xd7: {  	[spmem:s2] =	stream.indirect.scatter.add.f32 @!p0 [tilespmem:s15], [sflag:$0x7], $0x10, s1, s0, $0xb8;
	[tilespmem:$0xA700] =	vst v63  }
0xd8: {  	s0 =	simm.s32 @!p0 $0x7  }
0xd9: {  	_ =	swait.ge @!p0 [sflag:s0], $0x800  }
0xda: {  	s23 =	sadd.s32 $0x1, s23;
	[sflag:s0] =	ssyncset.done @!p0 $0x0  }
0xdb: {  	p1 =	sne.s32 s23, s9;
	[sflag:s0] =	ssyncadd.s32 @!p0 $0xFFFFF800  }
.Ltmp1:
0xdc: {  	[bflag:$0x0] =	sbarrier.arrive $0xFFFF;
	(pc) =	sbr.rel @p1 .LBB2_1-.Ltmp1, $4  }
0xdd: {  	[hbm:s8], [sflag:s11] =	dma.local [spmem:s12], $0x500  }
0xde: {  	_ =	swait.ge [sflag:s10], $0x500  }
0xdf: {  	[sflag:s10] =	ssyncset.done $0x0  }
0xe0: {  	[sflag:s10] =	ssyncadd.s32 $0xFFFFFB00  }
0xe1: {  	_ =	sfence.sel $0x180000  }
0xe2: {  	[bflag:$0x0] =	sbarrier.arrive $0xFFFF  }
0xe3: {  	_ =	strace $0x9000004A  }
0xe4: {  	s0 =	stileid.u32;
	[bflag:$0x2] =	sbarrier.arrive $0xFFFF  }
0xe5: {  	p0 =	sne.s32 s0, $0x0;
	s0 =	rddreg [dreg:$0x4]  }
0xe6: {  	s0 =	sadd.s32 @!p0 $0x100000, s0  }
0xe7: {  	[sflag:s0] =	ssyncadd.tile.s32 @!p0 $0x1;
	_ =	shalt  }
.Lfunc_end2:
_tile_overlayer_lowered:
.L_overlay_start_2:
0xe8: {  	(tag) =	ssettag $0x2  }
0xe9: {  	s0 =	rddreg [dreg:$0x0];
	s2 =	stileid.u32  }
0xea: {  	s1 =	rddreg [dreg:$0x1];
	p0 =	sne.s32 s2, $0x0  }
0xeb: {  	s3 =	rddreg [dreg:$0x2];
	[bflag:$0x3] =	sbarrier.arrive $0xFFFF;
	s2 =	simm.s32 @!p0 $0x1C07  }
0xec: {  	[timem:s3], [sflag:s2] =	dma.local @!p0 [hbm:s0], s1  }
0xed: {  	s0 =	simm.s32 @!p0 $0x7  }
0xee: {  	_ =	swait.ge @!p0 [sflag:s0], s1  }
0xef: {  	s1 =	ssub.s32 @!p0 $0x0, s1;
	[sflag:s0] =	ssyncset.done @!p0 $0x0  }
0xf0: {  	[sflag:s0] =	ssyncadd.s32 @!p0 s1  }
0xf1: {  	[bflag:$0x3] =	sbarrier.arrive $0xFFFF  }
0xf2: {  	_ =	shalt  }

// kernel: kernel.16.cloned.1.call-start
scs
__scs_entry_jumppad:
0x0: {  	(pc) =	sbr.rel $0x88, $3  }
0x1: {  	(tag) =	ssettag $0x0;
	lr =	simm.s32 $0x1  }
0x2: {  	[smem:$0x3F99] =	sst lr;
	_ =	strace $0xD0000000  }
0x3: {  	_ = 	snop  }
0x4: {  	_ = 	snop  }
0x5: {  	_ = 	snop  }
0x6: {  	_ = 	snop  }
0x7: {  	_ = 	snop  }
__scs_overlays_trampoline_lowered:
0x8: {  	[smem:$0x3FA8] =	sst s0  }
0x9: {  	[smem:$0x3FA9] =	sst s1  }
0xa: {  	[smem:$0x3FAA] =	sst s2  }
0xb: {  	[smem:$0x3FAB] =	sst s3  }
0xc: {  	[smem:$0x3FAC] =	sst s4  }
0xd: {  	[smem:$0x3FAD] =	sst s5  }
0xe: {  	[smem:$0x3FAE] =	sst s6  }
0xf: {  	[smem:$0x3FAF] =	sst s7  }
0x10: {  	[smem:$0x3FB0] =	sst s8  }
0x11: {  	[smem:$0x3FB1] =	sst s9;
	s0 =	simm.s32 @!p0 $0x0  }
0x12: {  	s1 =	sld [smem:$0x3F97];
	s0 =	simm.s32 @p0 $0x1  }
0x13: {  	[smem:$0x3FB2] =	sst s0;
	s0 =	simm.s32 @!p1 $0x0  }
0x14: {  	s2 =	sld [smem:$0x3F96];
	s0 =	simm.s32 @p1 $0x1  }
0x15: {  	[smem:$0x3FB3] =	sst s0;
	s0 =	simm.s32 @!p2 $0x0  }
0x16: {  	s3 =	sld [smem:$0x3FDB];
	s0 =	simm.s32 @p2 $0x1  }
0x17: {  	s4 =	simm.s32 $0x1BF5;
	[smem:$0x3FB5] =	sst s0  }
0x18: {  	s0 =	sld [smem:$0x3F98];
	_ =	swait.ge [sflag:s4], $0x0  }
0x19: {  	s7 =	sld [smem:$0x3F99]  }
0x1a: {  	s8 =	sadd.s32 $0xFFFFE003, lr  }
0x1b: {  	s9 =	sadd.s32 $0xFFFFFEF7, lr;
	s5 =	simm.s32 $0xFFFFFFFF;
	p2 =	slt.u32 s8, $0xFFFFF086  }
0x1c: {  	p1 =	slt.u32 s9, $0xF7A;
	s5 =	simm.s32 @!p2 $0x0  }
0x1d: {  	s5 =	simm.s32 @p1 $0x1;
	p0 =	seq.s32 s7, s2  }
0x1e: {  	s7 =	smul.u32 @!p0 $0xF7A, s2;
	p2 =	seq.s32 @!p0 s5, $0x0  }
0x1f: {  	s9 =	smul.u32 $0xF7A, s1;
	s8 =	simm.s32 @!p0 $0x1BF5;
	p2 =	por !p2, p0  }
0x20: {  	[sflag:s8] =	ssyncset.s32 @!p0 $0xFFFFF086;
	s6 =	sadd.s32 @!p0 s3, s7;
	s7 =	simm.s32 @!p0 $0x108  }
0x21: {  	s3 =	sadd.s32 s3, s9;
	s6 =	sadd.s32 @!p0 $0x88, s6;
	s7 =	simm.s32 @p2 $0x1082  }
0x22: {  	[simem:s7], [sflag:s8] =	dma.local @!p0 [hbm:s6], $0xF7A  }
0x23: {  	s9 =	sor.u32 $0xD0000000, s2;
	s6 =	simm.s32 $0x108;
	_ =	swait.ge @!p0 [sflag:s8], $0x0  }
0x24: {  	s3 =	sadd.s32 $0x88, s3;
	s6 =	simm.s32 @!p1 $0x1082;
	[sflag:s4] =	ssyncset.s32 $0xFFFFF086  }
0x25: {  	[simem:s6], [sflag:s4] =	dma.local [hbm:s3], $0xF7A  }
0x26: {  	[smem:$0x3F99] =	sst s1;
	(tag) =	ssettag s2;
	_ =	strace s9  }
0x27: {  	s1 =	sld [smem:$0x3FA9]  }
0x28: {  	s2 =	sld [smem:$0x3FAA]  }
0x29: {  	s4 =	sld [smem:$0x3FAC]  }
0x2a: {  	p0 =	seq.s32 s5, $0x0;
	s5 =	sld [smem:$0x3FAD]  }
0x2b: {  	s6 =	sld [smem:$0x3FAE]  }
0x2c: {  	s7 =	sld [smem:$0x3FAF]  }
0x2d: {  	s3 =	simm.s32 $0x108;
	s8 =	sld [smem:$0x3FB0]  }
0x2e: {  	s3 =	simm.s32 @!p0 $0x1082;
	s9 =	sld [smem:$0x3FB1]  }
0x2f: {  	lr =	sadd.s32 s0, s3;
	s0 =	sld [smem:$0x3FA8]  }
0x30: {  	s3 =	sld [smem:$0x3FAB]  }
0x31: {  	[smem:$0x3FB4] =	sst s10  }
0x32: {  	s10 =	sld [smem:$0x3FB2];
	_ =	sdelay $0x3  }
0x33: {  	p0 =	seq.s32 s10, $0x1;
	s10 =	sld [smem:$0x3FB4];
	_ =	sdelay $0x3  }
0x34: {  	[smem:$0x3FB4] =	sst s10  }
0x35: {  	s10 =	sld [smem:$0x3FB3];
	_ =	sdelay $0x3  }
0x36: {  	p1 =	seq.s32 s10, $0x1;
	s10 =	sld [smem:$0x3FB4];
	_ =	sdelay $0x3  }
0x37: {  	[smem:$0x3FB4] =	sst s10  }
0x38: {  	s10 =	sld [smem:$0x3FB5]  }
0x39: {  	_ = 	snop;
	(pc) =	sbr.ind lr, $3  }
0x3a: {  	_ = 	snop  }
0x3b: {  	_ = 	snop  }
0x3c: {  	p2 =	seq.s32 s10, $0x1;
	s10 =	sld [smem:$0x3FB4]  }
0x3d: {  	_ =	shalt  }
0x3e: {  	_ =	shalt  }
0x3f: {  	_ =	shalt  }
0x40: {  	_ =	shalt  }
0x41: {  	_ =	shalt  }
0x42: {  	_ =	shalt  }
0x43: {  	_ =	shalt  }
0x44: {  	_ =	shalt  }
0x45: {  	_ =	shalt  }
0x46: {  	_ =	shalt  }
0x47: {  	_ =	shalt  }
0x48: {  	_ =	shalt  }
0x49: {  	_ =	shalt  }
0x4a: {  	_ =	shalt  }
0x4b: {  	_ =	shalt  }
0x4c: {  	_ =	shalt  }
0x4d: {  	_ =	shalt  }
0x4e: {  	_ =	shalt  }
0x4f: {  	_ =	shalt  }
0x50: {  	_ =	shalt  }
0x51: {  	_ =	shalt  }
0x52: {  	_ =	shalt  }
0x53: {  	_ =	shalt  }
0x54: {  	_ =	shalt  }
0x55: {  	_ =	shalt  }
0x56: {  	_ =	shalt  }
0x57: {  	_ =	shalt  }
0x58: {  	_ =	shalt  }
0x59: {  	_ =	shalt  }
0x5a: {  	_ =	shalt  }
0x5b: {  	_ =	shalt  }
0x5c: {  	_ =	shalt  }
0x5d: {  	_ =	shalt  }
0x5e: {  	_ =	shalt  }
0x5f: {  	_ =	shalt  }
0x60: {  	_ =	shalt  }
0x61: {  	_ =	shalt  }
0x62: {  	_ =	shalt  }
0x63: {  	_ =	shalt  }
0x64: {  	_ =	shalt  }
0x65: {  	_ =	shalt  }
0x66: {  	_ =	shalt  }
0x67: {  	_ =	shalt  }
0x68: {  	_ =	shalt  }
0x69: {  	_ =	shalt  }
0x6a: {  	_ =	shalt  }
0x6b: {  	_ =	shalt  }
0x6c: {  	_ =	shalt  }
0x6d: {  	_ =	shalt  }
0x6e: {  	_ =	shalt  }
0x6f: {  	_ =	shalt  }
0x70: {  	_ =	shalt  }
0x71: {  	_ =	shalt  }
0x72: {  	_ =	shalt  }
0x73: {  	_ =	shalt  }
0x74: {  	_ =	shalt  }
0x75: {  	_ =	shalt  }
0x76: {  	_ =	shalt  }
0x77: {  	_ =	shalt  }
0x78: {  	_ =	shalt  }
0x79: {  	_ =	shalt  }
0x7a: {  	_ =	shalt  }
0x7b: {  	_ =	shalt  }
0x7c: {  	_ =	shalt  }
0x7d: {  	_ =	shalt  }
0x7e: {  	_ =	shalt  }
0x7f: {  	_ =	shalt  }
0x80: {  	_ =	shalt  }
0x81: {  	_ =	shalt  }
0x82: {  	_ =	shalt  }
0x83: {  	_ =	shalt  }
0x84: {  	_ =	shalt  }
0x85: {  	_ =	shalt  }
0x86: {  	_ =	shalt  }
0x87: {  	_ =	shalt  }
.Lfunc_end0:
.L_simem_size_0:
called_computation.2_lowered:
.L_overlay_start_0:
0x88: {  	s2 =	sld [smem:$0x3FD9]  }
0x89: {  	s3 =	sld [smem:$0x3FFE];
	_ =	sdelay $0x1  }
0x8a: {  	s1 =	srdreg.scid  }
0x8b: {  	s0 =	sand.u32 $0x1, s1  }
0x8c: {  	s17 =	sshll.u32 s0, $0xA;
	s2 =	sadd.s32 s3, s2  }
0x8d: {  	s2 =	sadd.s32 s2, s17  }
0x8e: {  	[smem:$0x3FC0] =	sst s2  }
0x8f: {  	_ = 	snop  }
0x90: {  	s2 =	sld [smem:$0x3FC8]  }
0x91: {  	s18 =	sld [smem:$0x3FD0];
	(tm) =	ssettm $0x1  }
0x92: {  	s4 =	sld [smem:$0x3FFB];
	_ =	sdelay $0x3  }
0x93: {  	_ =	strace s4  }
0x94: {  	s4 =	sld [smem:$0x3FFC];
	_ =	sdelay $0x3  }
0x95: {  	_ =	strace s4  }
0x96: {  	s4 =	sld [smem:$0x3FFD];
	_ =	sdelay $0x3  }
0x97: {  	_ =	strace s4  }
0x98: {  	_ =	strace $0x8FFFFFFF  }
0x99: {  	s19 =	sld [smem:$0x3FDB];
	_ =	sdelay $0x1  }
0x9a: {  	s5 =	simm.s32 $_scs_section_size  }
0x9b: {  	s6 =	simm.s32 $_size__tile_overlayer_lowered;
	s7 =	simm.s32 $_tile_overlayer_lowered  }
0x9c: {  	s22 =	simm.s32 $0x1BFF;
	s21 =	sshll.u32 s7, $0x1;
	s4 =	sadd.s32 s5, s19  }
0x9d: {  	s8 =	simm.s32 $0x0;
	s20 =	sshll.u32 s6, $0x1;
	s6 =	sadd.s32 s21, s4  }
0x9e: {  	[timem:s8], [sflag:s22] =	dma.local [hbm:s6], s20  }
0x9f: {  	_ =	swait.ge [sflag:s22], s20  }
0xa0: {  	s5 =	ssub.s32 $0x0, s20;
	[sflag:s22] =	ssyncset.done $0x0  }
0xa1: {  	[sflag:s22] =	ssyncadd.s32 s5;
	_ =	sdelay $0x1  }
0xa2: {  	s23 =	simm.s32 $0x1B8B  }
0xa3: {  	_ =	swait.ge [sflag:s23], $0x1  }
0xa4: {  	[sflag:s23] =	ssyncset.done $0x0  }
0xa5: {  	s25 =	simm.s32 $0x1B8E;
	s24 =	sld [smem:$0x3FFE];
	[sflag:s23] =	ssyncadd.s32 $0xFFFFFFFF  }
0xa6: {  	s26 =	simm.s32 $execute0_lowered;
	[smem:$0x3FD2] =	sst s25  }
0xa7: {  	s6 =	sshll.u32 s26, $0x1;
	_ =	strace $0x8000004C;
	[dreg:$0x1] =	wrdreg $0xFFFFFFFF  }
0xa8: {  	s28 =	simm.s32 $_size_execute0_lowered;
	s4 =	sadd.s32 s4, s6;
	[dreg:$0x0] =	wrdreg $0x0  }
0xa9: {  	s6 =	sshll.u32 s28, $0x1;
	[dreg:$0x2] =	wrdreg s4  }
0xaa: {  	[dreg:$0x3] =	wrdreg s6  }
0xab: {  	[dreg:$0x4] =	wrdreg $0xC0  }
0xac: {  	_ =	task [dreg:s8], $0x5FFFF  }
0xad: {  	[dreg:$0x1] =	wrdreg $0xFFFFFFFF  }
0xae: {  	[dreg:$0x0] =	wrdreg $0x60  }
0xaf: {  	[dreg:$0x2] =	wrdreg s24  }
0xb0: {  	[dreg:$0x3] =	wrdreg s2  }
0xb1: {  	[dreg:$0x4] =	wrdreg s18  }
0xb2: {  	[dreg:$0x5] =	wrdreg $0x7F000  }
0xb3: {  	[dreg:$0x6] =	wrdreg $0x9  }
0xb4: {  	_ =	task.clear_ibuf [dreg:s8], $0x7FFFF;
	_ =	strace $0x9000004C  }
0xb5: {  	s29 =	simm.s32 $0x9;
	_ =	strace $0x8000004E  }
0xb6: {  	_ =	swait.ge [sflag:s29], $0x1  }
0xb7: {  	[sflag:s29] =	ssyncadd.s32 $0xFFFFFFFF  }
0xb8: {  	_ =	strace $0x9000004E  }
0xb9: {  	_ =	sfence  }
0xba: {  	s30 =	sld [smem:$0x0];
	_ =	sdelay $0x2  }
0xbb: {  	s31 =	sshll.u32 s1, $0xD;
	s1 =	sshrl.u32 s1, $0x2  }
0xbc: {  	s3 =	sand.u32 $0x4000, s31;
	s1 =	sadd.s32 s1, s30  }
0xbd: {  	s0 =	sor.u32 s3, s0;
	s1 =	sshll.u32 s1, $0x11  }
0xbe: {  	s0 =	sor.u32 s1, s0  }
0xbf: {  	s0 =	sadd.s32 $0x8F2B, s0  }
0xc0: {  	[sflag:s0] =	ssyncadd.remote.s32 $0x1  }
0xc1: {  	_ =	sfence.sel $0xFFFF  }
0xc2: {  	[dreg:$0x0] =	wrdreg $0xFFFFFFFF;
	(pc) =	sbr.abs _section_cstart, $3  }
0xc3: {  	[dreg:$0x1] =	wrdreg $0xFFFFFFFF  }
0xc4: {  	_ =	task.clear_ibuf [dreg:s8], $0x2FFFF;
	_ =	strace $0x9FFFFFFF  }
0xc5: {  	(tm) =	ssettm $0x7FFFFFFF  }
tec
execute0_lowered:
.L_overlay_start_1:
0x0: {  	(tag) =	ssettag $0x1  }
0x1: {  	s0 =	rddreg [dreg:$0x0]  }
0x2: {  	s1 =	rddreg [dreg:$0x1]  }
0x3: {  	s8 =	rddreg [dreg:$0x2]  }
0x4: {  	s2 =	rddreg [dreg:$0x3]  }
0x5: {  	s13 =	stileid.u32;
	s4 =	srdreg.scid  }
0x6: {  	s3 =	simm.s32 $0x0;
	s14 =	simm.s32 $0x4F00;
	s16 =	simm.s32 $0x5700  }
0x7: {  	s18 =	simm.s32 $0x5F00;
	s20 =	simm.s32 $0x6700;
	s28 =	simm.s32 $0x3  }
0x8: {  	s29 =	simm.s32 $0x4;
	s30 =	simm.s32 $0x5;
	s31 =	simm.s32 $0x6  }
0x9: {  	s17 =	simm.s32 $0x4B80;
	s19 =	simm.s32 $0x4C80;
	s5 =	sand.u32 $0x1, s4  }
0xa: {  	s21 =	sshll.u32 s13, $0x1;
	[smem:$0x7FF] =	sst s3;
	s7 =	smul.u32 $0x2800, s13  }
0xb: {  	s4 =	sadd.s32 $0x7E00, s0;
	p0 =	sgt.u32 s13, $0x1;
	s26 =	sshll.u32 s13, $0x6  }
0xc: {  	s13 =	simm.s32 $0x80;
	s6 =	sor.u32 s5, s21;
	_ =	strace $0x8000004D  }
0xd: {  	s11 =	ssub.s32 $0x2, s5;
	s22 =	smul.u32 $0x28000, s5;
	s21 =	simm.s32 $0x4D80  }
0xe: {  	s9 =	smul.u32 $0x4E, s6;
	s10 =	sshrl.u32 s7, $0x3;
	s6 =	smin.u32 s6, $0x4  }
0xf: {  	s23 =	sshrl.u32 s11, $0x1;
	s12 =	sadd.s32 s7, s2;
	s0 =	sadd.s32 s10, s0  }
0x10: {  	s24 =	ssub.s32 s11, s23;
	s25 =	sadd.s32 s7, s22;
	s10 =	simm.s32 $0x7  }
0x11: {  	s11 =	sor.u32 $0x1C07, s26;
	s12 =	sshrl.u32 s12, $0x3;
	s22 =	simm.s32 $0x6F00  }
0x12: {  	s26 =	simm.s32 $0x2;
	s23 =	simm.s32 $0x0;
	s6 =	sadd.s32 s6, s9  }
0x13: {  	s7 =	sadd.s32 $0x2E00, s0;
	s9 =	smax.u32 s24, $0x1;
	s6 =	sshll.u32 s6, $0x5  }
0x14: {  	s24 =	simm.s32 $0x7700;
	s5 =	sadd.s32 s1, s6;
	s1 =	sshrl.u32 s25, $0x3  }
0x15: {  	s25 =	simm.s32 $0x1;
	s6 =	sadd.s32 $0x9C0, s5;
	s8 =	sadd.s32 s8, s1  }
.LBB2_1:
0x16: {  	[tilespmem:s3], [sflag:$0x7] =	stream.linear.gather [hbm4b:s5+s3], $0x4E00, $0x38;
	[tilespmem:$0xA700] =	vst v63  }
0x17: {  	_ =	swait.ge [sflag:s10], $0x4E00  }
0x18: {  	[sflag:s10] =	ssyncset.done $0x0  }
0x19: {  	s0 =	simm.s32 @!p0 $0x0;
	s1 =	simm.s32 @!p0 $0x4E00;
	[sflag:s10] =	ssyncadd.s32 $0xFFFFB200  }
0x1a: {  	[tilespmem:s1], [sflag:$0x7] =	stream.linear.gather @!p0 [hbm4b:s6+s0], $0x100, $0x38;
	[tilespmem:$0xA700] =	vst v63  }
0x1b: {  	s0 =	simm.s32 @!p0 $0x7  }
0x1c: {  	_ =	swait.ge @!p0 [sflag:s0], $0x100  }
0x1d: {  	[sflag:s0] =	ssyncset.done @!p0 $0x0  }
0x1e: {  	[sflag:s0] =	ssyncadd.s32 @!p0 $0xFFFFFF00  }
0x1f: {  	[spmem:s12], [sflag:s11] =	dma.local [hbm:s7], $0x500  }
0x20: {  	_ =	swait.ge [sflag:s10], $0x500  }
0x21: {  	[sflag:s10] =	ssyncset.done $0x0  }
0x22: {  	[sflag:s10] =	ssyncadd.s32 $0xFFFFFB00  }
0x23: {  	[bflag:$0x0] =	sbarrier.arrive $0xFFFF  }
0x24: {  	[tilespmem:s14], [sflag:$0x1] =	stream.indirect.gather [hbm4b:s4+s13], $0x10, s3, s13, $0xb8;
	[tilespmem:$0xA700] =	vst v63  }
0x25: {  	s1 =	simm.s32 $0x100  }
0x26: {  	[tilespmem:s16], [sflag:$0x2] =	stream.indirect.gather [hbm4b:s4+s13], $0x10, s1, s13, $0xb8;
	[tilespmem:$0xA700] =	vst v63  }
0x27: {  	s15 =	simm.s32 $0x200  }
0x28: {  	[tilespmem:s18], [sflag:$0x3] =	stream.indirect.gather [hbm4b:s4+s13], $0x10, s15, s13, $0xb8;
	[tilespmem:$0xA700] =	vst v63  }
0x29: {  	s1 =	simm.s32 $0x300  }
0x2a: {  	[tilespmem:s20], [sflag:$0x4] =	stream.indirect.gather [hbm4b:s4+s13], $0x10, s1, s13, $0xb8;
	[tilespmem:$0xA700] =	vst v63  }
0x2b: {  	s15 =	simm.s32 $0x400  }
0x2c: {  	[tilespmem:s22], [sflag:$0x5] =	stream.indirect.gather [hbm4b:s4+s13], $0x10, s15, s13, $0xb8;
	[tilespmem:$0xA700] =	vst v63  }
0x2d: {  	s1 =	simm.s32 $0x500  }
0x2e: {  	[tilespmem:s24], [sflag:$0x6] =	stream.indirect.gather [hbm4b:s4+s13], $0x10, s1, s13, $0xb8;
	[tilespmem:$0xA700] =	vst v63  }
0x2f: {  	_ =	swait.ge [sflag:s25], $0x800  }
0x30: {  	[sflag:s25] =	ssyncset.done $0x0  }
0x31: {  	s15 =	simm.s32 $0x80;
	[sflag:s25] =	ssyncadd.s32 $0xFFFFF800  }
0x32: {  	[spmem:s2] =	stream.indirect.scatter.add.f32 [tilespmem:s14], [sflag:$0x7], $0x10, s15, s13, $0xb8;
	[tilespmem:$0xA700] =	vst v63  }
0x33: {  	_ =	swait.ge [sflag:s10], $0x800  }
0x34: {  	[sflag:s10] =	ssyncset.done $0x0  }
0x35: {  	s1 =	simm.s32 $0x600;
	[sflag:s10] =	ssyncadd.s32 $0xFFFFF800  }
0x36: {  	[tilespmem:s14], [sflag:$0x1] =	stream.indirect.gather [hbm4b:s4+s13], $0x10, s1, s13, $0xb8;
	[tilespmem:$0xA700] =	vst v63  }
0x37: {  	_ =	swait.ge [sflag:s26], $0x800  }
0x38: {  	[sflag:s26] =	ssyncset.done $0x0  }
0x39: {  	s15 =	simm.s32 $0x180;
	[sflag:s26] =	ssyncadd.s32 $0xFFFFF800  }
0x3a: {  	[spmem:s2] =	stream.indirect.scatter.add.f32 [tilespmem:s16], [sflag:$0x7], $0x10, s15, s13, $0xb8;
	[tilespmem:$0xA700] =	vst v63  }
0x3b: {  	_ =	swait.ge [sflag:s10], $0x800  }
0x3c: {  	[sflag:s10] =	ssyncset.done $0x0  }
0x3d: {  	s1 =	simm.s32 $0x700;
	[sflag:s10] =	ssyncadd.s32 $0xFFFFF800  }
0x3e: {  	[tilespmem:s16], [sflag:$0x2] =	stream.indirect.gather [hbm4b:s4+s13], $0x10, s1, s13, $0xb8;
	[tilespmem:$0xA700] =	vst v63  }
0x3f: {  	_ =	swait.ge [sflag:s28], $0x800  }
0x40: {  	[sflag:s28] =	ssyncset.done $0x0  }
0x41: {  	s15 =	simm.s32 $0x280;
	[sflag:s28] =	ssyncadd.s32 $0xFFFFF800  }
0x42: {  	[spmem:s2] =	stream.indirect.scatter.add.f32 [tilespmem:s18], [sflag:$0x7], $0x10, s15, s13, $0xb8;
	[tilespmem:$0xA700] =	vst v63  }
0x43: {  	_ =	swait.ge [sflag:s10], $0x800  }
0x44: {  	[sflag:s10] =	ssyncset.done $0x0  }
0x45: {  	s1 =	simm.s32 $0x800;
	[sflag:s10] =	ssyncadd.s32 $0xFFFFF800  }
0x46: {  	[tilespmem:s18], [sflag:$0x3] =	stream.indirect.gather [hbm4b:s4+s13], $0x10, s1, s13, $0xb8;
	[tilespmem:$0xA700] =	vst v63  }
0x47: {  	_ =	swait.ge [sflag:s29], $0x800  }
0x48: {  	[sflag:s29] =	ssyncset.done $0x0  }
0x49: {  	s15 =	simm.s32 $0x380;
	[sflag:s29] =	ssyncadd.s32 $0xFFFFF800  }
0x4a: {  	[spmem:s2] =	stream.indirect.scatter.add.f32 [tilespmem:s20], [sflag:$0x7], $0x10, s15, s13, $0xb8;
	[tilespmem:$0xA700] =	vst v63  }
0x4b: {  	_ =	swait.ge [sflag:s10], $0x800  }
0x4c: {  	[sflag:s10] =	ssyncset.done $0x0  }
0x4d: {  	s1 =	simm.s32 $0x900;
	[sflag:s10] =	ssyncadd.s32 $0xFFFFF800  }
0x4e: {  	[tilespmem:s20], [sflag:$0x4] =	stream.indirect.gather [hbm4b:s4+s13], $0x10, s1, s13, $0xb8;
	[tilespmem:$0xA700] =	vst v63  }
0x4f: {  	_ =	swait.ge [sflag:s30], $0x800  }
0x50: {  	[sflag:s30] =	ssyncset.done $0x0  }
0x51: {  	s15 =	simm.s32 $0x480;
	[sflag:s30] =	ssyncadd.s32 $0xFFFFF800  }
0x52: {  	[spmem:s2] =	stream.indirect.scatter.add.f32 [tilespmem:s22], [sflag:$0x7], $0x10, s15, s13, $0xb8;
	[tilespmem:$0xA700] =	vst v63  }
0x53: {  	_ =	swait.ge [sflag:s10], $0x800  }
0x54: {  	[sflag:s10] =	ssyncset.done $0x0  }
0x55: {  	s1 =	simm.s32 $0xA00;
	[sflag:s10] =	ssyncadd.s32 $0xFFFFF800  }
0x56: {  	[tilespmem:s22], [sflag:$0x5] =	stream.indirect.gather [hbm4b:s4+s13], $0x10, s1, s13, $0xb8;
	[tilespmem:$0xA700] =	vst v63  }
0x57: {  	_ =	swait.ge [sflag:s31], $0x800  }
0x58: {  	[sflag:s31] =	ssyncset.done $0x0  }
0x59: {  	s15 =	simm.s32 $0x580;
	[sflag:s31] =	ssyncadd.s32 $0xFFFFF800  }
0x5a: {  	[spmem:s2] =	stream.indirect.scatter.add.f32 [tilespmem:s24], [sflag:$0x7], $0x10, s15, s13, $0xb8;
	[tilespmem:$0xA700] =	vst v63  }
0x5b: {  	_ =	swait.ge [sflag:s10], $0x800  }
0x5c: {  	[sflag:s10] =	ssyncset.done $0x0  }
0x5d: {  	s0 =	simm.s32 $0x1800;
	s1 =	simm.s32 $0xB00;
	[sflag:s10] =	ssyncadd.s32 $0xFFFFF800  }
.LBB2_2:
0x5e: {  	[tilespmem:s24], [sflag:$0x6] =	stream.indirect.gather [hbm4b:s4+s13], $0x10, s1, s13, $0xb8;
	[tilespmem:$0xA700] =	vst v63  }
0x5f: {  	s1 =	smov.u32 s0  }
0x60: {  	p1 =	sne.s32 s0, $0x10800;
	s0 =	sadd.s32 $0x1800, s0;
	_ =	swait.ge [sflag:s25], $0x800  }
0x61: {  	s1 =	sshra.s32 s1, $0x2;
	[sflag:s25] =	ssyncset.done $0x0  }
0x62: {  	s15 =	sadd.s32 $0x80, s1;
	[sflag:s25] =	ssyncadd.s32 $0xFFFFF800  }
0x63: {  	[spmem:s2] =	stream.indirect.scatter.add.f32 [tilespmem:s14], [sflag:$0x7], $0x10, s15, s13, $0xb8;
	[tilespmem:$0xA700] =	vst v63  }
0x64: {  	_ =	swait.ge [sflag:s10], $0x800  }
0x65: {  	[sflag:s10] =	ssyncset.done $0x0  }
0x66: {  	s15 =	sadd.s32 $0x600, s1;
	[sflag:s10] =	ssyncadd.s32 $0xFFFFF800  }
0x67: {  	[tilespmem:s14], [sflag:$0x1] =	stream.indirect.gather [hbm4b:s4+s13], $0x10, s15, s13, $0xb8;
	[tilespmem:$0xA700] =	vst v63  }
0x68: {  	_ =	swait.ge [sflag:s26], $0x800  }
0x69: {  	[sflag:s26] =	ssyncset.done $0x0  }
0x6a: {  	s15 =	sadd.s32 $0x180, s1;
	[sflag:s26] =	ssyncadd.s32 $0xFFFFF800  }
0x6b: {  	[spmem:s2] =	stream.indirect.scatter.add.f32 [tilespmem:s16], [sflag:$0x7], $0x10, s15, s13, $0xb8;
	[tilespmem:$0xA700] =	vst v63  }
0x6c: {  	_ =	swait.ge [sflag:s10], $0x800  }
0x6d: {  	[sflag:s10] =	ssyncset.done $0x0  }
0x6e: {  	s15 =	sadd.s32 $0x700, s1;
	[sflag:s10] =	ssyncadd.s32 $0xFFFFF800  }
0x6f: {  	[tilespmem:s16], [sflag:$0x2] =	stream.indirect.gather [hbm4b:s4+s13], $0x10, s15, s13, $0xb8;
	[tilespmem:$0xA700] =	vst v63  }
0x70: {  	_ =	swait.ge [sflag:s28], $0x800  }
0x71: {  	[sflag:s28] =	ssyncset.done $0x0  }
0x72: {  	s15 =	sadd.s32 $0x280, s1;
	[sflag:s28] =	ssyncadd.s32 $0xFFFFF800  }
0x73: {  	[spmem:s2] =	stream.indirect.scatter.add.f32 [tilespmem:s18], [sflag:$0x7], $0x10, s15, s13, $0xb8;
	[tilespmem:$0xA700] =	vst v63  }
0x74: {  	_ =	swait.ge [sflag:s10], $0x800  }
0x75: {  	[sflag:s10] =	ssyncset.done $0x0  }
0x76: {  	s15 =	sadd.s32 $0x800, s1;
	[sflag:s10] =	ssyncadd.s32 $0xFFFFF800  }
0x77: {  	[tilespmem:s18], [sflag:$0x3] =	stream.indirect.gather [hbm4b:s4+s13], $0x10, s15, s13, $0xb8;
	[tilespmem:$0xA700] =	vst v63  }
0x78: {  	_ =	swait.ge [sflag:s29], $0x800  }
0x79: {  	[sflag:s29] =	ssyncset.done $0x0  }
0x7a: {  	s15 =	sadd.s32 $0x380, s1;
	[sflag:s29] =	ssyncadd.s32 $0xFFFFF800  }
0x7b: {  	[spmem:s2] =	stream.indirect.scatter.add.f32 [tilespmem:s20], [sflag:$0x7], $0x10, s15, s13, $0xb8;
	[tilespmem:$0xA700] =	vst v63  }
0x7c: {  	_ =	swait.ge [sflag:s10], $0x800  }
0x7d: {  	[sflag:s10] =	ssyncset.done $0x0  }
0x7e: {  	s15 =	sadd.s32 $0x900, s1;
	[sflag:s10] =	ssyncadd.s32 $0xFFFFF800  }
0x7f: {  	[tilespmem:s20], [sflag:$0x4] =	stream.indirect.gather [hbm4b:s4+s13], $0x10, s15, s13, $0xb8;
	[tilespmem:$0xA700] =	vst v63  }
0x80: {  	_ =	swait.ge [sflag:s30], $0x800  }
0x81: {  	[sflag:s30] =	ssyncset.done $0x0  }
0x82: {  	s15 =	sadd.s32 $0x480, s1;
	[sflag:s30] =	ssyncadd.s32 $0xFFFFF800  }
0x83: {  	[spmem:s2] =	stream.indirect.scatter.add.f32 [tilespmem:s22], [sflag:$0x7], $0x10, s15, s13, $0xb8;
	[tilespmem:$0xA700] =	vst v63  }
0x84: {  	_ =	swait.ge [sflag:s10], $0x800  }
0x85: {  	[sflag:s10] =	ssyncset.done $0x0  }
0x86: {  	s15 =	sadd.s32 $0xA00, s1;
	[sflag:s10] =	ssyncadd.s32 $0xFFFFF800  }
0x87: {  	[tilespmem:s22], [sflag:$0x5] =	stream.indirect.gather [hbm4b:s4+s13], $0x10, s15, s13, $0xb8;
	[tilespmem:$0xA700] =	vst v63  }
0x88: {  	_ =	swait.ge [sflag:s31], $0x800  }
0x89: {  	[sflag:s31] =	ssyncset.done $0x0  }
.Ltmp0:
0x8a: {  	s15 =	sadd.s32 $0x580, s1;
	[sflag:s31] =	ssyncadd.s32 $0xFFFFF800;
	(pc) =	sbr.rel @p1 .LBB2_2-.Ltmp0, $4  }
0x8b: {  	[spmem:s2] =	stream.indirect.scatter.add.f32 [tilespmem:s24], [sflag:$0x7], $0x10, s15, s13, $0xb8;
	[tilespmem:$0xA700] =	vst v63  }
0x8c: {  	_ =	swait.ge [sflag:s10], $0x800  }
0x8d: {  	[sflag:s10] =	ssyncset.done $0x0  }
0x8e: {  	s1 =	sadd.s32 $0xB00, s1;
	[sflag:s10] =	ssyncadd.s32 $0xFFFFF800  }
0x8f: {  	[tilespmem:s24], [sflag:$0x6] =	stream.indirect.gather [hbm4b:s4+s13], $0x10, s1, s13, $0xb8;
	[tilespmem:$0xA700] =	vst v63  }
0x90: {  	_ =	swait.ge [sflag:s25], $0x800  }
0x91: {  	[sflag:s25] =	ssyncset.done $0x0  }
0x92: {  	s0 =	simm.s32 $0x4880;
	[sflag:s25] =	ssyncadd.s32 $0xFFFFF800  }
0x93: {  	[spmem:s2] =	stream.indirect.scatter.add.f32 [tilespmem:s14], [sflag:$0x7], $0x10, s0, s13, $0xb8;
	[tilespmem:$0xA700] =	vst v63  }
0x94: {  	_ =	swait.ge [sflag:s10], $0x800  }
0x95: {  	[sflag:s10] =	ssyncset.done $0x0  }
0x96: {  	[sflag:s10] =	ssyncadd.s32 $0xFFFFF800  }
0x97: {  	[tilespmem:s14], [sflag:$0x1] =	stream.indirect.gather [hbm4b:s4+s13], $0x10, s3, s13, $0xb8;
	[tilespmem:$0xA700] =	vst v63  }
0x98: {  	_ =	swait.ge [sflag:s26], $0x800  }
0x99: {  	[sflag:s26] =	ssyncset.done $0x0  }
0x9a: {  	s1 =	simm.s32 $0x4980;
	[sflag:s26] =	ssyncadd.s32 $0xFFFFF800  }
0x9b: {  	[spmem:s2] =	stream.indirect.scatter.add.f32 [tilespmem:s16], [sflag:$0x7], $0x10, s1, s13, $0xb8;
	[tilespmem:$0xA700] =	vst v63  }
0x9c: {  	_ =	swait.ge [sflag:s10], $0x800  }
0x9d: {  	[sflag:s10] =	ssyncset.done $0x0  }
0x9e: {  	[sflag:s10] =	ssyncadd.s32 $0xFFFFF800  }
0x9f: {  	[tilespmem:s16], [sflag:$0x2] =	stream.indirect.gather [hbm4b:s4+s13], $0x10, s3, s13, $0xb8;
	[tilespmem:$0xA700] =	vst v63  }
0xa0: {  	_ =	swait.ge [sflag:s28], $0x800  }
0xa1: {  	[sflag:s28] =	ssyncset.done $0x0  }
0xa2: {  	s15 =	simm.s32 $0x4A80;
	[sflag:s28] =	ssyncadd.s32 $0xFFFFF800  }
0xa3: {  	[spmem:s2] =	stream.indirect.scatter.add.f32 [tilespmem:s18], [sflag:$0x7], $0x10, s15, s13, $0xb8;
	[tilespmem:$0xA700] =	vst v63  }
0xa4: {  	_ =	swait.ge [sflag:s10], $0x800  }
0xa5: {  	[sflag:s10] =	ssyncset.done $0x0  }
0xa6: {  	[sflag:s10] =	ssyncadd.s32 $0xFFFFF800  }
0xa7: {  	[tilespmem:s18], [sflag:$0x3] =	stream.indirect.gather [hbm4b:s4+s13], $0x10, s3, s13, $0xb8;
	[tilespmem:$0xA700] =	vst v63  }
0xa8: {  	_ =	swait.ge [sflag:s29], $0x800  }
0xa9: {  	[sflag:s29] =	ssyncset.done $0x0  }
0xaa: {  	[sflag:s29] =	ssyncadd.s32 $0xFFFFF800  }
0xab: {  	[spmem:s2] =	stream.indirect.scatter.add.f32 [tilespmem:s20], [sflag:$0x7], $0x10, s17, s13, $0xb8;
	[tilespmem:$0xA700] =	vst v63  }
0xac: {  	_ =	swait.ge [sflag:s10], $0x800  }
0xad: {  	[sflag:s10] =	ssyncset.done $0x0  }
0xae: {  	[sflag:s10] =	ssyncadd.s32 $0xFFFFF800  }
0xaf: {  	[tilespmem:s20], [sflag:$0x4] =	stream.indirect.gather [hbm4b:s4+s13], $0x10, s3, s13, $0xb8;
	[tilespmem:$0xA700] =	vst v63  }
0xb0: {  	_ =	swait.ge [sflag:s30], $0x800  }
0xb1: {  	[sflag:s30] =	ssyncset.done $0x0  }
0xb2: {  	[sflag:s30] =	ssyncadd.s32 $0xFFFFF800  }
0xb3: {  	[spmem:s2] =	stream.indirect.scatter.add.f32 [tilespmem:s22], [sflag:$0x7], $0x10, s19, s13, $0xb8;
	[tilespmem:$0xA700] =	vst v63  }
0xb4: {  	_ =	swait.ge [sflag:s10], $0x800  }
0xb5: {  	[sflag:s10] =	ssyncset.done $0x0  }
0xb6: {  	[sflag:s10] =	ssyncadd.s32 $0xFFFFF800  }
0xb7: {  	[tilespmem:s22], [sflag:$0x5] =	stream.indirect.gather [hbm4b:s4+s13], $0x10, s3, s13, $0xb8;
	[tilespmem:$0xA700] =	vst v63  }
0xb8: {  	_ =	swait.ge [sflag:s31], $0x800  }
0xb9: {  	[sflag:s31] =	ssyncset.done $0x0  }
0xba: {  	[sflag:s31] =	ssyncadd.s32 $0xFFFFF800  }
0xbb: {  	[spmem:s2] =	stream.indirect.scatter.add.f32 [tilespmem:s24], [sflag:$0x7], $0x10, s21, s13, $0xb8;
	[tilespmem:$0xA700] =	vst v63  }
0xbc: {  	_ =	swait.ge [sflag:s10], $0x800  }
0xbd: {  	[sflag:s10] =	ssyncset.done $0x0  }
0xbe: {  	[sflag:s10] =	ssyncadd.s32 $0xFFFFF800  }
0xbf: {  	[tilespmem:s24], [sflag:$0x6] =	stream.indirect.gather [hbm4b:s4+s13], $0x10, s3, s13, $0xb8;
	[tilespmem:$0xA700] =	vst v63  }
0xc0: {  	_ =	swait.ge [sflag:s25], $0x800  }
0xc1: {  	[sflag:s25] =	ssyncset.done $0x0  }
0xc2: {  	[sflag:s25] =	ssyncadd.s32 $0xFFFFF800  }
0xc3: {  	_ =	swait.ge [sflag:s26], $0x800  }
0xc4: {  	[sflag:s26] =	ssyncset.done $0x0  }
0xc5: {  	[sflag:s26] =	ssyncadd.s32 $0xFFFFF800  }
0xc6: {  	_ =	swait.ge [sflag:s28], $0x800  }
0xc7: {  	[sflag:s28] =	ssyncset.done $0x0  }
0xc8: {  	[sflag:s28] =	ssyncadd.s32 $0xFFFFF800  }
0xc9: {  	_ =	swait.ge [sflag:s29], $0x800  }
0xca: {  	[sflag:s29] =	ssyncset.done $0x0  }
0xcb: {  	[sflag:s29] =	ssyncadd.s32 $0xFFFFF800  }
0xcc: {  	_ =	swait.ge [sflag:s30], $0x800  }
0xcd: {  	[sflag:s30] =	ssyncset.done $0x0  }
0xce: {  	[sflag:s30] =	ssyncadd.s32 $0xFFFFF800  }
0xcf: {  	_ =	swait.ge [sflag:s31], $0x800  }
0xd0: {  	s0 =	simm.s32 @!p0 $0x80;
	[sflag:s31] =	ssyncset.done $0x0  }
0xd1: {  	s1 =	simm.s32 @!p0 $0x4E00;
	s15 =	simm.s32 @!p0 $0x4F00;
	[sflag:s31] =	ssyncadd.s32 $0xFFFFF800  }
0xd2: {  	[tilespmem:s15], [sflag:$0x1] =	stream.indirect.gather @!p0 [hbm4b:s4+s0], $0x10, s1, s0, $0xb8;
	[tilespmem:$0xA700] =	vst v63  }
0xd3: {  	s1 =	simm.s32 @!p0 $0x1  }
0xd4: {  	_ =	swait.ge @!p0 [sflag:s1], $0x800  }
0xd5: {  	[sflag:s1] =	ssyncset.done @!p0 $0x0  }
0xd6: {  	[sflag:s1] =	ssyncadd.s32 @!p0 $0xFFFFF800;
	s1 =	simm.s32 @!p0 $0x4E80  }
0xd7: {  	[spmem:s2] =	stream.indirect.scatter.add.f32 @!p0 [tilespmem:s15], [sflag:$0x7], $0x10, s1, s0, $0xb8;
	[tilespmem:$0xA700] =	vst v63  }
0xd8: {  	s0 =	simm.s32 @!p0 $0x7  }
0xd9: {  	_ =	swait.ge @!p0 [sflag:s0], $0x800  }
0xda: {  	s23 =	sadd.s32 $0x1, s23;
	[sflag:s0] =	ssyncset.done @!p0 $0x0  }
0xdb: {  	p1 =	sne.s32 s23, s9;
	[sflag:s0] =	ssyncadd.s32 @!p0 $0xFFFFF800  }
.Ltmp1:
0xdc: {  	[bflag:$0x0] =	sbarrier.arrive $0xFFFF;
	(pc) =	sbr.rel @p1 .LBB2_1-.Ltmp1, $4  }
0xdd: {  	[hbm:s8], [sflag:s11] =	dma.local [spmem:s12], $0x500  }
0xde: {  	_ =	swait.ge [sflag:s10], $0x500  }
0xdf: {  	[sflag:s10] =	ssyncset.done $0x0  }
0xe0: {  	[sflag:s10] =	ssyncadd.s32 $0xFFFFFB00  }
0xe1: {  	_ =	sfence.sel $0x180000  }
0xe2: {  	[bflag:$0x0] =	sbarrier.arrive $0xFFFF  }
0xe3: {  	_ =	strace $0x9000004D  }
0xe4: {  	s0 =	stileid.u32;
	[bflag:$0x2] =	sbarrier.arrive $0xFFFF  }
0xe5: {  	p0 =	sne.s32 s0, $0x0;
	s0 =	rddreg [dreg:$0x4]  }
0xe6: {  	s0 =	sadd.s32 @!p0 $0x100000, s0  }
0xe7: {  	[sflag:s0] =	ssyncadd.tile.s32 @!p0 $0x1;
	_ =	shalt  }
.Lfunc_end2:
_tile_overlayer_lowered:
.L_overlay_start_2:
0xe8: {  	(tag) =	ssettag $0x2  }
0xe9: {  	s0 =	rddreg [dreg:$0x0];
	s2 =	stileid.u32  }
0xea: {  	s1 =	rddreg [dreg:$0x1];
	p0 =	sne.s32 s2, $0x0  }
0xeb: {  	s3 =	rddreg [dreg:$0x2];
	[bflag:$0x3] =	sbarrier.arrive $0xFFFF;
	s2 =	simm.s32 @!p0 $0x1C07  }
0xec: {  	[timem:s3], [sflag:s2] =	dma.local @!p0 [hbm:s0], s1  }
0xed: {  	s0 =	simm.s32 @!p0 $0x7  }
0xee: {  	_ =	swait.ge @!p0 [sflag:s0], s1  }
0xef: {  	s1 =	ssub.s32 @!p0 $0x0, s1;
	[sflag:s0] =	ssyncset.done @!p0 $0x0  }
0xf0: {  	[sflag:s0] =	ssyncadd.s32 @!p0 s1  }
0xf1: {  	[bflag:$0x3] =	sbarrier.arrive $0xFFFF  }
0xf2: {  	_ =	shalt  }

</sc_bundles>
